<compile_context>
chip_gen: v7x
topology: tpu7x:2x2x1
jax: 0.10.2.dev20260603
libtpu: 0.0.44.dev20260713+nightly
codegen_flags: <defaults>
</compile_context>

<pallas_src>
import functools

import jax
import jax.numpy as jnp
import numpy as np
from jax import lax
from jax.experimental import pallas as pl
from jax.experimental.pallas import tpu as pltpu
from jax.experimental.pallas import tpu_sc as plsc

_H = 128
_G_PAD = 512



def _sc_gather(table, idx, chunk):
    info = plsc.get_sparse_core_info()
    nw = info.num_cores * info.num_subcores
    b = idx.shape[0]
    d = table.shape[1]
    b_per_w = b // nw
    n_chunks = b_per_w // chunk
    mesh = plsc.VectorSubcoreMesh(core_axis_name="c", subcore_axis_name="s")

    @functools.partial(
        pl.kernel,
        mesh=mesh,
        out_type=jax.ShapeDtypeStruct((b, d), jnp.float32),
        scratch_types=[
            pltpu.VMEM((chunk,), jnp.int32),
            pltpu.VMEM((chunk, d), jnp.float32),
            pltpu.SemaphoreType.DMA,
        ],
    )
    def k(table_hbm, idx_hbm, out_hbm, idx_v, rows_v, sem):
        wid = lax.axis_index("s") * info.num_cores + lax.axis_index("c")
        base = wid * b_per_w

        def body(i, carry):
            off = base + i * chunk
            pltpu.sync_copy(idx_hbm.at[pl.ds(off, chunk)], idx_v)
            pltpu.async_copy(table_hbm.at[idx_v], rows_v, sem).wait()
            pltpu.sync_copy(rows_v, out_hbm.at[pl.ds(off, chunk)])
            return carry

        lax.fori_loop(0, n_chunks, body, 0)

    return k(table, idx)



def _build_schedule(dst_sorted, nrows, r, ch, nb):
    t = nrows // r
    s_max = nb + t
    bounds = jnp.arange(t + 1, dtype=jnp.int32) * r
    starts = jnp.searchsorted(dst_sorted, bounds).astype(jnp.int32)
    bs = starts[:-1] // ch
    be = (starts[1:] + ch - 1) // ch
    ns = jnp.maximum(be - bs, 1)
    off = jnp.concatenate([jnp.zeros((1,), jnp.int32), jnp.cumsum(ns, dtype=jnp.int32)])
    steps = jnp.arange(s_max, dtype=jnp.int32)
    t_of = jnp.clip(jnp.searchsorted(off, steps, side="right") - 1, 0, t - 1).astype(jnp.int32)
    k = steps - off[t_of]
    blk = jnp.clip(bs[t_of] + k, 0, nb - 1)
    real = steps < off[t]
    first = (k == 0) & real
    last = (k == ns[t_of] - 1) & real
    return jnp.stack([
        t_of,
        blk,
        first.astype(jnp.int32),
        last.astype(jnp.int32),
        real.astype(jnp.int32),
    ])



def _counts(gids, ch):
    if gids.shape[0] % ch != 0:
        ch = gids.shape[0]
    nbl = gids.shape[0] // ch
    g3 = gids.reshape(nbl * ch, 1)

    def body(g_ref, out_ref):
        s = pl.program_id(0)

        @pl.when(s == 0)
        def _():
            out_ref[...] = jnp.zeros_like(out_ref)

        g = g_ref[...]
        oh = (g == lax.broadcasted_iota(jnp.int32, (ch, _G_PAD), 1)).astype(jnp.float32)
        out_ref[...] += lax.dot_general(oh, jnp.ones((ch, 1), jnp.float32),
                                        (((0,), (0,)), ((), ())),
                                        preferred_element_type=jnp.float32)

    return pl.pallas_call(
        body,
        grid=(nbl,),
        in_specs=[pl.BlockSpec((ch, 1), lambda i: (i, 0))],
        out_specs=pl.BlockSpec((_G_PAD, 1), lambda i: (0, 0)),
        out_shape=jax.ShapeDtypeStruct((_G_PAD, 1), jnp.float32),
    )(g3)



def _edge_block(rows, ang_s, dst_s, bond_gids, edge_hidden, W_rbf, b_rbf,
                W1, b1, W2, b2, lng, lnb, rsq):
    e = rows.shape[0]
    nrows = edge_hidden.shape[0]
    ch = 1024
    r = 256
    nb = e // ch
    t = nrows // r
    s_max = nb + t
    sched = _build_schedule(dst_s, nrows, r, ch, nb)
    ang3 = ang_s.reshape(nb * ch, 1)
    dst3 = dst_s.reshape(nb * ch, 1)
    gid3 = bond_gids.reshape(t * r, 1)

    def body(sched_ref, rows_ref, ang_ref, dst_ref, gid_ref, res_ref,
             wrbf_ref, brbf_ref, w1_ref, b1_ref, w2_ref, b2_ref,
             lng_ref, lnb_ref, rsq_ref, out_ref, acc161):
        s = pl.program_id(0)
        tid = sched_ref[0, s]
        first = sched_ref[2, s]
        last = sched_ref[3, s]
        valid = sched_ref[4, s]

        @pl.when(first == 1)
        def _():
            acc161[...] = jnp.zeros_like(acc161)

        d = dst_ref[...]
        dloc = d - tid * r
        ok = (dloc >= 0) & (dloc < r) & (valid == 1)
        oh = ((dloc == lax.broadcasted_iota(jnp.int32, (ch, r), 1))
              & ok).astype(jnp.float32)
        ang = ang_ref[...]
        centers = lax.broadcasted_iota(jnp.int32, (1, 32), 1).astype(jnp.float32) * 0.1
        rbf = jnp.exp(-10.0 * (ang - centers) ** 2)
        cat = jnp.concatenate(
            [rows_ref[...], rbf, jnp.ones((ch, 1), jnp.float32)], axis=1)
        acc161[...] += lax.dot_general(oh, cat, (((0,), (0,)), ((), ())),
                                       preferred_element_type=jnp.float32)

        @pl.when(last == 1)
        def _():
            acc = acc161[...]
            a = (acc[:, :_H]
                 + jnp.dot(acc[:, _H:_H + 32], wrbf_ref[...],
                           preferred_element_type=jnp.float32)
                 + acc[:, _H + 32:_H + 33] * brbf_ref[...])
            h = jnp.maximum(jnp.dot(a, w1_ref[...], preferred_element_type=jnp.float32)
                            + b1_ref[...], 0.0)
            o = jnp.dot(h, w2_ref[...], preferred_element_type=jnp.float32) + b2_ref[...]
            m = jnp.mean(o, axis=1, keepdims=True)
            c = o - m
            v = jnp.mean(c * c, axis=1, keepdims=True)
            o = c * lax.rsqrt(v + 1e-5) * lng_ref[...] + lnb_ref[...]
            g = gid_ref[...]
            ohg = (g == lax.broadcasted_iota(jnp.int32, (r, _G_PAD), 1)
                   ).astype(jnp.float32)
            scale = jnp.dot(ohg, rsq_ref[...], preferred_element_type=jnp.float32)
            out_ref[...] = o * scale + res_ref[...]

    grid_spec = pltpu.PrefetchScalarGridSpec(
        num_scalar_prefetch=1,
        grid=(s_max,),
        in_specs=[
            pl.BlockSpec((ch, _H), lambda s, sc: (sc[1, s], 0)),
            pl.BlockSpec((ch, 1), lambda s, sc: (sc[1, s], 0)),
            pl.BlockSpec((ch, 1), lambda s, sc: (sc[1, s], 0)),
            pl.BlockSpec((r, 1), lambda s, sc: (sc[0, s], 0)),
            pl.BlockSpec((r, _H), lambda s, sc: (sc[0, s], 0)),
            pl.BlockSpec((32, _H), lambda s, sc: (0, 0)),
            pl.BlockSpec((1, _H), lambda s, sc: (0, 0)),
            pl.BlockSpec((_H, 2 * _H), lambda s, sc: (0, 0)),
            pl.BlockSpec((1, 2 * _H), lambda s, sc: (0, 0)),
            pl.BlockSpec((2 * _H, _H), lambda s, sc: (0, 0)),
            pl.BlockSpec((1, _H), lambda s, sc: (0, 0)),
            pl.BlockSpec((1, _H), lambda s, sc: (0, 0)),
            pl.BlockSpec((1, _H), lambda s, sc: (0, 0)),
            pl.BlockSpec((_G_PAD, 1), lambda s, sc: (0, 0)),
        ],
        out_specs=pl.BlockSpec((r, _H), lambda s, sc: (sc[0, s], 0)),
        scratch_shapes=[
            pltpu.VMEM((r, _H + 33), jnp.float32),
        ],
    )
    return pl.pallas_call(
        body,
        grid_spec=grid_spec,
        out_shape=jax.ShapeDtypeStruct((nrows, _H), jnp.float32),
    )(sched, rows, ang3, dst3, gid3, edge_hidden,
      W_rbf, b_rbf.reshape(1, -1), W1, b1.reshape(1, -1), W2, b2.reshape(1, -1),
      lng.reshape(1, -1), lnb.reshape(1, -1), rsq)



def _node_block(rows_a, rows_b, dst_s, atom_gids, node_hidden,
                W1, b1, W2, b2, lng, lnb, rsq, inv_cnt):
    e = rows_a.shape[0]
    nrows = node_hidden.shape[0]
    ch = 640
    r = 400
    nb = e // ch
    t = nrows // r
    s_max = nb + t
    sched = _build_schedule(dst_s, nrows, r, ch, nb)
    dst3 = dst_s.reshape(nb * ch, 1)
    gid3 = atom_gids.reshape(t * r, 1)

    def body(sched_ref, rowsa_ref, rowsb_ref, dst_ref, gid_ref, res_ref,
             w1_ref, b1_ref, w2_ref, b2_ref, lng_ref, lnb_ref, rsq_ref, inv_ref,
             out_ref, pool_ref, acc128):
        s = pl.program_id(0)
        tid = sched_ref[0, s]
        first = sched_ref[2, s]
        last = sched_ref[3, s]
        valid = sched_ref[4, s]

        @pl.when(s == 0)
        def _():
            pool_ref[...] = jnp.zeros_like(pool_ref)

        @pl.when(first == 1)
        def _():
            acc128[...] = jnp.zeros_like(acc128)

        d = dst_ref[...]
        dloc = d - tid * r
        ok = (dloc >= 0) & (dloc < r) & (valid == 1)
        oh = ((dloc == lax.broadcasted_iota(jnp.int32, (ch, r), 1))
              & ok).astype(jnp.float32)
        rows = rowsa_ref[...] + rowsb_ref[...]
        acc128[...] += lax.dot_general(oh, rows, (((0,), (0,)), ((), ())),
                                       preferred_element_type=jnp.float32)

        @pl.when(last == 1)
        def _():
            a = acc128[...]
            h = jnp.maximum(jnp.dot(a, w1_ref[...], preferred_element_type=jnp.float32)
                            + b1_ref[...], 0.0)
            o = jnp.dot(h, w2_ref[...], preferred_element_type=jnp.float32) + b2_ref[...]
            m = jnp.mean(o, axis=1, keepdims=True)
            c = o - m
            v = jnp.mean(c * c, axis=1, keepdims=True)
            o = c * lax.rsqrt(v + 1e-5) * lng_ref[...] + lnb_ref[...]
            g = gid_ref[...]
            ohg = (g == lax.broadcasted_iota(jnp.int32, (r, _G_PAD), 1)
                   ).astype(jnp.float32)
            scale = jnp.dot(ohg, rsq_ref[...], preferred_element_type=jnp.float32)
            o = o * scale + res_ref[...]
            out_ref[...] = o
            pool_ref[...] += lax.dot_general(ohg, o, (((0,), (0,)), ((), ())),
                                             preferred_element_type=jnp.float32)

        @pl.when(s == s_max - 1)
        def _():
            pool_ref[...] = pool_ref[...] * inv_ref[...]

    grid_spec = pltpu.PrefetchScalarGridSpec(
        num_scalar_prefetch=1,
        grid=(s_max,),
        in_specs=[
            pl.BlockSpec((ch, _H), lambda s, sc: (sc[1, s], 0)),
            pl.BlockSpec((ch, _H), lambda s, sc: (sc[1, s], 0)),
            pl.BlockSpec((ch, 1), lambda s, sc: (sc[1, s], 0)),
            pl.BlockSpec((r, 1), lambda s, sc: (sc[0, s], 0)),
            pl.BlockSpec((r, _H), lambda s, sc: (sc[0, s], 0)),
            pl.BlockSpec((_H, 2 * _H), lambda s, sc: (0, 0)),
            pl.BlockSpec((1, 2 * _H), lambda s, sc: (0, 0)),
            pl.BlockSpec((2 * _H, _H), lambda s, sc: (0, 0)),
            pl.BlockSpec((1, _H), lambda s, sc: (0, 0)),
            pl.BlockSpec((1, _H), lambda s, sc: (0, 0)),
            pl.BlockSpec((1, _H), lambda s, sc: (0, 0)),
            pl.BlockSpec((_G_PAD, 1), lambda s, sc: (0, 0)),
            pl.BlockSpec((_G_PAD, 1), lambda s, sc: (0, 0)),
        ],
        out_specs=[
            pl.BlockSpec((r, _H), lambda s, sc: (sc[0, s], 0)),
            pl.BlockSpec((_G_PAD, _H), lambda s, sc: (0, 0)),
        ],
        scratch_shapes=[pltpu.VMEM((r, _H), jnp.float32)],
    )
    return pl.pallas_call(
        body,
        grid_spec=grid_spec,
        out_shape=[
            jax.ShapeDtypeStruct((nrows, _H), jnp.float32),
            jax.ShapeDtypeStruct((_G_PAD, _H), jnp.float32),
        ],
    )(sched, rows_a, rows_b, dst3, gid3, node_hidden,
      W1, b1.reshape(1, -1), W2, b2.reshape(1, -1),
      lng.reshape(1, -1), lnb.reshape(1, -1), rsq, inv_cnt)


def kernel(node_hidden, edge_hidden, angle_feat, ab_edge_index, ba_edge_index,
           atom_graph_ids, bond_graph_ids, num_graphs, W_rbf, b_rbf,
           W1a, b1a, W2a, b2a, lng_a, lnb_a, W1n, b1n, W2n, b2n, lng_n, lnb_n):
    order1 = jnp.argsort(ba_edge_index[1])
    dst1 = ba_edge_index[1][order1]
    src1 = ba_edge_index[0][order1]
    ang1 = angle_feat[order1]
    order2 = jnp.argsort(ab_edge_index[1]).astype(jnp.int32)
    dst2 = ab_edge_index[1][order2]
    src2 = ab_edge_index[0][order2]

    gpad = jnp.arange(_G_PAD + 1, dtype=jnp.int32)
    bond_cnt = jnp.diff(jnp.searchsorted(bond_graph_ids, gpad)).astype(jnp.float32).reshape(_G_PAD, 1)
    atom_cnt = jnp.diff(jnp.searchsorted(atom_graph_ids, gpad)).astype(jnp.float32).reshape(_G_PAD, 1)
    rsq_b = lax.rsqrt(jnp.maximum(bond_cnt, 1.0))
    rsq_a = lax.rsqrt(jnp.maximum(atom_cnt, 1.0))
    inv_a = 1.0 / jnp.maximum(atom_cnt, 1.0)

    rows1 = _sc_gather(edge_hidden, src1, 400)
    edge_out = _edge_block(rows1, ang1, dst1, bond_graph_ids, edge_hidden,
                           W_rbf, b_rbf, W1a, b1a, W2a, b2a, lng_a, lnb_a, rsq_b)

    rows2a = _sc_gather(node_hidden, src2, 400)
    rows2b = _sc_gather(edge_out, order2, 400)
    node_out, pool = _node_block(rows2a, rows2b, dst2, atom_graph_ids, node_hidden,
                                 W1n, b1n, W2n, b2n, lng_n, lnb_n, rsq_a, inv_a)
    graph_repr = pool[:500]
    return (node_out, edge_out, graph_repr)

# --- scband reference (transcript-rebuilt; emitter-appended) ---
"""Pipeline reference for scband-gemconv-50972671869208 (READ-ONLY COPY).

The authoritative reference and input builder live on the scoring server;
editing this copy changes nothing except your own understanding.
"""

import jax, jax.numpy as jnp
import numpy as np


def _layernorm(x, g, b):
    m = jnp.mean(x, axis=-1, keepdims=True)
    v = jnp.var(x, axis=-1, keepdims=True)
    return (x - m) / jnp.sqrt(v + 1e-5) * g + b


def _gin(edge_index, node_feat, edge_feat, W1, b1, W2, b2):
    src = edge_index[0]
    dst = edge_index[1]
    msg = node_feat[src] + edge_feat
    agg = jax.ops.segment_sum(msg, dst, num_segments=node_feat.shape[0])
    h = jnp.maximum(agg @ W1 + b1, 0.0)
    return h @ W2 + b2


def _graph_norm(x, graph_ids, num_graphs):
    cnt = jax.ops.segment_sum(jnp.ones((x.shape[0],), x.dtype), graph_ids, num_segments=num_graphs)
    cnt = jnp.maximum(cnt, 1.0)
    return x * (1.0 / jnp.sqrt(cnt))[graph_ids][:, None]


def _block(edge_index, node_h, edge_h, W1, b1, W2, b2, lng, lnb, graph_ids, num_graphs):
    # GeoGNNBlock: GIN -> LayerNorm -> GraphNorm -> (no act) -> dropout(eval=id) -> residual
    out = _gin(edge_index, node_h, edge_h, W1, b1, W2, b2)
    out = _layernorm(out, lng, lnb)
    out = _graph_norm(out, graph_ids, num_graphs)
    return out + node_h


def _rbf_embed(x, W, b):
    # BondAngleFloatRBF: centers arange(0, pi, 0.1), gamma=10, then Linear(K, hidden)
    centers = jnp.arange(0.0, np.pi, 0.1, dtype=jnp.float32)
    gamma = 10.0
    r = jnp.exp(-gamma * (x[:, None] - centers[None, :]) ** 2)
    return r @ W + b


def setup_inputs(seed: int = 0):
    N = 10000
    E_AB = 320000
    E_BA = 640000
    H = 128
    G = 500
    K = 32  # len(arange(0, pi, 0.1))
    key = jax.random.key(seed)
    ks = jax.random.split(key, 24)
    inp = {}
    inp['node_hidden'] = jax.random.normal(ks[0], (N, H), jnp.float32)
    inp['edge_hidden'] = jax.random.normal(ks[1], (E_AB, H), jnp.float32)
    inp['angle_feat'] = jax.random.uniform(ks[2], (E_BA,), jnp.float32) * np.float32(np.pi)
    inp['ab_edge_index'] = jax.random.randint(ks[3], (2, E_AB), 0, N, dtype=jnp.int32)
    inp['ba_edge_index'] = jax.random.randint(ks[4], (2, E_BA), 0, E_AB, dtype=jnp.int32)
    inp['atom_graph_ids'] = jnp.sort(jax.random.randint(ks[5], (N,), 0, G, dtype=jnp.int32))
    inp['bond_graph_ids'] = jnp.sort(jax.random.randint(ks[6], (E_AB,), 0, G, dtype=jnp.int32))
    inp['num_graphs'] = G
    s = 0.05
    inp['W_rbf'] = jax.random.normal(ks[7], (K, H), jnp.float32) * s
    inp['b_rbf'] = jnp.zeros((H,), jnp.float32)
    inp['W1a'] = jax.random.normal(ks[8], (H, 2 * H), jnp.float32) * s
    inp['b1a'] = jnp.zeros((2 * H,), jnp.float32)
    inp['W2a'] = jax.random.normal(ks[9], (2 * H, H), jnp.float32) * s
    inp['b2a'] = jnp.zeros((H,), jnp.float32)
    inp['lng_a'] = jnp.ones((H,), jnp.float32)
    inp['lnb_a'] = jnp.zeros((H,), jnp.float32)
    inp['W1n'] = jax.random.normal(ks[10], (H, 2 * H), jnp.float32) * s
    inp['b1n'] = jnp.zeros((2 * H,), jnp.float32)
    inp['W2n'] = jax.random.normal(ks[11], (2 * H, H), jnp.float32) * s
    inp['b2n'] = jnp.zeros((H,), jnp.float32)
    inp['lng_n'] = jnp.ones((H,), jnp.float32)
    inp['lnb_n'] = jnp.zeros((H,), jnp.float32)
    return inp


def reference(node_hidden, edge_hidden, angle_feat, ab_edge_index, ba_edge_index, atom_graph_ids, bond_graph_ids, num_graphs, W_rbf, b_rbf, W1a, b1a, W2a, b2a, lng_a, lnb_a, W1n, b1n, W2n, b2n, lng_n, lnb_n):
    # GEMConv.forward (dropout in eval; BondEmbedding/BondFloatRBF unused in forward)
    num_graphs_static = 500
    _ng_zero = num_graphs * 0
    atom_graph_ids = atom_graph_ids + _ng_zero
    bond_graph_ids = bond_graph_ids + _ng_zero
    cur_angle_hidden = _rbf_embed(angle_feat, W_rbf, b_rbf)
    edge_out = _block(ba_edge_index, edge_hidden, cur_angle_hidden, W1a, b1a, W2a, b2a, lng_a, lnb_a, bond_graph_ids, num_graphs_static)
    node_out = _block(ab_edge_index, node_hidden, edge_out, W1n, b1n, W2n, b2n, lng_n, lnb_n, atom_graph_ids, num_graphs_static)
    cnt = jnp.maximum(jax.ops.segment_sum(jnp.ones((node_out.shape[0],), node_out.dtype), atom_graph_ids, num_segments=num_graphs_static), 1.0)
    graph_repr = jax.ops.segment_sum(node_out, atom_graph_ids, num_segments=num_graphs_static) / cnt[:, None]
    return (node_out, edge_out, graph_repr)

if __name__ == "__main__":
    import jax
    _d = setup_inputs()
    print(jax.jit(kernel)(*tuple(_d.values())))

</pallas_src>

<mosaic_0001>
#map = affine_map<(d0, d1) -> (0, 0)>
#map1 = affine_map<(d0, d1) -> (0)>
module attributes {stable_mosaic.version = 14 : i64} {
  func.func @k(%arg0: i32, %arg1: i32, %arg2: memref<320000x128xf32, #tpu.memory_space<hbm>>, %arg3: memref<640000xi32, #tpu.memory_space<hbm>>, %arg4: memref<640000x128xf32, #tpu.memory_space<hbm>>, %arg5: memref<400xi32, #tpu.memory_space<vmem>>, %arg6: memref<400x128xf32, #tpu.memory_space<vmem>>, %arg7: memref<!tpu.dma_semaphore, #tpu.memory_space<semaphore_mem>>) attributes {dimension_semantics = [#tpu.dimension_semantics<core_parallel>, #tpu.dimension_semantics<subcore_parallel>], iteration_bounds = array<i64: 2, 16>, scalar_prefetch = 0 : i64, scratch_operands = 3 : i64, tpu.core_type = #tpu.core_type<sc_vector_subcore>, window_params = [{transform_indices = #map}, {transform_indices = #map1}, {transform_indices = #map}]} {
    %mul3A = arith.constant 2 : i32
    %mul3A_0 = arith.muli %arg1, %mul3A : i32
    %add3A = arith.addi %mul3A_0, %arg0 : i32
    %mul3A_1 = arith.constant 20000 : i32
    %mul3A_2 = arith.muli %add3A, %mul3A_1 : i32
    %scan3A = arith.constant 0 : i32
    %scan3A_3 = arith.constant 0 : i32
    %scan3A_4 = arith.constant 50 : i32
    %scan3A_5 = arith.addi %scan3A_3, %scan3A_4 : i32
    %scan3A_6 = arith.constant 1 : i32
    scf.for %scan3A_8 = %scan3A_3 to %scan3A_5 step %scan3A_6  : i32 {
      %mul3A_9 = arith.constant 400 : i32
      %mul3A_10 = arith.muli %scan3A_8, %mul3A_9 : i32
      %add3A_11 = arith.addi %mul3A_2, %mul3A_10 : i32
      "tpu.region"() ({
        %run_scoped3A = tpu.sem_alloc : memref<!tpu.dma_semaphore, #tpu.memory_space<semaphore_mem>>
        %dma_start3A_16 = tpu.memref_slice %arg3[%add3A_11] : memref<640000xi32, #tpu.memory_space<hbm>> -> memref<400xi32, #tpu.memory_space<hbm>>
        %dma_start3A_17 = tpu.memref_slice %arg3[%add3A_11] : memref<640000xi32, #tpu.memory_space<hbm>> -> memref<400xi32, #tpu.memory_space<hbm>>
        tpu.enqueue_dma source(%dma_start3A_17 : memref<400xi32, #tpu.memory_space<hbm>>) target(%arg5 : memref<400xi32, #tpu.memory_space<vmem>>) target_semaphore(%run_scoped3A : memref<!tpu.dma_semaphore, #tpu.memory_space<semaphore_mem>>)
        %dma_wait3A_18 = tpu.memref_slice %arg3[%add3A_11] : memref<640000xi32, #tpu.memory_space<hbm>> -> memref<400xi32, #tpu.memory_space<hbm>>
        %dma_wait3A_19 = tpu.memref_slice %arg3[%add3A_11] : memref<640000xi32, #tpu.memory_space<hbm>> -> memref<400xi32, #tpu.memory_space<hbm>>
        tpu.wait_dma2 semaphore(%run_scoped3A : memref<!tpu.dma_semaphore, #tpu.memory_space<semaphore_mem>>) src(%dma_wait3A_19 : memref<400xi32, #tpu.memory_space<hbm>>) dst(%arg5 : memref<400xi32, #tpu.memory_space<vmem>>)
        tpu.yield
      }) : () -> ()
      %dma_start3A = arith.constant 0 : i32
      %dma_start3A_12 = arith.constant 0 : i32
      %dma_start3A_13 = tpu.memref_slice %arg2[%dma_start3A, %dma_start3A_12] : memref<320000x128xf32, #tpu.memory_space<hbm>> -> memref<320000x128xf32, #tpu.memory_space<hbm>>
      tpu.enqueue_indirect_dma source(%dma_start3A_13 : memref<320000x128xf32, #tpu.memory_space<hbm>>) target(%arg6 : memref<400x128xf32, #tpu.memory_space<vmem>>) offsets(%arg5 : memref<400xi32, #tpu.memory_space<vmem>>) semaphore(%arg7 : memref<!tpu.dma_semaphore, #tpu.memory_space<semaphore_mem>>)
      %dma_wait3A = arith.constant 0 : i32
      %dma_wait3A_14 = arith.constant 0 : i32
      %dma_wait3A_15 = tpu.memref_slice %arg2[%dma_wait3A, %dma_wait3A_14] : memref<320000x128xf32, #tpu.memory_space<hbm>> -> memref<320000x128xf32, #tpu.memory_space<hbm>>
      tpu.wait_indirect_dma semaphore(%arg7 : memref<!tpu.dma_semaphore, #tpu.memory_space<semaphore_mem>>) src(%dma_wait3A_15 : memref<320000x128xf32, #tpu.memory_space<hbm>>) dst(%arg6 : memref<400x128xf32, #tpu.memory_space<vmem>>)
      "tpu.region"() ({
        %run_scoped3A = tpu.sem_alloc : memref<!tpu.dma_semaphore, #tpu.memory_space<semaphore_mem>>
        %dma_start3A_16 = arith.constant 0 : i32
        %dma_start3A_17 = tpu.memref_slice %arg4[%add3A_11, %dma_start3A_16] : memref<640000x128xf32, #tpu.memory_space<hbm>> -> memref<400x128xf32, #tpu.memory_space<hbm>>
        %dma_start3A_18 = arith.constant 0 : i32
        %dma_start3A_19 = tpu.memref_slice %arg4[%add3A_11, %dma_start3A_18] : memref<640000x128xf32, #tpu.memory_space<hbm>> -> memref<400x128xf32, #tpu.memory_space<hbm>>
        tpu.enqueue_dma source(%arg6 : memref<400x128xf32, #tpu.memory_space<vmem>>) target(%dma_start3A_19 : memref<400x128xf32, #tpu.memory_space<hbm>>) target_semaphore(%run_scoped3A : memref<!tpu.dma_semaphore, #tpu.memory_space<semaphore_mem>>)
        %dma_wait3A_20 = arith.constant 0 : i32
        %dma_wait3A_21 = tpu.memref_slice %arg4[%add3A_11, %dma_wait3A_20] : memref<640000x128xf32, #tpu.memory_space<hbm>> -> memref<400x128xf32, #tpu.memory_space<hbm>>
        %dma_wait3A_22 = arith.constant 0 : i32
        %dma_wait3A_23 = tpu.memref_slice %arg4[%add3A_11, %dma_wait3A_22] : memref<640000x128xf32, #tpu.memory_space<hbm>> -> memref<400x128xf32, #tpu.memory_space<hbm>>
        tpu.wait_dma2 semaphore(%run_scoped3A : memref<!tpu.dma_semaphore, #tpu.memory_space<semaphore_mem>>) src(%arg6 : memref<400x128xf32, #tpu.memory_space<vmem>>) dst(%dma_wait3A_23 : memref<400x128xf32, #tpu.memory_space<hbm>>)
        tpu.yield
      }) : () -> ()
    }
    %scan3A_7 = arith.constant 50 : i32
    return
  }
}

#map = affine_map<(d0, d1) -> (0, 0)>
#map1 = affine_map<(d0, d1) -> (0)>
module attributes {stable_mosaic.version = 14 : i64} {
  func.func @k(%arg0: i32, %arg1: i32, %arg2: memref<10000x128xf32, #tpu.memory_space<hbm>>, %arg3: memref<320000xi32, #tpu.memory_space<hbm>>, %arg4: memref<320000x128xf32, #tpu.memory_space<hbm>>, %arg5: memref<400xi32, #tpu.memory_space<vmem>>, %arg6: memref<400x128xf32, #tpu.memory_space<vmem>>, %arg7: memref<!tpu.dma_semaphore, #tpu.memory_space<semaphore_mem>>) attributes {dimension_semantics = [#tpu.dimension_semantics<core_parallel>, #tpu.dimension_semantics<subcore_parallel>], iteration_bounds = array<i64: 2, 16>, scalar_prefetch = 0 : i64, scratch_operands = 3 : i64, tpu.core_type = #tpu.core_type<sc_vector_subcore>, window_params = [{transform_indices = #map}, {transform_indices = #map1}, {transform_indices = #map}]} {
    %mul3A = arith.constant 2 : i32
    %mul3A_0 = arith.muli %arg1, %mul3A : i32
    %add3A = arith.addi %mul3A_0, %arg0 : i32
    %mul3A_1 = arith.constant 10000 : i32
    %mul3A_2 = arith.muli %add3A, %mul3A_1 : i32
    %scan3A = arith.constant 0 : i32
    %scan3A_3 = arith.constant 0 : i32
    %scan3A_4 = arith.constant 25 : i32
    %scan3A_5 = arith.addi %scan3A_3, %scan3A_4 : i32
    %scan3A_6 = arith.constant 1 : i32
    scf.for %scan3A_8 = %scan3A_3 to %scan3A_5 step %scan3A_6  : i32 {
      %mul3A_9 = arith.constant 400 : i32
      %mul3A_10 = arith.muli %scan3A_8, %mul3A_9 : i32
      %add3A_11 = arith.addi %mul3A_2, %mul3A_10 : i32
      "tpu.region"() ({
        %run_scoped3A = tpu.sem_alloc : memref<!tpu.dma_semaphore, #tpu.memory_space<semaphore_mem>>
        %dma_start3A_16 = tpu.memref_slice %arg3[%add3A_11] : memref<320000xi32, #tpu.memory_space<hbm>> -> memref<400xi32, #tpu.memory_space<hbm>>
        %dma_start3A_17 = tpu.memref_slice %arg3[%add3A_11] : memref<320000xi32, #tpu.memory_space<hbm>> -> memref<400xi32, #tpu.memory_space<hbm>>
        tpu.enqueue_dma source(%dma_start3A_17 : memref<400xi32, #tpu.memory_space<hbm>>) target(%arg5 : memref<400xi32, #tpu.memory_space<vmem>>) target_semaphore(%run_scoped3A : memref<!tpu.dma_semaphore, #tpu.memory_space<semaphore_mem>>)
        %dma_wait3A_18 = tpu.memref_slice %arg3[%add3A_11] : memref<320000xi32, #tpu.memory_space<hbm>> -> memref<400xi32, #tpu.memory_space<hbm>>
        %dma_wait3A_19 = tpu.memref_slice %arg3[%add3A_11] : memref<320000xi32, #tpu.memory_space<hbm>> -> memref<400xi32, #tpu.memory_space<hbm>>
        tpu.wait_dma2 semaphore(%run_scoped3A : memref<!tpu.dma_semaphore, #tpu.memory_space<semaphore_mem>>) src(%dma_wait3A_19 : memref<400xi32, #tpu.memory_space<hbm>>) dst(%arg5 : memref<400xi32, #tpu.memory_space<vmem>>)
        tpu.yield
      }) : () -> ()
      %dma_start3A = arith.constant 0 : i32
      %dma_start3A_12 = arith.constant 0 : i32
      %dma_start3A_13 = tpu.memref_slice %arg2[%dma_start3A, %dma_start3A_12] : memref<10000x128xf32, #tpu.memory_space<hbm>> -> memref<10000x128xf32, #tpu.memory_space<hbm>>
      tpu.enqueue_indirect_dma source(%dma_start3A_13 : memref<10000x128xf32, #tpu.memory_space<hbm>>) target(%arg6 : memref<400x128xf32, #tpu.memory_space<vmem>>) offsets(%arg5 : memref<400xi32, #tpu.memory_space<vmem>>) semaphore(%arg7 : memref<!tpu.dma_semaphore, #tpu.memory_space<semaphore_mem>>)
      %dma_wait3A = arith.constant 0 : i32
      %dma_wait3A_14 = arith.constant 0 : i32
      %dma_wait3A_15 = tpu.memref_slice %arg2[%dma_wait3A, %dma_wait3A_14] : memref<10000x128xf32, #tpu.memory_space<hbm>> -> memref<10000x128xf32, #tpu.memory_space<hbm>>
      tpu.wait_indirect_dma semaphore(%arg7 : memref<!tpu.dma_semaphore, #tpu.memory_space<semaphore_mem>>) src(%dma_wait3A_15 : memref<10000x128xf32, #tpu.memory_space<hbm>>) dst(%arg6 : memref<400x128xf32, #tpu.memory_space<vmem>>)
      "tpu.region"() ({
        %run_scoped3A = tpu.sem_alloc : memref<!tpu.dma_semaphore, #tpu.memory_space<semaphore_mem>>
        %dma_start3A_16 = arith.constant 0 : i32
        %dma_start3A_17 = tpu.memref_slice %arg4[%add3A_11, %dma_start3A_16] : memref<320000x128xf32, #tpu.memory_space<hbm>> -> memref<400x128xf32, #tpu.memory_space<hbm>>
        %dma_start3A_18 = arith.constant 0 : i32
        %dma_start3A_19 = tpu.memref_slice %arg4[%add3A_11, %dma_start3A_18] : memref<320000x128xf32, #tpu.memory_space<hbm>> -> memref<400x128xf32, #tpu.memory_space<hbm>>
        tpu.enqueue_dma source(%arg6 : memref<400x128xf32, #tpu.memory_space<vmem>>) target(%dma_start3A_19 : memref<400x128xf32, #tpu.memory_space<hbm>>) target_semaphore(%run_scoped3A : memref<!tpu.dma_semaphore, #tpu.memory_space<semaphore_mem>>)
        %dma_wait3A_20 = arith.constant 0 : i32
        %dma_wait3A_21 = tpu.memref_slice %arg4[%add3A_11, %dma_wait3A_20] : memref<320000x128xf32, #tpu.memory_space<hbm>> -> memref<400x128xf32, #tpu.memory_space<hbm>>
        %dma_wait3A_22 = arith.constant 0 : i32
        %dma_wait3A_23 = tpu.memref_slice %arg4[%add3A_11, %dma_wait3A_22] : memref<320000x128xf32, #tpu.memory_space<hbm>> -> memref<400x128xf32, #tpu.memory_space<hbm>>
        tpu.wait_dma2 semaphore(%run_scoped3A : memref<!tpu.dma_semaphore, #tpu.memory_space<semaphore_mem>>) src(%arg6 : memref<400x128xf32, #tpu.memory_space<vmem>>) dst(%dma_wait3A_23 : memref<400x128xf32, #tpu.memory_space<hbm>>)
        tpu.yield
      }) : () -> ()
    }
    %scan3A_7 = arith.constant 25 : i32
    return
  }
}

#map = affine_map<(d0, d1) -> (0, 0)>
#map1 = affine_map<(d0, d1) -> (0)>
module attributes {stable_mosaic.version = 14 : i64} {
  func.func @k(%arg0: i32, %arg1: i32, %arg2: memref<320000x128xf32, #tpu.memory_space<hbm>>, %arg3: memref<320000xi32, #tpu.memory_space<hbm>>, %arg4: memref<320000x128xf32, #tpu.memory_space<hbm>>, %arg5: memref<400xi32, #tpu.memory_space<vmem>>, %arg6: memref<400x128xf32, #tpu.memory_space<vmem>>, %arg7: memref<!tpu.dma_semaphore, #tpu.memory_space<semaphore_mem>>) attributes {dimension_semantics = [#tpu.dimension_semantics<core_parallel>, #tpu.dimension_semantics<subcore_parallel>], iteration_bounds = array<i64: 2, 16>, scalar_prefetch = 0 : i64, scratch_operands = 3 : i64, tpu.core_type = #tpu.core_type<sc_vector_subcore>, window_params = [{transform_indices = #map}, {transform_indices = #map1}, {transform_indices = #map}]} {
    %mul3A = arith.constant 2 : i32
    %mul3A_0 = arith.muli %arg1, %mul3A : i32
    %add3A = arith.addi %mul3A_0, %arg0 : i32
    %mul3A_1 = arith.constant 10000 : i32
    %mul3A_2 = arith.muli %add3A, %mul3A_1 : i32
    %scan3A = arith.constant 0 : i32
    %scan3A_3 = arith.constant 0 : i32
    %scan3A_4 = arith.constant 25 : i32
    %scan3A_5 = arith.addi %scan3A_3, %scan3A_4 : i32
    %scan3A_6 = arith.constant 1 : i32
    scf.for %scan3A_8 = %scan3A_3 to %scan3A_5 step %scan3A_6  : i32 {
      %mul3A_9 = arith.constant 400 : i32
      %mul3A_10 = arith.muli %scan3A_8, %mul3A_9 : i32
      %add3A_11 = arith.addi %mul3A_2, %mul3A_10 : i32
      "tpu.region"() ({
        %run_scoped3A = tpu.sem_alloc : memref<!tpu.dma_semaphore, #tpu.memory_space<semaphore_mem>>
        %dma_start3A_16 = tpu.memref_slice %arg3[%add3A_11] : memref<320000xi32, #tpu.memory_space<hbm>> -> memref<400xi32, #tpu.memory_space<hbm>>
        %dma_start3A_17 = tpu.memref_slice %arg3[%add3A_11] : memref<320000xi32, #tpu.memory_space<hbm>> -> memref<400xi32, #tpu.memory_space<hbm>>
        tpu.enqueue_dma source(%dma_start3A_17 : memref<400xi32, #tpu.memory_space<hbm>>) target(%arg5 : memref<400xi32, #tpu.memory_space<vmem>>) target_semaphore(%run_scoped3A : memref<!tpu.dma_semaphore, #tpu.memory_space<semaphore_mem>>)
        %dma_wait3A_18 = tpu.memref_slice %arg3[%add3A_11] : memref<320000xi32, #tpu.memory_space<hbm>> -> memref<400xi32, #tpu.memory_space<hbm>>
        %dma_wait3A_19 = tpu.memref_slice %arg3[%add3A_11] : memref<320000xi32, #tpu.memory_space<hbm>> -> memref<400xi32, #tpu.memory_space<hbm>>
        tpu.wait_dma2 semaphore(%run_scoped3A : memref<!tpu.dma_semaphore, #tpu.memory_space<semaphore_mem>>) src(%dma_wait3A_19 : memref<400xi32, #tpu.memory_space<hbm>>) dst(%arg5 : memref<400xi32, #tpu.memory_space<vmem>>)
        tpu.yield
      }) : () -> ()
      %dma_start3A = arith.constant 0 : i32
      %dma_start3A_12 = arith.constant 0 : i32
      %dma_start3A_13 = tpu.memref_slice %arg2[%dma_start3A, %dma_start3A_12] : memref<320000x128xf32, #tpu.memory_space<hbm>> -> memref<320000x128xf32, #tpu.memory_space<hbm>>
      tpu.enqueue_indirect_dma source(%dma_start3A_13 : memref<320000x128xf32, #tpu.memory_space<hbm>>) target(%arg6 : memref<400x128xf32, #tpu.memory_space<vmem>>) offsets(%arg5 : memref<400xi32, #tpu.memory_space<vmem>>) semaphore(%arg7 : memref<!tpu.dma_semaphore, #tpu.memory_space<semaphore_mem>>)
      %dma_wait3A = arith.constant 0 : i32
      %dma_wait3A_14 = arith.constant 0 : i32
      %dma_wait3A_15 = tpu.memref_slice %arg2[%dma_wait3A, %dma_wait3A_14] : memref<320000x128xf32, #tpu.memory_space<hbm>> -> memref<320000x128xf32, #tpu.memory_space<hbm>>
      tpu.wait_indirect_dma semaphore(%arg7 : memref<!tpu.dma_semaphore, #tpu.memory_space<semaphore_mem>>) src(%dma_wait3A_15 : memref<320000x128xf32, #tpu.memory_space<hbm>>) dst(%arg6 : memref<400x128xf32, #tpu.memory_space<vmem>>)
      "tpu.region"() ({
        %run_scoped3A = tpu.sem_alloc : memref<!tpu.dma_semaphore, #tpu.memory_space<semaphore_mem>>
        %dma_start3A_16 = arith.constant 0 : i32
        %dma_start3A_17 = tpu.memref_slice %arg4[%add3A_11, %dma_start3A_16] : memref<320000x128xf32, #tpu.memory_space<hbm>> -> memref<400x128xf32, #tpu.memory_space<hbm>>
        %dma_start3A_18 = arith.constant 0 : i32
        %dma_start3A_19 = tpu.memref_slice %arg4[%add3A_11, %dma_start3A_18] : memref<320000x128xf32, #tpu.memory_space<hbm>> -> memref<400x128xf32, #tpu.memory_space<hbm>>
        tpu.enqueue_dma source(%arg6 : memref<400x128xf32, #tpu.memory_space<vmem>>) target(%dma_start3A_19 : memref<400x128xf32, #tpu.memory_space<hbm>>) target_semaphore(%run_scoped3A : memref<!tpu.dma_semaphore, #tpu.memory_space<semaphore_mem>>)
        %dma_wait3A_20 = arith.constant 0 : i32
        %dma_wait3A_21 = tpu.memref_slice %arg4[%add3A_11, %dma_wait3A_20] : memref<320000x128xf32, #tpu.memory_space<hbm>> -> memref<400x128xf32, #tpu.memory_space<hbm>>
        %dma_wait3A_22 = arith.constant 0 : i32
        %dma_wait3A_23 = tpu.memref_slice %arg4[%add3A_11, %dma_wait3A_22] : memref<320000x128xf32, #tpu.memory_space<hbm>> -> memref<400x128xf32, #tpu.memory_space<hbm>>
        tpu.wait_dma2 semaphore(%run_scoped3A : memref<!tpu.dma_semaphore, #tpu.memory_space<semaphore_mem>>) src(%arg6 : memref<400x128xf32, #tpu.memory_space<vmem>>) dst(%dma_wait3A_23 : memref<400x128xf32, #tpu.memory_space<hbm>>)
        tpu.yield
      }) : () -> ()
    }
    %scan3A_7 = arith.constant 25 : i32
    return
  }
}

module attributes {stable_mosaic.version = 14 : i64} {
  func.func @body(%arg0: i32, %arg1: memref<5x1875xi32, #tpu.memory_space<smem>>, %arg2: memref<1024x128xf32, #tpu.memory_space<vmem>>, %arg3: memref<1024x1xf32, #tpu.memory_space<vmem>>, %arg4: memref<1024x1xi32, #tpu.memory_space<vmem>>, %arg5: memref<256x1xi32, #tpu.memory_space<vmem>>, %arg6: memref<256x128xf32, #tpu.memory_space<vmem>>, %arg7: memref<32x128xf32, #tpu.memory_space<vmem>>, %arg8: memref<1x128xf32, #tpu.memory_space<vmem>>, %arg9: memref<128x256xf32, #tpu.memory_space<vmem>>, %arg10: memref<1x256xf32, #tpu.memory_space<vmem>>, %arg11: memref<256x128xf32, #tpu.memory_space<vmem>>, %arg12: memref<1x128xf32, #tpu.memory_space<vmem>>, %arg13: memref<1x128xf32, #tpu.memory_space<vmem>>, %arg14: memref<1x128xf32, #tpu.memory_space<vmem>>, %arg15: memref<512x1xf32, #tpu.memory_space<vmem>>, %arg16: memref<256x128xf32, #tpu.memory_space<vmem>>, %arg17: memref<256x161xf32, #tpu.memory_space<vmem>>) attributes {dimension_semantics = [#tpu.dimension_semantics<arbitrary>], iteration_bounds = array<i64: 1875>, scalar_prefetch = 1 : i64, scratch_operands = 1 : i64, tpu.core_type = #tpu.core_type<tc>, window_params = [{transform_indices = @transform_0, window_bounds = array<i64: 1024, 128>}, {transform_indices = @transform_1, window_bounds = array<i64: 1024, 1>}, {transform_indices = @transform_2, window_bounds = array<i64: 1024, 1>}, {transform_indices = @transform_3, window_bounds = array<i64: 256, 1>}, {transform_indices = @transform_4, window_bounds = array<i64: 256, 128>}, {pipeline_mode = #tpu.pipeline_mode<synchronous>, transform_indices = @transform_5, window_bounds = array<i64: 32, 128>}, {pipeline_mode = #tpu.pipeline_mode<synchronous>, transform_indices = @transform_6, window_bounds = array<i64: 1, 128>}, {pipeline_mode = #tpu.pipeline_mode<synchronous>, transform_indices = @transform_7, window_bounds = array<i64: 128, 256>}, {pipeline_mode = #tpu.pipeline_mode<synchronous>, transform_indices = @transform_8, window_bounds = array<i64: 1, 256>}, {pipeline_mode = #tpu.pipeline_mode<synchronous>, transform_indices = @transform_9, window_bounds = array<i64: 256, 128>}, {pipeline_mode = #tpu.pipeline_mode<synchronous>, transform_indices = @transform_10, window_bounds = array<i64: 1, 128>}, {pipeline_mode = #tpu.pipeline_mode<synchronous>, transform_indices = @transform_11, window_bounds = array<i64: 1, 128>}, {pipeline_mode = #tpu.pipeline_mode<synchronous>, transform_indices = @transform_12, window_bounds = array<i64: 1, 128>}, {pipeline_mode = #tpu.pipeline_mode<synchronous>, transform_indices = @transform_13, window_bounds = array<i64: 512, 1>}, {transform_indices = @transform_14, window_bounds = array<i64: 256, 128>}]} {
    %get3A = arith.constant 0 : index
    %get3A_0 = arith.index_cast %arg0 : i32 to index
    %get3A_1 = memref.load %arg1[%get3A, %get3A_0] : memref<5x1875xi32, #tpu.memory_space<smem>>
    %get3A_2 = arith.constant 2 : index
    %get3A_3 = arith.index_cast %arg0 : i32 to index
    %get3A_4 = memref.load %arg1[%get3A_2, %get3A_3] : memref<5x1875xi32, #tpu.memory_space<smem>>
    %get3A_5 = arith.constant 3 : index
    %get3A_6 = arith.index_cast %arg0 : i32 to index
    %get3A_7 = memref.load %arg1[%get3A_5, %get3A_6] : memref<5x1875xi32, #tpu.memory_space<smem>>
    %get3A_8 = arith.constant 4 : index
    %get3A_9 = arith.index_cast %arg0 : i32 to index
    %get3A_10 = memref.load %arg1[%get3A_8, %get3A_9] : memref<5x1875xi32, #tpu.memory_space<smem>>
    %eq3A = arith.constant 1 : i32
    %eq3A_11 = arith.cmpi eq, %get3A_4, %eq3A : i32
    %convert_element_type3A = arith.extui %eq3A_11 : i1 to i32
    %cond3A = arith.constant 0 : i32
    %cond3A_12 = arith.cmpi ne, %convert_element_type3A, %cond3A : i32
    scf.if %cond3A_12 {
      %broadcast_in_dim3A_61 = arith.constant 0.000000e+00 : f32
      %broadcast_in_dim3A_62 = vector.broadcast %broadcast_in_dim3A_61 : f32 to vector<256x161xf32>
      %swap3A_63 = arith.constant 0 : index
      %swap3A_64 = arith.constant 0 : index
      %swap3A_65 = vector.load %arg17[%swap3A_63, %swap3A_64] : memref<256x161xf32, #tpu.memory_space<vmem>>, vector<256x161xf32>
      tpu.vector_store %arg17[%swap3A_63, %swap3A_64], %broadcast_in_dim3A_62 {strides = array<i32>} : memref<256x161xf32, #tpu.memory_space<vmem>>, vector<256x161xf32>,
    } else {
    }
    %get3A_13 = arith.constant 0 : index
    %get3A_14 = arith.constant 0 : index
    %get3A_15 = vector.load %arg4[%get3A_13, %get3A_14] : memref<1024x1xi32, #tpu.memory_space<vmem>>, vector<1024x1xi32>
    %mul3A = arith.constant 256 : i32
    %mul3A_16 = arith.muli %get3A_1, %mul3A : i32
    %sub3A = vector.broadcast %mul3A_16 : i32 to vector<1024x1xi32>
    %sub3A_17 = arith.subi %get3A_15, %sub3A : vector<1024x1xi32>
    %ge3A = arith.constant 0 : i32
    %ge3A_18 = vector.broadcast %ge3A : i32 to vector<1024x1xi32>
    %ge3A_19 = arith.cmpi sge, %sub3A_17, %ge3A_18 : vector<1024x1xi32>
    %lt3A = arith.constant 256 : i32
    %lt3A_20 = vector.broadcast %lt3A : i32 to vector<1024x1xi32>
    %lt3A_21 = arith.cmpi slt, %sub3A_17, %lt3A_20 : vector<1024x1xi32>
    %and3A = arith.andi %ge3A_19, %lt3A_21 : vector<1024x1xi1>
    %eq3A_22 = arith.constant 1 : i32
    %eq3A_23 = arith.cmpi eq, %get3A_10, %eq3A_22 : i32
    %and3A_24 = vector.broadcast %eq3A_23 : i1 to vector<1024x1xi1>
    %and3A_25 = arith.andi %and3A, %and3A_24 : vector<1024x1xi1>
    %iota3A = tpu.iota {dimensions = array<i32: 1>} : vector<1024x256xi32>
    %eq3A_26 = vector.broadcast %sub3A_17 : vector<1024x1xi32> to vector<1024x256xi32>
    %eq3A_27 = arith.cmpi eq, %eq3A_26, %iota3A : vector<1024x256xi32>
    %and3A_28 = vector.broadcast %and3A_25 : vector<1024x1xi1> to vector<1024x256xi1>
    %and3A_29 = arith.andi %eq3A_27, %and3A_28 : vector<1024x256xi1>
    %convert_element_type3A_30 = arith.extui %and3A_29 : vector<1024x256xi1> to vector<1024x256xi32>
    %convert_element_type3A_31 = arith.sitofp %convert_element_type3A_30 : vector<1024x256xi32> to vector<1024x256xf32>
    %get3A_32 = arith.constant 0 : index
    %get3A_33 = arith.constant 0 : index
    %get3A_34 = vector.load %arg3[%get3A_32, %get3A_33] : memref<1024x1xf32, #tpu.memory_space<vmem>>, vector<1024x1xf32>
    %iota3A_35 = tpu.iota {dimensions = array<i32: 1>} : vector<1x32xi32>
    %convert_element_type3A_36 = arith.sitofp %iota3A_35 : vector<1x32xi32> to vector<1x32xf32>
    %mul3A_37 = arith.constant 1.000000e-01 : f32
    %mul3A_38 = vector.broadcast %mul3A_37 : f32 to vector<1x32xf32>
    %mul3A_39 = arith.mulf %convert_element_type3A_36, %mul3A_38 : vector<1x32xf32>
    %sub3A_40 = vector.broadcast %get3A_34 : vector<1024x1xf32> to vector<1024x32xf32>
    %sub3A_41 = vector.broadcast %mul3A_39 : vector<1x32xf32> to vector<1024x32xf32>
    %sub3A_42 = arith.subf %sub3A_40, %sub3A_41 : vector<1024x32xf32>
    %integer_pow3A = arith.mulf %sub3A_42, %sub3A_42 : vector<1024x32xf32>
    %mul3A_43 = arith.constant -1.000000e+01 : f32
    %mul3A_44 = vector.broadcast %mul3A_43 : f32 to vector<1024x32xf32>
    %mul3A_45 = arith.mulf %mul3A_44, %integer_pow3A : vector<1024x32xf32>
    %exp3A = math.exp %mul3A_45 : vector<1024x32xf32>
    %get3A_46 = arith.constant 0 : index
    %get3A_47 = arith.constant 0 : index
    %get3A_48 = vector.load %arg2[%get3A_46, %get3A_47] : memref<1024x128xf32, #tpu.memory_space<vmem>>, vector<1024x128xf32>
    %broadcast_in_dim3A = arith.constant 1.000000e+00 : f32
    %broadcast_in_dim3A_49 = vector.broadcast %broadcast_in_dim3A : f32 to vector<1024x1xf32>
    %concatenate3A = tpu.concatenate %get3A_48, %exp3A, %broadcast_in_dim3A_49 in 1 : vector<1024x128xf32>, vector<1024x32xf32>, vector<1024x1xf32> -> vector<1024x161xf32>
    %get3A_50 = arith.constant 0 : index
    %get3A_51 = arith.constant 0 : index
    %get3A_52 = vector.load %arg17[%get3A_50, %get3A_51] : memref<256x161xf32, #tpu.memory_space<vmem>>, vector<256x161xf32>
    %dot_general3A = arith.constant dense<0.000000e+00> : vector<256x161xf32>
    %dot_general3A_53 = tpu.matmul %convert_element_type3A_31, %concatenate3A, %dot_general3A {dimension_numbers = #tpu.dot_dimension_numbers<[0], [0], [1], [1], [0, 1, 1, 1], [], []>, transpose_lhs_hint = false} : vector<1024x256xf32>, vector<1024x161xf32>, vector<256x161xf32> -> vector<256x161xf32>
    %add3A = arith.addf %get3A_52, %dot_general3A_53 : vector<256x161xf32>
    %swap3A = arith.constant 0 : index
    %swap3A_54 = arith.constant 0 : index
    %swap3A_55 = vector.load %arg17[%swap3A, %swap3A_54] : memref<256x161xf32, #tpu.memory_space<vmem>>, vector<256x161xf32>
    tpu.vector_store %arg17[%swap3A, %swap3A_54], %add3A {strides = array<i32>} : memref<256x161xf32, #tpu.memory_space<vmem>>, vector<256x161xf32>,
    %eq3A_56 = arith.constant 1 : i32
    %eq3A_57 = arith.cmpi eq, %get3A_7, %eq3A_56 : i32
    %convert_element_type3A_58 = arith.extui %eq3A_57 : i1 to i32
    %cond3A_59 = arith.constant 0 : i32
    %cond3A_60 = arith.cmpi ne, %convert_element_type3A_58, %cond3A_59 : i32
    scf.if %cond3A_60 {
      %get3A_61 = arith.constant 0 : index
      %get3A_62 = arith.constant 0 : index
      %get3A_63 = vector.load %arg17[%get3A_61, %get3A_62] : memref<256x161xf32, #tpu.memory_space<vmem>>, vector<256x161xf32>
      %slice3A = vector.extract_strided_slice %get3A_63 {offsets = [0, 0], sizes = [256, 128], strides = [1, 1]} : vector<256x161xf32> to vector<256x128xf32>
      %slice3A_64 = vector.extract_strided_slice %get3A_63 {offsets = [0, 128], sizes = [256, 32], strides = [1, 1]} : vector<256x161xf32> to vector<256x32xf32>
      %get3A_65 = arith.constant 0 : index
      %get3A_66 = arith.constant 0 : index
      %get3A_67 = vector.load %arg7[%get3A_65, %get3A_66] : memref<32x128xf32, #tpu.memory_space<vmem>>, vector<32x128xf32>
      %dot_general3A_68 = arith.constant dense<0.000000e+00> : vector<256x128xf32>
      %dot_general3A_69 = tpu.matmul %slice3A_64, %get3A_67, %dot_general3A_68 {dimension_numbers = #tpu.dot_dimension_numbers<[1], [0], [0], [1], [0, 0, 1, 1], [], []>, transpose_lhs_hint = false} : vector<256x32xf32>, vector<32x128xf32>, vector<256x128xf32> -> vector<256x128xf32>
      %add3A_70 = arith.addf %slice3A, %dot_general3A_69 : vector<256x128xf32>
      %slice3A_71 = vector.extract_strided_slice %get3A_63 {offsets = [0, 160], sizes = [256, 1], strides = [1, 1]} : vector<256x161xf32> to vector<256x1xf32>
      %get3A_72 = arith.constant 0 : index
      %get3A_73 = arith.constant 0 : index
      %get3A_74 = vector.load %arg8[%get3A_72, %get3A_73] : memref<1x128xf32, #tpu.memory_space<vmem>>, vector<1x128xf32>
      %mul3A_75 = vector.broadcast %slice3A_71 : vector<256x1xf32> to vector<256x128xf32>
      %mul3A_76 = vector.broadcast %get3A_74 : vector<1x128xf32> to vector<256x128xf32>
      %mul3A_77 = arith.mulf %mul3A_75, %mul3A_76 : vector<256x128xf32>
      %add3A_78 = arith.addf %add3A_70, %mul3A_77 : vector<256x128xf32>
      %get3A_79 = arith.constant 0 : index
      %get3A_80 = arith.constant 0 : index
      %get3A_81 = vector.load %arg9[%get3A_79, %get3A_80] : memref<128x256xf32, #tpu.memory_space<vmem>>, vector<128x256xf32>
      %dot_general3A_82 = arith.constant dense<0.000000e+00> : vector<256x256xf32>
      %dot_general3A_83 = tpu.matmul %add3A_78, %get3A_81, %dot_general3A_82 {dimension_numbers = #tpu.dot_dimension_numbers<[1], [0], [0], [1], [0, 0, 1, 1], [], []>, transpose_lhs_hint = false} : vector<256x128xf32>, vector<128x256xf32>, vector<256x256xf32> -> vector<256x256xf32>
      %get3A_84 = arith.constant 0 : index
      %get3A_85 = arith.constant 0 : index
      %get3A_86 = vector.load %arg10[%get3A_84, %get3A_85] : memref<1x256xf32, #tpu.memory_space<vmem>>, vector<1x256xf32>
      %add3A_87 = vector.broadcast %get3A_86 : vector<1x256xf32> to vector<256x256xf32>
      %add3A_88 = arith.addf %dot_general3A_83, %add3A_87 : vector<256x256xf32>
      %max3A = arith.constant 0.000000e+00 : f32
      %max3A_89 = vector.broadcast %max3A : f32 to vector<256x256xf32>
      %max3A_90 = arith.maximumf %add3A_88, %max3A_89 : vector<256x256xf32>
      %get3A_91 = arith.constant 0 : index
      %get3A_92 = arith.constant 0 : index
      %get3A_93 = vector.load %arg11[%get3A_91, %get3A_92] : memref<256x128xf32, #tpu.memory_space<vmem>>, vector<256x128xf32>
      %dot_general3A_94 = arith.constant dense<0.000000e+00> : vector<256x128xf32>
      %dot_general3A_95 = tpu.matmul %max3A_90, %get3A_93, %dot_general3A_94 {dimension_numbers = #tpu.dot_dimension_numbers<[1], [0], [0], [1], [0, 0, 1, 1], [], []>, transpose_lhs_hint = false} : vector<256x256xf32>, vector<256x128xf32>, vector<256x128xf32> -> vector<256x128xf32>
      %get3A_96 = arith.constant 0 : index
      %get3A_97 = arith.constant 0 : index
      %get3A_98 = vector.load %arg12[%get3A_96, %get3A_97] : memref<1x128xf32, #tpu.memory_space<vmem>>, vector<1x128xf32>
      %add3A_99 = vector.broadcast %get3A_98 : vector<1x128xf32> to vector<256x128xf32>
      %add3A_100 = arith.addf %dot_general3A_95, %add3A_99 : vector<256x128xf32>
      %reduce_sum3A = arith.constant dense<0.000000e+00> : vector<256xf32>
      %reduce_sum3A_101 = vector.multi_reduction <add>, %add3A_100, %reduce_sum3A [1] : vector<256x128xf32> to vector<256xf32>
      %broadcast_in_dim3A_102 = vector.shape_cast %reduce_sum3A_101 : vector<256xf32> to vector<256x1xf32>
      %div3A = arith.constant 1.280000e+02 : f32
      %div3A_103 = vector.broadcast %div3A : f32 to vector<256x1xf32>
      %div3A_104 = arith.divf %broadcast_in_dim3A_102, %div3A_103 : vector<256x1xf32>
      %sub3A_105 = vector.broadcast %div3A_104 : vector<256x1xf32> to vector<256x128xf32>
      %sub3A_106 = arith.subf %add3A_100, %sub3A_105 : vector<256x128xf32>
      %mul3A_107 = arith.mulf %sub3A_106, %sub3A_106 : vector<256x128xf32>
      %reduce_sum3A_108 = arith.constant dense<0.000000e+00> : vector<256xf32>
      %reduce_sum3A_109 = vector.multi_reduction <add>, %mul3A_107, %reduce_sum3A_108 [1] : vector<256x128xf32> to vector<256xf32>
      %broadcast_in_dim3A_110 = vector.shape_cast %reduce_sum3A_109 : vector<256xf32> to vector<256x1xf32>
      %div3A_111 = arith.constant 1.280000e+02 : f32
      %div3A_112 = vector.broadcast %div3A_111 : f32 to vector<256x1xf32>
      %div3A_113 = arith.divf %broadcast_in_dim3A_110, %div3A_112 : vector<256x1xf32>
      %add3A_114 = arith.constant 9.99999974E-6 : f32
      %add3A_115 = vector.broadcast %add3A_114 : f32 to vector<256x1xf32>
      %add3A_116 = arith.addf %div3A_113, %add3A_115 : vector<256x1xf32>
      %rsqrt3A = math.rsqrt %add3A_116 : vector<256x1xf32>
      %mul3A_117 = vector.broadcast %rsqrt3A : vector<256x1xf32> to vector<256x128xf32>
      %mul3A_118 = arith.mulf %sub3A_106, %mul3A_117 : vector<256x128xf32>
      %get3A_119 = arith.constant 0 : index
      %get3A_120 = arith.constant 0 : index
      %get3A_121 = vector.load %arg13[%get3A_119, %get3A_120] : memref<1x128xf32, #tpu.memory_space<vmem>>, vector<1x128xf32>
      %mul3A_122 = vector.broadcast %get3A_121 : vector<1x128xf32> to vector<256x128xf32>
      %mul3A_123 = arith.mulf %mul3A_118, %mul3A_122 : vector<256x128xf32>
      %get3A_124 = arith.constant 0 : index
      %get3A_125 = arith.constant 0 : index
      %get3A_126 = vector.load %arg14[%get3A_124, %get3A_125] : memref<1x128xf32, #tpu.memory_space<vmem>>, vector<1x128xf32>
      %add3A_127 = vector.broadcast %get3A_126 : vector<1x128xf32> to vector<256x128xf32>
      %add3A_128 = arith.addf %mul3A_123, %add3A_127 : vector<256x128xf32>
      %get3A_129 = arith.constant 0 : index
      %get3A_130 = arith.constant 0 : index
      %get3A_131 = vector.load %arg5[%get3A_129, %get3A_130] : memref<256x1xi32, #tpu.memory_space<vmem>>, vector<256x1xi32>
      %iota3A_132 = tpu.iota {dimensions = array<i32: 1>} : vector<256x512xi32>
      %eq3A_133 = vector.broadcast %get3A_131 : vector<256x1xi32> to vector<256x512xi32>
      %eq3A_134 = arith.cmpi eq, %eq3A_133, %iota3A_132 : vector<256x512xi32>
      %convert_element_type3A_135 = arith.extui %eq3A_134 : vector<256x512xi1> to vector<256x512xi32>
      %convert_element_type3A_136 = arith.sitofp %convert_element_type3A_135 : vector<256x512xi32> to vector<256x512xf32>
      %get3A_137 = arith.constant 0 : index
      %get3A_138 = arith.constant 0 : index
      %get3A_139 = vector.load %arg15[%get3A_137, %get3A_138] : memref<512x1xf32, #tpu.memory_space<vmem>>, vector<512x1xf32>
      %dot_general3A_140 = arith.constant dense<0.000000e+00> : vector<256x1xf32>
      %dot_general3A_141 = tpu.matmul %convert_element_type3A_136, %get3A_139, %dot_general3A_140 {dimension_numbers = #tpu.dot_dimension_numbers<[1], [0], [0], [1], [0, 0, 1, 1], [], []>, transpose_lhs_hint = false} : vector<256x512xf32>, vector<512x1xf32>, vector<256x1xf32> -> vector<256x1xf32>
      %mul3A_142 = vector.broadcast %dot_general3A_141 : vector<256x1xf32> to vector<256x128xf32>
      %mul3A_143 = arith.mulf %add3A_128, %mul3A_142 : vector<256x128xf32>
      %get3A_144 = arith.constant 0 : index
      %get3A_145 = arith.constant 0 : index
      %get3A_146 = vector.load %arg6[%get3A_144, %get3A_145] : memref<256x128xf32, #tpu.memory_space<vmem>>, vector<256x128xf32>
      %add3A_147 = arith.addf %mul3A_143, %get3A_146 : vector<256x128xf32>
      %swap3A_148 = arith.constant 0 : index
      %swap3A_149 = arith.constant 0 : index
      %swap3A_150 = vector.load %arg16[%swap3A_148, %swap3A_149] : memref<256x128xf32, #tpu.memory_space<vmem>>, vector<256x128xf32>
      tpu.vector_store %arg16[%swap3A_148, %swap3A_149], %add3A_147 {strides = array<i32>} : memref<256x128xf32, #tpu.memory_space<vmem>>, vector<256x128xf32>,
    } else {
    }
    return
  }
  func.func @transform_0(%arg0: i32, %arg1: memref<5x1875xi32, #tpu.memory_space<smem>>) -> (i32, i32) {
    %get3A = arith.constant 1 : index
    %get3A_0 = arith.index_cast %arg0 : i32 to index
    %get3A_1 = memref.load %arg1[%get3A, %get3A_0] : memref<5x1875xi32, #tpu.memory_space<smem>>
    %c0_i32 = arith.constant 0 : i32
    %c0_i32_2 = arith.constant 0 : i32
    return %get3A_1, %c0_i32 : i32, i32
  }
  func.func @transform_1(%arg0: i32, %arg1: memref<5x1875xi32, #tpu.memory_space<smem>>) -> (i32, i32) {
    %get3A = arith.constant 1 : index
    %get3A_0 = arith.index_cast %arg0 : i32 to index
    %get3A_1 = memref.load %arg1[%get3A, %get3A_0] : memref<5x1875xi32, #tpu.memory_space<smem>>
    %c0_i32 = arith.constant 0 : i32
    %c0_i32_2 = arith.constant 0 : i32
    return %get3A_1, %c0_i32 : i32, i32
  }
  func.func @transform_2(%arg0: i32, %arg1: memref<5x1875xi32, #tpu.memory_space<smem>>) -> (i32, i32) {
    %get3A = arith.constant 1 : index
    %get3A_0 = arith.index_cast %arg0 : i32 to index
    %get3A_1 = memref.load %arg1[%get3A, %get3A_0] : memref<5x1875xi32, #tpu.memory_space<smem>>
    %c0_i32 = arith.constant 0 : i32
    %c0_i32_2 = arith.constant 0 : i32
    return %get3A_1, %c0_i32 : i32, i32
  }
  func.func @transform_3(%arg0: i32, %arg1: memref<5x1875xi32, #tpu.memory_space<smem>>) -> (i32, i32) {
    %get3A = arith.constant 0 : index
    %get3A_0 = arith.index_cast %arg0 : i32 to index
    %get3A_1 = memref.load %arg1[%get3A, %get3A_0] : memref<5x1875xi32, #tpu.memory_space<smem>>
    %c0_i32 = arith.constant 0 : i32
    %c0_i32_2 = arith.constant 0 : i32
    return %get3A_1, %c0_i32 : i32, i32
  }
  func.func @transform_4(%arg0: i32, %arg1: memref<5x1875xi32, #tpu.memory_space<smem>>) -> (i32, i32) {
    %get3A = arith.constant 0 : index
    %get3A_0 = arith.index_cast %arg0 : i32 to index
    %get3A_1 = memref.load %arg1[%get3A, %get3A_0] : memref<5x1875xi32, #tpu.memory_space<smem>>
    %c0_i32 = arith.constant 0 : i32
    %c0_i32_2 = arith.constant 0 : i32
    return %get3A_1, %c0_i32 : i32, i32
  }
  func.func @transform_5(%arg0: i32, %arg1: memref<5x1875xi32, #tpu.memory_space<smem>>) -> (i32, i32) {
    %c0_i32 = arith.constant 0 : i32
    %c0_i32_0 = arith.constant 0 : i32
    %c0_i32_1 = arith.constant 0 : i32
    return %c0_i32, %c0_i32_0 : i32, i32
  }
  func.func @transform_6(%arg0: i32, %arg1: memref<5x1875xi32, #tpu.memory_space<smem>>) -> (i32, i32) {
    %c0_i32 = arith.constant 0 : i32
    %c0_i32_0 = arith.constant 0 : i32
    %c0_i32_1 = arith.constant 0 : i32
    return %c0_i32, %c0_i32_0 : i32, i32
  }
  func.func @transform_7(%arg0: i32, %arg1: memref<5x1875xi32, #tpu.memory_space<smem>>) -> (i32, i32) {
    %c0_i32 = arith.constant 0 : i32
    %c0_i32_0 = arith.constant 0 : i32
    %c0_i32_1 = arith.constant 0 : i32
    return %c0_i32, %c0_i32_0 : i32, i32
  }
  func.func @transform_8(%arg0: i32, %arg1: memref<5x1875xi32, #tpu.memory_space<smem>>) -> (i32, i32) {
    %c0_i32 = arith.constant 0 : i32
    %c0_i32_0 = arith.constant 0 : i32
    %c0_i32_1 = arith.constant 0 : i32
    return %c0_i32, %c0_i32_0 : i32, i32
  }
  func.func @transform_9(%arg0: i32, %arg1: memref<5x1875xi32, #tpu.memory_space<smem>>) -> (i32, i32) {
    %c0_i32 = arith.constant 0 : i32
    %c0_i32_0 = arith.constant 0 : i32
    %c0_i32_1 = arith.constant 0 : i32
    return %c0_i32, %c0_i32_0 : i32, i32
  }
  func.func @transform_10(%arg0: i32, %arg1: memref<5x1875xi32, #tpu.memory_space<smem>>) -> (i32, i32) {
    %c0_i32 = arith.constant 0 : i32
    %c0_i32_0 = arith.constant 0 : i32
    %c0_i32_1 = arith.constant 0 : i32
    return %c0_i32, %c0_i32_0 : i32, i32
  }
  func.func @transform_11(%arg0: i32, %arg1: memref<5x1875xi32, #tpu.memory_space<smem>>) -> (i32, i32) {
    %c0_i32 = arith.constant 0 : i32
    %c0_i32_0 = arith.constant 0 : i32
    %c0_i32_1 = arith.constant 0 : i32
    return %c0_i32, %c0_i32_0 : i32, i32
  }
  func.func @transform_12(%arg0: i32, %arg1: memref<5x1875xi32, #tpu.memory_space<smem>>) -> (i32, i32) {
    %c0_i32 = arith.constant 0 : i32
    %c0_i32_0 = arith.constant 0 : i32
    %c0_i32_1 = arith.constant 0 : i32
    return %c0_i32, %c0_i32_0 : i32, i32
  }
  func.func @transform_13(%arg0: i32, %arg1: memref<5x1875xi32, #tpu.memory_space<smem>>) -> (i32, i32) {
    %c0_i32 = arith.constant 0 : i32
    %c0_i32_0 = arith.constant 0 : i32
    %c0_i32_1 = arith.constant 0 : i32
    return %c0_i32, %c0_i32_0 : i32, i32
  }
  func.func @transform_14(%arg0: i32, %arg1: memref<5x1875xi32, #tpu.memory_space<smem>>) -> (i32, i32) {
    %get3A = arith.constant 0 : index
    %get3A_0 = arith.index_cast %arg0 : i32 to index
    %get3A_1 = memref.load %arg1[%get3A, %get3A_0] : memref<5x1875xi32, #tpu.memory_space<smem>>
    %c0_i32 = arith.constant 0 : i32
    %c0_i32_2 = arith.constant 0 : i32
    return %get3A_1, %c0_i32 : i32, i32
  }
}

module attributes {stable_mosaic.version = 14 : i64} {
  func.func @body(%arg0: i32, %arg1: memref<5x525xi32, #tpu.memory_space<smem>>, %arg2: memref<640x128xf32, #tpu.memory_space<vmem>>, %arg3: memref<640x128xf32, #tpu.memory_space<vmem>>, %arg4: memref<640x1xi32, #tpu.memory_space<vmem>>, %arg5: memref<400x1xi32, #tpu.memory_space<vmem>>, %arg6: memref<400x128xf32, #tpu.memory_space<vmem>>, %arg7: memref<128x256xf32, #tpu.memory_space<vmem>>, %arg8: memref<1x256xf32, #tpu.memory_space<vmem>>, %arg9: memref<256x128xf32, #tpu.memory_space<vmem>>, %arg10: memref<1x128xf32, #tpu.memory_space<vmem>>, %arg11: memref<1x128xf32, #tpu.memory_space<vmem>>, %arg12: memref<1x128xf32, #tpu.memory_space<vmem>>, %arg13: memref<512x1xf32, #tpu.memory_space<vmem>>, %arg14: memref<512x1xf32, #tpu.memory_space<vmem>>, %arg15: memref<400x128xf32, #tpu.memory_space<vmem>>, %arg16: memref<512x128xf32, #tpu.memory_space<vmem>>, %arg17: memref<400x128xf32, #tpu.memory_space<vmem>>) attributes {dimension_semantics = [#tpu.dimension_semantics<arbitrary>], iteration_bounds = array<i64: 525>, scalar_prefetch = 1 : i64, scratch_operands = 1 : i64, tpu.core_type = #tpu.core_type<tc>, window_params = [{transform_indices = @transform_0, window_bounds = array<i64: 640, 128>}, {transform_indices = @transform_1, window_bounds = array<i64: 640, 128>}, {transform_indices = @transform_2, window_bounds = array<i64: 640, 1>}, {transform_indices = @transform_3, window_bounds = array<i64: 400, 1>}, {transform_indices = @transform_4, window_bounds = array<i64: 400, 128>}, {pipeline_mode = #tpu.pipeline_mode<synchronous>, transform_indices = @transform_5, window_bounds = array<i64: 128, 256>}, {pipeline_mode = #tpu.pipeline_mode<synchronous>, transform_indices = @transform_6, window_bounds = array<i64: 1, 256>}, {pipeline_mode = #tpu.pipeline_mode<synchronous>, transform_indices = @transform_7, window_bounds = array<i64: 256, 128>}, {pipeline_mode = #tpu.pipeline_mode<synchronous>, transform_indices = @transform_8, window_bounds = array<i64: 1, 128>}, {pipeline_mode = #tpu.pipeline_mode<synchronous>, transform_indices = @transform_9, window_bounds = array<i64: 1, 128>}, {pipeline_mode = #tpu.pipeline_mode<synchronous>, transform_indices = @transform_10, window_bounds = array<i64: 1, 128>}, {pipeline_mode = #tpu.pipeline_mode<synchronous>, transform_indices = @transform_11, window_bounds = array<i64: 512, 1>}, {pipeline_mode = #tpu.pipeline_mode<synchronous>, transform_indices = @transform_12, window_bounds = array<i64: 512, 1>}, {transform_indices = @transform_13, window_bounds = array<i64: 400, 128>}, {pipeline_mode = #tpu.pipeline_mode<synchronous>, transform_indices = @transform_14, window_bounds = array<i64: 512, 128>}]} {
    %get3A = arith.constant 0 : index
    %get3A_0 = arith.index_cast %arg0 : i32 to index
    %get3A_1 = memref.load %arg1[%get3A, %get3A_0] : memref<5x525xi32, #tpu.memory_space<smem>>
    %get3A_2 = arith.constant 2 : index
    %get3A_3 = arith.index_cast %arg0 : i32 to index
    %get3A_4 = memref.load %arg1[%get3A_2, %get3A_3] : memref<5x525xi32, #tpu.memory_space<smem>>
    %get3A_5 = arith.constant 3 : index
    %get3A_6 = arith.index_cast %arg0 : i32 to index
    %get3A_7 = memref.load %arg1[%get3A_5, %get3A_6] : memref<5x525xi32, #tpu.memory_space<smem>>
    %get3A_8 = arith.constant 4 : index
    %get3A_9 = arith.index_cast %arg0 : i32 to index
    %get3A_10 = memref.load %arg1[%get3A_8, %get3A_9] : memref<5x525xi32, #tpu.memory_space<smem>>
    %eq3A = arith.constant 0 : i32
    %eq3A_11 = arith.cmpi eq, %arg0, %eq3A : i32
    %convert_element_type3A = arith.extui %eq3A_11 : i1 to i32
    %cond3A = arith.constant 0 : i32
    %cond3A_12 = arith.cmpi ne, %convert_element_type3A, %cond3A : i32
    scf.if %cond3A_12 {
      %broadcast_in_dim3A = arith.constant 0.000000e+00 : f32
      %broadcast_in_dim3A_60 = vector.broadcast %broadcast_in_dim3A : f32 to vector<512x128xf32>
      %swap3A_61 = arith.constant 0 : index
      %swap3A_62 = arith.constant 0 : index
      %swap3A_63 = vector.load %arg16[%swap3A_61, %swap3A_62] : memref<512x128xf32, #tpu.memory_space<vmem>>, vector<512x128xf32>
      tpu.vector_store %arg16[%swap3A_61, %swap3A_62], %broadcast_in_dim3A_60 {strides = array<i32>} : memref<512x128xf32, #tpu.memory_space<vmem>>, vector<512x128xf32>,
    } else {
    }
    %eq3A_13 = arith.constant 1 : i32
    %eq3A_14 = arith.cmpi eq, %get3A_4, %eq3A_13 : i32
    %convert_element_type3A_15 = arith.extui %eq3A_14 : i1 to i32
    %cond3A_16 = arith.constant 0 : i32
    %cond3A_17 = arith.cmpi ne, %convert_element_type3A_15, %cond3A_16 : i32
    scf.if %cond3A_17 {
      %broadcast_in_dim3A = arith.constant 0.000000e+00 : f32
      %broadcast_in_dim3A_60 = vector.broadcast %broadcast_in_dim3A : f32 to vector<400x128xf32>
      %swap3A_61 = arith.constant 0 : index
      %swap3A_62 = arith.constant 0 : index
      %swap3A_63 = vector.load %arg17[%swap3A_61, %swap3A_62] : memref<400x128xf32, #tpu.memory_space<vmem>>, vector<400x128xf32>
      tpu.vector_store %arg17[%swap3A_61, %swap3A_62], %broadcast_in_dim3A_60 {strides = array<i32>} : memref<400x128xf32, #tpu.memory_space<vmem>>, vector<400x128xf32>,
    } else {
    }
    %get3A_18 = arith.constant 0 : index
    %get3A_19 = arith.constant 0 : index
    %get3A_20 = vector.load %arg4[%get3A_18, %get3A_19] : memref<640x1xi32, #tpu.memory_space<vmem>>, vector<640x1xi32>
    %mul3A = arith.constant 400 : i32
    %mul3A_21 = arith.muli %get3A_1, %mul3A : i32
    %sub3A = vector.broadcast %mul3A_21 : i32 to vector<640x1xi32>
    %sub3A_22 = arith.subi %get3A_20, %sub3A : vector<640x1xi32>
    %ge3A = arith.constant 0 : i32
    %ge3A_23 = vector.broadcast %ge3A : i32 to vector<640x1xi32>
    %ge3A_24 = arith.cmpi sge, %sub3A_22, %ge3A_23 : vector<640x1xi32>
    %lt3A = arith.constant 400 : i32
    %lt3A_25 = vector.broadcast %lt3A : i32 to vector<640x1xi32>
    %lt3A_26 = arith.cmpi slt, %sub3A_22, %lt3A_25 : vector<640x1xi32>
    %and3A = arith.andi %ge3A_24, %lt3A_26 : vector<640x1xi1>
    %eq3A_27 = arith.constant 1 : i32
    %eq3A_28 = arith.cmpi eq, %get3A_10, %eq3A_27 : i32
    %and3A_29 = vector.broadcast %eq3A_28 : i1 to vector<640x1xi1>
    %and3A_30 = arith.andi %and3A, %and3A_29 : vector<640x1xi1>
    %iota3A = tpu.iota {dimensions = array<i32: 1>} : vector<640x400xi32>
    %eq3A_31 = vector.broadcast %sub3A_22 : vector<640x1xi32> to vector<640x400xi32>
    %eq3A_32 = arith.cmpi eq, %eq3A_31, %iota3A : vector<640x400xi32>
    %and3A_33 = vector.broadcast %and3A_30 : vector<640x1xi1> to vector<640x400xi1>
    %and3A_34 = arith.andi %eq3A_32, %and3A_33 : vector<640x400xi1>
    %convert_element_type3A_35 = arith.extui %and3A_34 : vector<640x400xi1> to vector<640x400xi32>
    %convert_element_type3A_36 = arith.sitofp %convert_element_type3A_35 : vector<640x400xi32> to vector<640x400xf32>
    %get3A_37 = arith.constant 0 : index
    %get3A_38 = arith.constant 0 : index
    %get3A_39 = vector.load %arg2[%get3A_37, %get3A_38] : memref<640x128xf32, #tpu.memory_space<vmem>>, vector<640x128xf32>
    %get3A_40 = arith.constant 0 : index
    %get3A_41 = arith.constant 0 : index
    %get3A_42 = vector.load %arg3[%get3A_40, %get3A_41] : memref<640x128xf32, #tpu.memory_space<vmem>>, vector<640x128xf32>
    %add3A = arith.addf %get3A_39, %get3A_42 : vector<640x128xf32>
    %get3A_43 = arith.constant 0 : index
    %get3A_44 = arith.constant 0 : index
    %get3A_45 = vector.load %arg17[%get3A_43, %get3A_44] : memref<400x128xf32, #tpu.memory_space<vmem>>, vector<400x128xf32>
    %dot_general3A = arith.constant dense<0.000000e+00> : vector<400x128xf32>
    %dot_general3A_46 = tpu.matmul %convert_element_type3A_36, %add3A, %dot_general3A {dimension_numbers = #tpu.dot_dimension_numbers<[0], [0], [1], [1], [0, 1, 1, 1], [], []>, transpose_lhs_hint = false} : vector<640x400xf32>, vector<640x128xf32>, vector<400x128xf32> -> vector<400x128xf32>
    %add3A_47 = arith.addf %get3A_45, %dot_general3A_46 : vector<400x128xf32>
    %swap3A = arith.constant 0 : index
    %swap3A_48 = arith.constant 0 : index
    %swap3A_49 = vector.load %arg17[%swap3A, %swap3A_48] : memref<400x128xf32, #tpu.memory_space<vmem>>, vector<400x128xf32>
    tpu.vector_store %arg17[%swap3A, %swap3A_48], %add3A_47 {strides = array<i32>} : memref<400x128xf32, #tpu.memory_space<vmem>>, vector<400x128xf32>,
    %eq3A_50 = arith.constant 1 : i32
    %eq3A_51 = arith.cmpi eq, %get3A_7, %eq3A_50 : i32
    %convert_element_type3A_52 = arith.extui %eq3A_51 : i1 to i32
    %cond3A_53 = arith.constant 0 : i32
    %cond3A_54 = arith.cmpi ne, %convert_element_type3A_52, %cond3A_53 : i32
    scf.if %cond3A_54 {
      %get3A_60 = arith.constant 0 : index
      %get3A_61 = arith.constant 0 : index
      %get3A_62 = vector.load %arg17[%get3A_60, %get3A_61] : memref<400x128xf32, #tpu.memory_space<vmem>>, vector<400x128xf32>
      %get3A_63 = arith.constant 0 : index
      %get3A_64 = arith.constant 0 : index
      %get3A_65 = vector.load %arg7[%get3A_63, %get3A_64] : memref<128x256xf32, #tpu.memory_space<vmem>>, vector<128x256xf32>
      %dot_general3A_66 = arith.constant dense<0.000000e+00> : vector<400x256xf32>
      %dot_general3A_67 = tpu.matmul %get3A_62, %get3A_65, %dot_general3A_66 {dimension_numbers = #tpu.dot_dimension_numbers<[1], [0], [0], [1], [0, 0, 1, 1], [], []>, transpose_lhs_hint = false} : vector<400x128xf32>, vector<128x256xf32>, vector<400x256xf32> -> vector<400x256xf32>
      %get3A_68 = arith.constant 0 : index
      %get3A_69 = arith.constant 0 : index
      %get3A_70 = vector.load %arg8[%get3A_68, %get3A_69] : memref<1x256xf32, #tpu.memory_space<vmem>>, vector<1x256xf32>
      %add3A_71 = vector.broadcast %get3A_70 : vector<1x256xf32> to vector<400x256xf32>
      %add3A_72 = arith.addf %dot_general3A_67, %add3A_71 : vector<400x256xf32>
      %max3A = arith.constant 0.000000e+00 : f32
      %max3A_73 = vector.broadcast %max3A : f32 to vector<400x256xf32>
      %max3A_74 = arith.maximumf %add3A_72, %max3A_73 : vector<400x256xf32>
      %get3A_75 = arith.constant 0 : index
      %get3A_76 = arith.constant 0 : index
      %get3A_77 = vector.load %arg9[%get3A_75, %get3A_76] : memref<256x128xf32, #tpu.memory_space<vmem>>, vector<256x128xf32>
      %dot_general3A_78 = arith.constant dense<0.000000e+00> : vector<400x128xf32>
      %dot_general3A_79 = tpu.matmul %max3A_74, %get3A_77, %dot_general3A_78 {dimension_numbers = #tpu.dot_dimension_numbers<[1], [0], [0], [1], [0, 0, 1, 1], [], []>, transpose_lhs_hint = false} : vector<400x256xf32>, vector<256x128xf32>, vector<400x128xf32> -> vector<400x128xf32>
      %get3A_80 = arith.constant 0 : index
      %get3A_81 = arith.constant 0 : index
      %get3A_82 = vector.load %arg10[%get3A_80, %get3A_81] : memref<1x128xf32, #tpu.memory_space<vmem>>, vector<1x128xf32>
      %add3A_83 = vector.broadcast %get3A_82 : vector<1x128xf32> to vector<400x128xf32>
      %add3A_84 = arith.addf %dot_general3A_79, %add3A_83 : vector<400x128xf32>
      %reduce_sum3A = arith.constant dense<0.000000e+00> : vector<400xf32>
      %reduce_sum3A_85 = vector.multi_reduction <add>, %add3A_84, %reduce_sum3A [1] : vector<400x128xf32> to vector<400xf32>
      %broadcast_in_dim3A = vector.shape_cast %reduce_sum3A_85 : vector<400xf32> to vector<400x1xf32>
      %div3A = arith.constant 1.280000e+02 : f32
      %div3A_86 = vector.broadcast %div3A : f32 to vector<400x1xf32>
      %div3A_87 = arith.divf %broadcast_in_dim3A, %div3A_86 : vector<400x1xf32>
      %sub3A_88 = vector.broadcast %div3A_87 : vector<400x1xf32> to vector<400x128xf32>
      %sub3A_89 = arith.subf %add3A_84, %sub3A_88 : vector<400x128xf32>
      %mul3A_90 = arith.mulf %sub3A_89, %sub3A_89 : vector<400x128xf32>
      %reduce_sum3A_91 = arith.constant dense<0.000000e+00> : vector<400xf32>
      %reduce_sum3A_92 = vector.multi_reduction <add>, %mul3A_90, %reduce_sum3A_91 [1] : vector<400x128xf32> to vector<400xf32>
      %broadcast_in_dim3A_93 = vector.shape_cast %reduce_sum3A_92 : vector<400xf32> to vector<400x1xf32>
      %div3A_94 = arith.constant 1.280000e+02 : f32
      %div3A_95 = vector.broadcast %div3A_94 : f32 to vector<400x1xf32>
      %div3A_96 = arith.divf %broadcast_in_dim3A_93, %div3A_95 : vector<400x1xf32>
      %add3A_97 = arith.constant 9.99999974E-6 : f32
      %add3A_98 = vector.broadcast %add3A_97 : f32 to vector<400x1xf32>
      %add3A_99 = arith.addf %div3A_96, %add3A_98 : vector<400x1xf32>
      %rsqrt3A = math.rsqrt %add3A_99 : vector<400x1xf32>
      %mul3A_100 = vector.broadcast %rsqrt3A : vector<400x1xf32> to vector<400x128xf32>
      %mul3A_101 = arith.mulf %sub3A_89, %mul3A_100 : vector<400x128xf32>
      %get3A_102 = arith.constant 0 : index
      %get3A_103 = arith.constant 0 : index
      %get3A_104 = vector.load %arg11[%get3A_102, %get3A_103] : memref<1x128xf32, #tpu.memory_space<vmem>>, vector<1x128xf32>
      %mul3A_105 = vector.broadcast %get3A_104 : vector<1x128xf32> to vector<400x128xf32>
      %mul3A_106 = arith.mulf %mul3A_101, %mul3A_105 : vector<400x128xf32>
      %get3A_107 = arith.constant 0 : index
      %get3A_108 = arith.constant 0 : index
      %get3A_109 = vector.load %arg12[%get3A_107, %get3A_108] : memref<1x128xf32, #tpu.memory_space<vmem>>, vector<1x128xf32>
      %add3A_110 = vector.broadcast %get3A_109 : vector<1x128xf32> to vector<400x128xf32>
      %add3A_111 = arith.addf %mul3A_106, %add3A_110 : vector<400x128xf32>
      %get3A_112 = arith.constant 0 : index
      %get3A_113 = arith.constant 0 : index
      %get3A_114 = vector.load %arg5[%get3A_112, %get3A_113] : memref<400x1xi32, #tpu.memory_space<vmem>>, vector<400x1xi32>
      %iota3A_115 = tpu.iota {dimensions = array<i32: 1>} : vector<400x512xi32>
      %eq3A_116 = vector.broadcast %get3A_114 : vector<400x1xi32> to vector<400x512xi32>
      %eq3A_117 = arith.cmpi eq, %eq3A_116, %iota3A_115 : vector<400x512xi32>
      %convert_element_type3A_118 = arith.extui %eq3A_117 : vector<400x512xi1> to vector<400x512xi32>
      %convert_element_type3A_119 = arith.sitofp %convert_element_type3A_118 : vector<400x512xi32> to vector<400x512xf32>
      %get3A_120 = arith.constant 0 : index
      %get3A_121 = arith.constant 0 : index
      %get3A_122 = vector.load %arg13[%get3A_120, %get3A_121] : memref<512x1xf32, #tpu.memory_space<vmem>>, vector<512x1xf32>
      %dot_general3A_123 = arith.constant dense<0.000000e+00> : vector<400x1xf32>
      %dot_general3A_124 = tpu.matmul %convert_element_type3A_119, %get3A_122, %dot_general3A_123 {dimension_numbers = #tpu.dot_dimension_numbers<[1], [0], [0], [1], [0, 0, 1, 1], [], []>, transpose_lhs_hint = false} : vector<400x512xf32>, vector<512x1xf32>, vector<400x1xf32> -> vector<400x1xf32>
      %mul3A_125 = vector.broadcast %dot_general3A_124 : vector<400x1xf32> to vector<400x128xf32>
      %mul3A_126 = arith.mulf %add3A_111, %mul3A_125 : vector<400x128xf32>
      %get3A_127 = arith.constant 0 : index
      %get3A_128 = arith.constant 0 : index
      %get3A_129 = vector.load %arg6[%get3A_127, %get3A_128] : memref<400x128xf32, #tpu.memory_space<vmem>>, vector<400x128xf32>
      %add3A_130 = arith.addf %mul3A_126, %get3A_129 : vector<400x128xf32>
      %swap3A_131 = arith.constant 0 : index
      %swap3A_132 = arith.constant 0 : index
      %swap3A_133 = vector.load %arg15[%swap3A_131, %swap3A_132] : memref<400x128xf32, #tpu.memory_space<vmem>>, vector<400x128xf32>
      tpu.vector_store %arg15[%swap3A_131, %swap3A_132], %add3A_130 {strides = array<i32>} : memref<400x128xf32, #tpu.memory_space<vmem>>, vector<400x128xf32>,
      %get3A_134 = arith.constant 0 : index
      %get3A_135 = arith.constant 0 : index
      %get3A_136 = vector.load %arg16[%get3A_134, %get3A_135] : memref<512x128xf32, #tpu.memory_space<vmem>>, vector<512x128xf32>
      %dot_general3A_137 = arith.constant dense<0.000000e+00> : vector<512x128xf32>
      %dot_general3A_138 = tpu.matmul %convert_element_type3A_119, %add3A_130, %dot_general3A_137 {dimension_numbers = #tpu.dot_dimension_numbers<[0], [0], [1], [1], [0, 1, 1, 1], [], []>, transpose_lhs_hint = false} : vector<400x512xf32>, vector<400x128xf32>, vector<512x128xf32> -> vector<512x128xf32>
      %add3A_139 = arith.addf %get3A_136, %dot_general3A_138 : vector<512x128xf32>
      %swap3A_140 = arith.constant 0 : index
      %swap3A_141 = arith.constant 0 : index
      %swap3A_142 = vector.load %arg16[%swap3A_140, %swap3A_141] : memref<512x128xf32, #tpu.memory_space<vmem>>, vector<512x128xf32>
      tpu.vector_store %arg16[%swap3A_140, %swap3A_141], %add3A_139 {strides = array<i32>} : memref<512x128xf32, #tpu.memory_space<vmem>>, vector<512x128xf32>,
    } else {
    }
    %eq3A_55 = arith.constant 524 : i32
    %eq3A_56 = arith.cmpi eq, %arg0, %eq3A_55 : i32
    %convert_element_type3A_57 = arith.extui %eq3A_56 : i1 to i32
    %cond3A_58 = arith.constant 0 : i32
    %cond3A_59 = arith.cmpi ne, %convert_element_type3A_57, %cond3A_58 : i32
    scf.if %cond3A_59 {
      %get3A_60 = arith.constant 0 : index
      %get3A_61 = arith.constant 0 : index
      %get3A_62 = vector.load %arg16[%get3A_60, %get3A_61] : memref<512x128xf32, #tpu.memory_space<vmem>>, vector<512x128xf32>
      %get3A_63 = arith.constant 0 : index
      %get3A_64 = arith.constant 0 : index
      %get3A_65 = vector.load %arg14[%get3A_63, %get3A_64] : memref<512x1xf32, #tpu.memory_space<vmem>>, vector<512x1xf32>
      %mul3A_66 = vector.broadcast %get3A_65 : vector<512x1xf32> to vector<512x128xf32>
      %mul3A_67 = arith.mulf %get3A_62, %mul3A_66 : vector<512x128xf32>
      %swap3A_68 = arith.constant 0 : index
      %swap3A_69 = arith.constant 0 : index
      %swap3A_70 = vector.load %arg16[%swap3A_68, %swap3A_69] : memref<512x128xf32, #tpu.memory_space<vmem>>, vector<512x128xf32>
      tpu.vector_store %arg16[%swap3A_68, %swap3A_69], %mul3A_67 {strides = array<i32>} : memref<512x128xf32, #tpu.memory_space<vmem>>, vector<512x128xf32>,
    } else {
    }
    return
  }
  func.func @transform_0(%arg0: i32, %arg1: memref<5x525xi32, #tpu.memory_space<smem>>) -> (i32, i32) {
    %get3A = arith.constant 1 : index
    %get3A_0 = arith.index_cast %arg0 : i32 to index
    %get3A_1 = memref.load %arg1[%get3A, %get3A_0] : memref<5x525xi32, #tpu.memory_space<smem>>
    %c0_i32 = arith.constant 0 : i32
    %c0_i32_2 = arith.constant 0 : i32
    return %get3A_1, %c0_i32 : i32, i32
  }
  func.func @transform_1(%arg0: i32, %arg1: memref<5x525xi32, #tpu.memory_space<smem>>) -> (i32, i32) {
    %get3A = arith.constant 1 : index
    %get3A_0 = arith.index_cast %arg0 : i32 to index
    %get3A_1 = memref.load %arg1[%get3A, %get3A_0] : memref<5x525xi32, #tpu.memory_space<smem>>
    %c0_i32 = arith.constant 0 : i32
    %c0_i32_2 = arith.constant 0 : i32
    return %get3A_1, %c0_i32 : i32, i32
  }
  func.func @transform_2(%arg0: i32, %arg1: memref<5x525xi32, #tpu.memory_space<smem>>) -> (i32, i32) {
    %get3A = arith.constant 1 : index
    %get3A_0 = arith.index_cast %arg0 : i32 to index
    %get3A_1 = memref.load %arg1[%get3A, %get3A_0] : memref<5x525xi32, #tpu.memory_space<smem>>
    %c0_i32 = arith.constant 0 : i32
    %c0_i32_2 = arith.constant 0 : i32
    return %get3A_1, %c0_i32 : i32, i32
  }
  func.func @transform_3(%arg0: i32, %arg1: memref<5x525xi32, #tpu.memory_space<smem>>) -> (i32, i32) {
    %get3A = arith.constant 0 : index
    %get3A_0 = arith.index_cast %arg0 : i32 to index
    %get3A_1 = memref.load %arg1[%get3A, %get3A_0] : memref<5x525xi32, #tpu.memory_space<smem>>
    %c0_i32 = arith.constant 0 : i32
    %c0_i32_2 = arith.constant 0 : i32
    return %get3A_1, %c0_i32 : i32, i32
  }
  func.func @transform_4(%arg0: i32, %arg1: memref<5x525xi32, #tpu.memory_space<smem>>) -> (i32, i32) {
    %get3A = arith.constant 0 : index
    %get3A_0 = arith.index_cast %arg0 : i32 to index
    %get3A_1 = memref.load %arg1[%get3A, %get3A_0] : memref<5x525xi32, #tpu.memory_space<smem>>
    %c0_i32 = arith.constant 0 : i32
    %c0_i32_2 = arith.constant 0 : i32
    return %get3A_1, %c0_i32 : i32, i32
  }
  func.func @transform_5(%arg0: i32, %arg1: memref<5x525xi32, #tpu.memory_space<smem>>) -> (i32, i32) {
    %c0_i32 = arith.constant 0 : i32
    %c0_i32_0 = arith.constant 0 : i32
    %c0_i32_1 = arith.constant 0 : i32
    return %c0_i32, %c0_i32_0 : i32, i32
  }
  func.func @transform_6(%arg0: i32, %arg1: memref<5x525xi32, #tpu.memory_space<smem>>) -> (i32, i32) {
    %c0_i32 = arith.constant 0 : i32
    %c0_i32_0 = arith.constant 0 : i32
    %c0_i32_1 = arith.constant 0 : i32
    return %c0_i32, %c0_i32_0 : i32, i32
  }
  func.func @transform_7(%arg0: i32, %arg1: memref<5x525xi32, #tpu.memory_space<smem>>) -> (i32, i32) {
    %c0_i32 = arith.constant 0 : i32
    %c0_i32_0 = arith.constant 0 : i32
    %c0_i32_1 = arith.constant 0 : i32
    return %c0_i32, %c0_i32_0 : i32, i32
  }
  func.func @transform_8(%arg0: i32, %arg1: memref<5x525xi32, #tpu.memory_space<smem>>) -> (i32, i32) {
    %c0_i32 = arith.constant 0 : i32
    %c0_i32_0 = arith.constant 0 : i32
    %c0_i32_1 = arith.constant 0 : i32
    return %c0_i32, %c0_i32_0 : i32, i32
  }
  func.func @transform_9(%arg0: i32, %arg1: memref<5x525xi32, #tpu.memory_space<smem>>) -> (i32, i32) {
    %c0_i32 = arith.constant 0 : i32
    %c0_i32_0 = arith.constant 0 : i32
    %c0_i32_1 = arith.constant 0 : i32
    return %c0_i32, %c0_i32_0 : i32, i32
  }
  func.func @transform_10(%arg0: i32, %arg1: memref<5x525xi32, #tpu.memory_space<smem>>) -> (i32, i32) {
    %c0_i32 = arith.constant 0 : i32
    %c0_i32_0 = arith.constant 0 : i32
    %c0_i32_1 = arith.constant 0 : i32
    return %c0_i32, %c0_i32_0 : i32, i32
  }
  func.func @transform_11(%arg0: i32, %arg1: memref<5x525xi32, #tpu.memory_space<smem>>) -> (i32, i32) {
    %c0_i32 = arith.constant 0 : i32
    %c0_i32_0 = arith.constant 0 : i32
    %c0_i32_1 = arith.constant 0 : i32
    return %c0_i32, %c0_i32_0 : i32, i32
  }
  func.func @transform_12(%arg0: i32, %arg1: memref<5x525xi32, #tpu.memory_space<smem>>) -> (i32, i32) {
    %c0_i32 = arith.constant 0 : i32
    %c0_i32_0 = arith.constant 0 : i32
    %c0_i32_1 = arith.constant 0 : i32
    return %c0_i32, %c0_i32_0 : i32, i32
  }
  func.func @transform_13(%arg0: i32, %arg1: memref<5x525xi32, #tpu.memory_space<smem>>) -> (i32, i32) {
    %get3A = arith.constant 0 : index
    %get3A_0 = arith.index_cast %arg0 : i32 to index
    %get3A_1 = memref.load %arg1[%get3A, %get3A_0] : memref<5x525xi32, #tpu.memory_space<smem>>
    %c0_i32 = arith.constant 0 : i32
    %c0_i32_2 = arith.constant 0 : i32
    return %get3A_1, %c0_i32 : i32, i32
  }
  func.func @transform_14(%arg0: i32, %arg1: memref<5x525xi32, #tpu.memory_space<smem>>) -> (i32, i32) {
    %c0_i32 = arith.constant 0 : i32
    %c0_i32_0 = arith.constant 0 : i32
    %c0_i32_1 = arith.constant 0 : i32
    return %c0_i32, %c0_i32_0 : i32, i32
  }
}

</mosaic_0001>

<sc_bundles>
// kernel: gather_offload_async_start.1
scs
__scs_entry_jumppad:
0x0: {  	(pc) =	sbr.rel $0x88, $3  }
0x1: {  	(tag) =	ssettag $0x0;
	lr =	simm.s32 $0x1  }
0x2: {  	[smem:$0x3F8C] =	sst lr;
	_ =	strace $0xD0000000  }
0x3: {  	_ = 	snop  }
0x4: {  	_ = 	snop  }
0x5: {  	_ = 	snop  }
0x6: {  	_ = 	snop  }
0x7: {  	_ = 	snop  }
__scs_overlays_trampoline_lowered:
0x8: {  	[smem:$0x3F9B] =	sst s0  }
0x9: {  	[smem:$0x3F9C] =	sst s1  }
0xa: {  	[smem:$0x3F9D] =	sst s2  }
0xb: {  	[smem:$0x3F9E] =	sst s3  }
0xc: {  	[smem:$0x3F9F] =	sst s4  }
0xd: {  	[smem:$0x3FA0] =	sst s5  }
0xe: {  	[smem:$0x3FA1] =	sst s6  }
0xf: {  	[smem:$0x3FA2] =	sst s7  }
0x10: {  	[smem:$0x3FA3] =	sst s8  }
0x11: {  	[smem:$0x3FA4] =	sst s9;
	s0 =	simm.s32 @!p0 $0x0  }
0x12: {  	s1 =	sld [smem:$0x3F8A];
	s0 =	simm.s32 @p0 $0x1  }
0x13: {  	[smem:$0x3FA5] =	sst s0;
	s0 =	simm.s32 @!p1 $0x0  }
0x14: {  	s2 =	sld [smem:$0x3F89];
	s0 =	simm.s32 @p1 $0x1  }
0x15: {  	[smem:$0x3FA6] =	sst s0;
	s0 =	simm.s32 @!p2 $0x0  }
0x16: {  	s3 =	sld [smem:$0x3FDB];
	s0 =	simm.s32 @p2 $0x1  }
0x17: {  	s4 =	simm.s32 $0x1BF5;
	[smem:$0x3FA8] =	sst s0  }
0x18: {  	s0 =	sld [smem:$0x3F8B];
	_ =	swait.ge [sflag:s4], $0x0  }
0x19: {  	s7 =	sld [smem:$0x3F8C]  }
0x1a: {  	s8 =	sadd.s32 $0xFFFFE003, lr  }
0x1b: {  	s9 =	sadd.s32 $0xFFFFFEF7, lr;
	s5 =	simm.s32 $0xFFFFFFFF;
	p2 =	slt.u32 s8, $0xFFFFF086  }
0x1c: {  	p1 =	slt.u32 s9, $0xF7A;
	s5 =	simm.s32 @!p2 $0x0  }
0x1d: {  	s5 =	simm.s32 @p1 $0x1;
	p0 =	seq.s32 s7, s2  }
0x1e: {  	s7 =	smul.u32 @!p0 $0xF7A, s2;
	p2 =	seq.s32 @!p0 s5, $0x0  }
0x1f: {  	s9 =	smul.u32 $0xF7A, s1;
	s8 =	simm.s32 @!p0 $0x1BF5;
	p2 =	por !p2, p0  }
0x20: {  	[sflag:s8] =	ssyncset.s32 @!p0 $0xFFFFF086;
	s6 =	sadd.s32 @!p0 s3, s7;
	s7 =	simm.s32 @!p0 $0x108  }
0x21: {  	s3 =	sadd.s32 s3, s9;
	s6 =	sadd.s32 @!p0 $0x88, s6;
	s7 =	simm.s32 @p2 $0x1082  }
0x22: {  	[simem:s7], [sflag:s8] =	dma.local @!p0 [hbm:s6], $0xF7A  }
0x23: {  	s9 =	sor.u32 $0xD0000000, s2;
	s6 =	simm.s32 $0x108;
	_ =	swait.ge @!p0 [sflag:s8], $0x0  }
0x24: {  	s3 =	sadd.s32 $0x88, s3;
	s6 =	simm.s32 @!p1 $0x1082;
	[sflag:s4] =	ssyncset.s32 $0xFFFFF086  }
0x25: {  	[simem:s6], [sflag:s4] =	dma.local [hbm:s3], $0xF7A  }
0x26: {  	[smem:$0x3F8C] =	sst s1;
	(tag) =	ssettag s2;
	_ =	strace s9  }
0x27: {  	s1 =	sld [smem:$0x3F9C]  }
0x28: {  	s2 =	sld [smem:$0x3F9D]  }
0x29: {  	s4 =	sld [smem:$0x3F9F]  }
0x2a: {  	p0 =	seq.s32 s5, $0x0;
	s5 =	sld [smem:$0x3FA0]  }
0x2b: {  	s6 =	sld [smem:$0x3FA1]  }
0x2c: {  	s7 =	sld [smem:$0x3FA2]  }
0x2d: {  	s3 =	simm.s32 $0x108;
	s8 =	sld [smem:$0x3FA3]  }
0x2e: {  	s3 =	simm.s32 @!p0 $0x1082;
	s9 =	sld [smem:$0x3FA4]  }
0x2f: {  	lr =	sadd.s32 s0, s3;
	s0 =	sld [smem:$0x3F9B]  }
0x30: {  	s3 =	sld [smem:$0x3F9E]  }
0x31: {  	[smem:$0x3FA7] =	sst s10  }
0x32: {  	s10 =	sld [smem:$0x3FA5];
	_ =	sdelay $0x3  }
0x33: {  	p0 =	seq.s32 s10, $0x1;
	s10 =	sld [smem:$0x3FA7];
	_ =	sdelay $0x3  }
0x34: {  	[smem:$0x3FA7] =	sst s10  }
0x35: {  	s10 =	sld [smem:$0x3FA6];
	_ =	sdelay $0x3  }
0x36: {  	p1 =	seq.s32 s10, $0x1;
	s10 =	sld [smem:$0x3FA7];
	_ =	sdelay $0x3  }
0x37: {  	[smem:$0x3FA7] =	sst s10  }
0x38: {  	s10 =	sld [smem:$0x3FA8]  }
0x39: {  	_ = 	snop;
	(pc) =	sbr.ind lr, $3  }
0x3a: {  	_ = 	snop  }
0x3b: {  	_ = 	snop  }
0x3c: {  	p2 =	seq.s32 s10, $0x1;
	s10 =	sld [smem:$0x3FA7]  }
0x3d: {  	_ =	shalt  }
0x3e: {  	_ =	shalt  }
0x3f: {  	_ =	shalt  }
0x40: {  	_ =	shalt  }
0x41: {  	_ =	shalt  }
0x42: {  	_ =	shalt  }
0x43: {  	_ =	shalt  }
0x44: {  	_ =	shalt  }
0x45: {  	_ =	shalt  }
0x46: {  	_ =	shalt  }
0x47: {  	_ =	shalt  }
0x48: {  	_ =	shalt  }
0x49: {  	_ =	shalt  }
0x4a: {  	_ =	shalt  }
0x4b: {  	_ =	shalt  }
0x4c: {  	_ =	shalt  }
0x4d: {  	_ =	shalt  }
0x4e: {  	_ =	shalt  }
0x4f: {  	_ =	shalt  }
0x50: {  	_ =	shalt  }
0x51: {  	_ =	shalt  }
0x52: {  	_ =	shalt  }
0x53: {  	_ =	shalt  }
0x54: {  	_ =	shalt  }
0x55: {  	_ =	shalt  }
0x56: {  	_ =	shalt  }
0x57: {  	_ =	shalt  }
0x58: {  	_ =	shalt  }
0x59: {  	_ =	shalt  }
0x5a: {  	_ =	shalt  }
0x5b: {  	_ =	shalt  }
0x5c: {  	_ =	shalt  }
0x5d: {  	_ =	shalt  }
0x5e: {  	_ =	shalt  }
0x5f: {  	_ =	shalt  }
0x60: {  	_ =	shalt  }
0x61: {  	_ =	shalt  }
0x62: {  	_ =	shalt  }
0x63: {  	_ =	shalt  }
0x64: {  	_ =	shalt  }
0x65: {  	_ =	shalt  }
0x66: {  	_ =	shalt  }
0x67: {  	_ =	shalt  }
0x68: {  	_ =	shalt  }
0x69: {  	_ =	shalt  }
0x6a: {  	_ =	shalt  }
0x6b: {  	_ =	shalt  }
0x6c: {  	_ =	shalt  }
0x6d: {  	_ =	shalt  }
0x6e: {  	_ =	shalt  }
0x6f: {  	_ =	shalt  }
0x70: {  	_ =	shalt  }
0x71: {  	_ =	shalt  }
0x72: {  	_ =	shalt  }
0x73: {  	_ =	shalt  }
0x74: {  	_ =	shalt  }
0x75: {  	_ =	shalt  }
0x76: {  	_ =	shalt  }
0x77: {  	_ =	shalt  }
0x78: {  	_ =	shalt  }
0x79: {  	_ =	shalt  }
0x7a: {  	_ =	shalt  }
0x7b: {  	_ =	shalt  }
0x7c: {  	_ =	shalt  }
0x7d: {  	_ =	shalt  }
0x7e: {  	_ =	shalt  }
0x7f: {  	_ =	shalt  }
0x80: {  	_ =	shalt  }
0x81: {  	_ =	shalt  }
0x82: {  	_ =	shalt  }
0x83: {  	_ =	shalt  }
0x84: {  	_ =	shalt  }
0x85: {  	_ =	shalt  }
0x86: {  	_ =	shalt  }
0x87: {  	_ =	shalt  }
.Lfunc_end0:
.L_simem_size_0:
called_computation.1_lowered:
.L_overlay_start_0:
0x88: {  	s2 =	sld [smem:$0x3FD9]  }
0x89: {  	s3 =	sld [smem:$0x3FFE];
	_ =	sdelay $0x1  }
0x8a: {  	s1 =	srdreg.scid  }
0x8b: {  	s0 =	sand.u32 $0x1, s1  }
0x8c: {  	s14 =	sshll.u32 s0, $0xA;
	s2 =	sadd.s32 s3, s2  }
0x8d: {  	s2 =	sadd.s32 s2, s14  }
0x8e: {  	[smem:$0x3FB3] =	sst s2  }
0x8f: {  	_ = 	snop  }
0x90: {  	s2 =	sld [smem:$0x3FD0];
	_ =	sdelay $0x2  }
0x91: {  	s15 =	simm.s32 $0xE;
	s4 =	simm.s32 $0x10  }
0x92: {  	[smem:s4], [sflag:s15] =	dma.local [hbm:s2], $0x1  }
0x93: {  	_ =	swait.eq [sflag:s15], $0x1  }
0x94: {  	[sflag:s15] =	ssyncset.done $0x0  }
0x95: {  	[sflag:s15] =	ssyncadd.s32 $0xFFFFFFFF  }
0x96: {  	s16 =	sld [smem:$0x10];
	(tm) =	ssettm $0x1  }
0x97: {  	s17 =	sld [smem:$0x3FFB];
	_ =	sdelay $0x3  }
0x98: {  	_ =	strace s17  }
0x99: {  	s3 =	sld [smem:$0x3FFC];
	_ =	sdelay $0x3  }
0x9a: {  	_ =	strace s3  }
0x9b: {  	s3 =	sld [smem:$0x3FFD];
	_ =	sdelay $0x3  }
0x9c: {  	_ =	strace s3  }
0x9d: {  	_ =	strace $0x8FFFFFFF  }
0x9e: {  	s18 =	sld [smem:$0x3FDB];
	_ =	sdelay $0x1  }
0x9f: {  	s19 =	simm.s32 $_scs_section_size  }
0xa0: {  	s5 =	simm.s32 $_size__tile_overlayer_lowered;
	s6 =	simm.s32 $_tile_overlayer_lowered  }
0xa1: {  	s22 =	simm.s32 $0x1BFF;
	s21 =	sshll.u32 s6, $0x1;
	s3 =	sadd.s32 s19, s18  }
0xa2: {  	s7 =	simm.s32 $0x0;
	s20 =	sshll.u32 s5, $0x1;
	s5 =	sadd.s32 s21, s3  }
0xa3: {  	[timem:s7], [sflag:s22] =	dma.local [hbm:s5], s20  }
0xa4: {  	_ =	swait.ge [sflag:s22], s20  }
0xa5: {  	s4 =	ssub.s32 $0x0, s20;
	[sflag:s22] =	ssyncset.done $0x0  }
0xa6: {  	[sflag:s22] =	ssyncadd.s32 s4;
	_ =	sdelay $0x1  }
0xa7: {  	s23 =	simm.s32 $0x1B8B  }
0xa8: {  	_ =	swait.ge [sflag:s23], $0x1  }
0xa9: {  	[sflag:s23] =	ssyncset.done $0x0  }
0xaa: {  	s25 =	simm.s32 $0x1B8E;
	s24 =	sld [smem:$0x3FFE];
	[sflag:s23] =	ssyncadd.s32 $0xFFFFFFFF  }
0xab: {  	s26 =	simm.s32 $execute0_lowered;
	[smem:$0x3FD2] =	sst s25  }
0xac: {  	s5 =	sshll.u32 s26, $0x1;
	_ =	strace $0x80000046;
	[dreg:$0x1] =	wrdreg $0xFFFFFFFF  }
0xad: {  	s28 =	simm.s32 $_size_execute0_lowered;
	s3 =	sadd.s32 s3, s5;
	[dreg:$0x0] =	wrdreg $0x0  }
0xae: {  	s5 =	sshll.u32 s28, $0x1;
	[dreg:$0x2] =	wrdreg s3  }
0xaf: {  	[dreg:$0x3] =	wrdreg s5  }
0xb0: {  	[dreg:$0x4] =	wrdreg $0xC0  }
0xb1: {  	_ =	task [dreg:s7], $0x5FFFF  }
0xb2: {  	[dreg:$0x1] =	wrdreg $0xFFFFFFFF  }
0xb3: {  	[dreg:$0x0] =	wrdreg $0x60  }
0xb4: {  	[dreg:$0x2] =	wrdreg s16  }
0xb5: {  	[dreg:$0x3] =	wrdreg s24  }
0xb6: {  	[dreg:$0x4] =	wrdreg $0xB  }
0xb7: {  	_ =	task.clear_ibuf [dreg:s7], $0x5FFFF;
	_ =	strace $0x90000046  }
0xb8: {  	s29 =	simm.s32 $0xB;
	_ =	strace $0x80000048  }
0xb9: {  	_ =	swait.ge [sflag:s29], $0x1  }
0xba: {  	[sflag:s29] =	ssyncadd.s32 $0xFFFFFFFF  }
0xbb: {  	_ =	strace $0x90000048  }
0xbc: {  	_ =	sfence  }
0xbd: {  	s30 =	sld [smem:$0x0];
	_ =	sdelay $0x2  }
0xbe: {  	s31 =	sshll.u32 s1, $0xD;
	s1 =	sshrl.u32 s1, $0x2  }
0xbf: {  	s3 =	sand.u32 $0x4000, s31;
	s1 =	sadd.s32 s1, s30  }
0xc0: {  	s0 =	sor.u32 s3, s0;
	s1 =	sshll.u32 s1, $0x11  }
0xc1: {  	s0 =	sor.u32 s1, s0  }
0xc2: {  	s0 =	sadd.s32 $0x8F2B, s0  }
0xc3: {  	[sflag:s0] =	ssyncadd.remote.s32 $0x1  }
0xc4: {  	_ =	sfence.sel $0xFFFF  }
0xc5: {  	[dreg:$0x0] =	wrdreg $0xFFFFFFFF;
	(pc) =	sbr.abs _section_cstart, $3  }
0xc6: {  	[dreg:$0x1] =	wrdreg $0xFFFFFFFF  }
0xc7: {  	_ =	task.clear_ibuf [dreg:s7], $0x2FFFF;
	_ =	strace $0x9FFFFFFF  }
0xc8: {  	(tm) =	ssettm $0x7FFFFFFF  }
0xc9: {  	_ =	shalt  }
tec
execute0_lowered:
.L_overlay_start_1:
0x0: {  	(tag) =	ssettag $0x1  }
0x1: {  	s2 =	rddreg [dreg:$0x0]  }
0x2: {  	s8 =	rddreg [dreg:$0x1]  }
0x3: {  	s0 =	rddreg [dreg:$0x2];
	s1 =	stileid.u32  }
0x4: {  	s3 =	srdreg.scid;
	_ =	strace $0x80000047;
	s4 =	simm.s32 $0x1  }
0x5: {  	s7 =	simm.s32 $0x1;
	s9 =	simm.s32 $0x1;
	s10 =	simm.s32 $0x3  }
0x6: {  	s13 =	simm.s32 $0x0;
	s5 =	sand.u32 $0x1, s3;
	s6 =	sshll.u32 s1, $0x1  }
0x7: {  	s12 =	simm.s32 $0x0;
	s3 =	sadd.s32 $0x4E00, s8;
	s5 =	sor.u32 s6, s5  }
.Ltmp0:
0x8: {  	[sflag:s4] =	ssyncpa.u1 $0x0;
	p0 =	slt.u32 s5, $0x9;
	(pc) =	sbr.rel .LBB2_1-.Ltmp0, $4  }
0x9: {  	s6 =	simm.s32 $0x2;
	s7 =	simm.s32 @!p0 $0x0;
	p0 =	sne.s32 s5, $0x8  }
0xa: {  	[sflag:s6] =	ssyncpa.u1 $0x0;
	s5 =	smul.u32 $0x3E80, s5;
	s9 =	simm.s32 @!p0 $0x0  }
0xb: {  	s8 =	sadd.s32 $0x40000, s8;
	[sflag:s10] =	ssyncpa.u1 $0x0;
	s7 =	sadd.s32 s9, s7  }
0xc: {  	vm0 =	vmmov $0xffff;
	s10 =	simm.s32 $0x0;
	s11 =	smov.u32 s5;
	s9 =	sadd.s32 $0x1, s7  }
.LBB2_4:
0xd: {  	v2 =	vnsel vm1, $0x0, v2  }
0xe: {  	vm1 =	vgt.s32 v0, $0x0;
	v2 =	vmin.u32 v2, $0x9C3FF  }
0xf: {  	v0 =	vnsel vm1, $0x0, v0  }
0x10: {  	v0 =	vmin.u32 v0, $0x9C3FF  }
0x11: {  	[tilespmem:s18], [sflag:$0x1] =	stream.indirect_vreg.gather [hbm4b:s2+s10], $0x1, v1, vm0, $0x4038;
	[tilespmem:$0xFA00] =	vst v63  }
0x12: {  	(ifvalue) =	ssetifvalue $0x7FFFFFFF  }
0x13: {  	[tilespmem:s15], [sflag:$0x1] =	stream.indirect_vreg.gather [hbm4b:s2+s10], $0x1, v2, vm0, $0x4038;
	[tilespmem:$0xFA00] =	vst v63  }
0x14: {  	s29 =	sadd.s32 $0x10, s15;
	(ifvalue) =	ssetifvalue $0x7FFFFFFF  }
0x15: {  	[tilespmem:s29], [sflag:$0x1] =	stream.indirect_vreg.gather [hbm4b:s2+s10], $0x1, v0, vm0, $0x4038;
	[tilespmem:$0xFA00] =	vst v63  }
0x16: {  	_ =	swait.ge [sflag:s4], $0x3E80  }
0x17: {  	s30 =	sshrl.u32 s13, $0x3;
	[sflag:s4] =	ssyncset.done $0x0  }
0x18: {  	s31 =	sand.u32 $0x7, s13;
	s15 =	sadd.s32 s8, s30;
	[sflag:s4] =	ssyncadd.s32 $0xFFFFC180  }
0x19: {  	[hbm4b:s15+s31] =	stream.linear.scatter [tilespmem:s14], [sflag:$0x3], $0x3E80, $0x38;
	[tilespmem:$0xFA00] =	vst v63  }
.LBB2_5:
0x1a: {  	s15 =	sadd.s32 $0x7D000, s11  }
0x1b: {  	p1 =	sgt.s32 s15, $0x9C3FF  }
0x1c: {  	s15 =	smov.u32 @p1 s5;
	p1 =	sne.s32 s12, s9  }
.Ltmp1:
0x1d: {  	p0 =	slt.u32 s12, $0x2;
	(pc) =	sbr.rel @!p1 .LBB2_6-.Ltmp1, $4  }
0x1e: {  	s14 =	simm.s32 @!p0 $0x3  }
0x1f: {  	_ =	swait.ge @!p0 [sflag:s14], $0x3E80  }
0x20: {  	s16 =	sadd.s32 $0x1, s12;
	s13 =	smov.u32 s11;
	[sflag:s14] =	ssyncset.done @!p0 $0x0  }
0x21: {  	s12 =	smov.u32 s16;
	s11 =	smov.u32 s15;
	[sflag:s14] =	ssyncadd.s32 @!p0 $0xFFFFC180  }
.LBB2_1:
0x22: {  	p0 =	sge.u32 s12, s7  }
0x23: {  	s14 =	sxor.u32 @!p0 $0x1, s12  }
0x24: {  	s14 =	smul.u32 @!p0 $0xFA00, s14  }
0x25: {  	s31 =	sadd.s32 $0xFFFFFFFF, s12;
	s15 =	sshrl.u32 @!p0 s11, $0x3  }
0x26: {  	s16 =	sand.u32 @!p0 $0x7, s11;
	s15 =	sadd.s32 @!p0 s3, s15;
	s14 =	sshra.s32 @!p0 s14, $0x2  }
0x27: {  	[tilespmem:s14], [sflag:$0x2] =	stream.linear.gather @!p0 [hbm4b:s15+s16], $0x3E80, $0x38;
	[tilespmem:$0xFA00] =	vst v63  }
0x28: {  	p0 =	sge.u32 s31, s7  }
.Ltmp2:
0x29: {  	_ = 	snop;
	(pc) =	sbr.rel @p0 .LBB2_5-.Ltmp2, $1  }
0x2a: {  	_ =	sdelay $0x3  }
0x2b: {  	s14 =	sand.u32 $0x1, s12  }
0x2c: {  	_ =	swait.ge [sflag:s6], $0x3E80;
	p0 =	seq.s32 s14, $0x1;
	s14 =	simm.s32 $0x3E80  }
0x2d: {  	[sflag:s6] =	ssyncset.done $0x0;
	s14 =	simm.s32 @!p0 $0x0  }
0x2e: {  	[sflag:s6] =	ssyncadd.s32 $0xFFFFC180;
	(ifvalue) =	ssetifvalue $0x7FFFFFFF;
	v0 =	vld.msk [tilespmem:s14+$0x0 ss:$0x1], $0xffff;
	_ =	sdelay $0x4  }
0x2f: {  	s15 =	sadd.s32 $0x10, s14;
	vm1 =	vgt.s32 v0, $0x0  }
0x30: {  	v2 =	vld.msk [tilespmem:s15+$0x0 ss:$0x1], $0xffff;
	v1 =	vnsel vm1, $0x0, v0  }
0x31: {  	v1 =	vmin.u32 v1, $0x9C3FF;
	_ =	sdelay $0x2  }
0x32: {  	s17 =	simm.s32 $0x20;
	s14 =	sadd.s32 $0x7D00, s14;
	s16 =	sadd.s32 $0x10, s15  }
0x33: {  	s15 =	sadd.s32 $0x10, s14;
	s18 =	smov.u32 s14;
	v0 =	vld.msk [tilespmem:s16+$0x0 ss:$0x1], $0xffff;
	vm1 =	vgt.s32 v2, $0x0;
	(ifvalue) =	ssetifvalue $0x7FFFFFFF  }
.LBB2_3:
0x34: {  	[tilespmem:s18], [sflag:$0x1] =	stream.indirect_vreg.gather [hbm4b:s2+s10], $0x1, v1, vm0, $0x4038;
	[tilespmem:$0xFA00] =	vst v63  }
0x35: {  	s17 =	sadd.s32 $0x10, s17  }
0x36: {  	v2 =	vnsel vm1, $0x0, v2;
	p0 =	slt.u32 s17, $0x3E70  }
.Ltmp3:
0x37: {  	s18 =	smov.u32 s15;
	v1 =	vmin.u32 v2, $0x9C3FF;
	(pc) =	sbr.rel @p0 .LBB2_3-.Ltmp3, $3  }
0x38: {  	_ =	sdelay $0x1  }
0x39: {  	s16 =	sadd.s32 $0x10, s16  }
0x3a: {  	vm1 =	vgt.s32 v0, $0x0;
	s15 =	sadd.s32 $0x10, s15;
	v2 =	vmov v0;
	(ifvalue) =	ssetifvalue $0x7FFFFFFF;
	v0 =	vld.msk [tilespmem:s16+$0x0 ss:$0x1], $0xffff  }
.Ltmp4:
0x3b: {  	_ = 	snop;
	(pc) =	sbr.rel .LBB2_4-.Ltmp4, $1  }
0x3c: {  	_ =	sdelay $0x3  }
.LBB2_6:
0x3d: {  	_ =	sfence.sel $0x180000  }
0x3e: {  	s2 =	simm.s32 $0x2;
	[bflag:$0x0] =	sbarrier.arrive $0xFFFF  }
0x3f: {  	s30 =	simm.s32 $0x3;
	[sflag:s2] =	ssyncpa.u1 $0x1  }
0x40: {  	s31 =	simm.s32 $0x1;
	[sflag:s30] =	ssyncpa.u1 $0x1  }
0x41: {  	[sflag:s31] =	ssyncpa.u1 $0x1  }
0x42: {  	p0 =	sne.s32 s1, $0x0;
	_ =	strace $0x90000047  }
0x43: {  	s0 =	sadd.s32 @!p0 $0x100000, s0;
	[bflag:$0x2] =	sbarrier.arrive $0xFFFF  }
0x44: {  	[sflag:s0] =	ssyncadd.tile.s32 @!p0 $0x1;
	_ =	shalt  }
.Lfunc_end2:
_tile_overlayer_lowered:
.L_overlay_start_2:
0x45: {  	(tag) =	ssettag $0x2  }
0x46: {  	s0 =	rddreg [dreg:$0x0];
	s2 =	stileid.u32  }
0x47: {  	s1 =	rddreg [dreg:$0x1];
	p0 =	sne.s32 s2, $0x0  }
0x48: {  	s3 =	rddreg [dreg:$0x2];
	[bflag:$0x3] =	sbarrier.arrive $0xFFFF;
	s2 =	simm.s32 @!p0 $0x1C01  }
0x49: {  	[timem:s3], [sflag:s2] =	dma.local @!p0 [hbm:s0], s1  }
0x4a: {  	s0 =	simm.s32 @!p0 $0x1  }
0x4b: {  	_ =	swait.ge @!p0 [sflag:s0], s1  }
0x4c: {  	s1 =	ssub.s32 @!p0 $0x0, s1;
	[sflag:s0] =	ssyncset.done @!p0 $0x0  }
0x4d: {  	[sflag:s0] =	ssyncadd.s32 @!p0 s1  }
0x4e: {  	[bflag:$0x3] =	sbarrier.arrive $0xFFFF  }
0x4f: {  	_ =	shalt  }

// kernel: gather_offload_async_start.2
scs
__scs_entry_jumppad:
0x0: {  	(pc) =	sbr.rel $0x88, $3  }
0x1: {  	(tag) =	ssettag $0x0;
	lr =	simm.s32 $0x1  }
0x2: {  	[smem:$0x3F8C] =	sst lr;
	_ =	strace $0xD0000000  }
0x3: {  	_ = 	snop  }
0x4: {  	_ = 	snop  }
0x5: {  	_ = 	snop  }
0x6: {  	_ = 	snop  }
0x7: {  	_ = 	snop  }
__scs_overlays_trampoline_lowered:
0x8: {  	[smem:$0x3F9B] =	sst s0  }
0x9: {  	[smem:$0x3F9C] =	sst s1  }
0xa: {  	[smem:$0x3F9D] =	sst s2  }
0xb: {  	[smem:$0x3F9E] =	sst s3  }
0xc: {  	[smem:$0x3F9F] =	sst s4  }
0xd: {  	[smem:$0x3FA0] =	sst s5  }
0xe: {  	[smem:$0x3FA1] =	sst s6  }
0xf: {  	[smem:$0x3FA2] =	sst s7  }
0x10: {  	[smem:$0x3FA3] =	sst s8  }
0x11: {  	[smem:$0x3FA4] =	sst s9;
	s0 =	simm.s32 @!p0 $0x0  }
0x12: {  	s1 =	sld [smem:$0x3F8A];
	s0 =	simm.s32 @p0 $0x1  }
0x13: {  	[smem:$0x3FA5] =	sst s0;
	s0 =	simm.s32 @!p1 $0x0  }
0x14: {  	s2 =	sld [smem:$0x3F89];
	s0 =	simm.s32 @p1 $0x1  }
0x15: {  	[smem:$0x3FA6] =	sst s0;
	s0 =	simm.s32 @!p2 $0x0  }
0x16: {  	s3 =	sld [smem:$0x3FDB];
	s0 =	simm.s32 @p2 $0x1  }
0x17: {  	s4 =	simm.s32 $0x1BF5;
	[smem:$0x3FA8] =	sst s0  }
0x18: {  	s0 =	sld [smem:$0x3F8B];
	_ =	swait.ge [sflag:s4], $0x0  }
0x19: {  	s7 =	sld [smem:$0x3F8C]  }
0x1a: {  	s8 =	sadd.s32 $0xFFFFE003, lr  }
0x1b: {  	s9 =	sadd.s32 $0xFFFFFEF7, lr;
	s5 =	simm.s32 $0xFFFFFFFF;
	p2 =	slt.u32 s8, $0xFFFFF086  }
0x1c: {  	p1 =	slt.u32 s9, $0xF7A;
	s5 =	simm.s32 @!p2 $0x0  }
0x1d: {  	s5 =	simm.s32 @p1 $0x1;
	p0 =	seq.s32 s7, s2  }
0x1e: {  	s7 =	smul.u32 @!p0 $0xF7A, s2;
	p2 =	seq.s32 @!p0 s5, $0x0  }
0x1f: {  	s9 =	smul.u32 $0xF7A, s1;
	s8 =	simm.s32 @!p0 $0x1BF5;
	p2 =	por !p2, p0  }
0x20: {  	[sflag:s8] =	ssyncset.s32 @!p0 $0xFFFFF086;
	s6 =	sadd.s32 @!p0 s3, s7;
	s7 =	simm.s32 @!p0 $0x108  }
0x21: {  	s3 =	sadd.s32 s3, s9;
	s6 =	sadd.s32 @!p0 $0x88, s6;
	s7 =	simm.s32 @p2 $0x1082  }
0x22: {  	[simem:s7], [sflag:s8] =	dma.local @!p0 [hbm:s6], $0xF7A  }
0x23: {  	s9 =	sor.u32 $0xD0000000, s2;
	s6 =	simm.s32 $0x108;
	_ =	swait.ge @!p0 [sflag:s8], $0x0  }
0x24: {  	s3 =	sadd.s32 $0x88, s3;
	s6 =	simm.s32 @!p1 $0x1082;
	[sflag:s4] =	ssyncset.s32 $0xFFFFF086  }
0x25: {  	[simem:s6], [sflag:s4] =	dma.local [hbm:s3], $0xF7A  }
0x26: {  	[smem:$0x3F8C] =	sst s1;
	(tag) =	ssettag s2;
	_ =	strace s9  }
0x27: {  	s1 =	sld [smem:$0x3F9C]  }
0x28: {  	s2 =	sld [smem:$0x3F9D]  }
0x29: {  	s4 =	sld [smem:$0x3F9F]  }
0x2a: {  	p0 =	seq.s32 s5, $0x0;
	s5 =	sld [smem:$0x3FA0]  }
0x2b: {  	s6 =	sld [smem:$0x3FA1]  }
0x2c: {  	s7 =	sld [smem:$0x3FA2]  }
0x2d: {  	s3 =	simm.s32 $0x108;
	s8 =	sld [smem:$0x3FA3]  }
0x2e: {  	s3 =	simm.s32 @!p0 $0x1082;
	s9 =	sld [smem:$0x3FA4]  }
0x2f: {  	lr =	sadd.s32 s0, s3;
	s0 =	sld [smem:$0x3F9B]  }
0x30: {  	s3 =	sld [smem:$0x3F9E]  }
0x31: {  	[smem:$0x3FA7] =	sst s10  }
0x32: {  	s10 =	sld [smem:$0x3FA5];
	_ =	sdelay $0x3  }
0x33: {  	p0 =	seq.s32 s10, $0x1;
	s10 =	sld [smem:$0x3FA7];
	_ =	sdelay $0x3  }
0x34: {  	[smem:$0x3FA7] =	sst s10  }
0x35: {  	s10 =	sld [smem:$0x3FA6];
	_ =	sdelay $0x3  }
0x36: {  	p1 =	seq.s32 s10, $0x1;
	s10 =	sld [smem:$0x3FA7];
	_ =	sdelay $0x3  }
0x37: {  	[smem:$0x3FA7] =	sst s10  }
0x38: {  	s10 =	sld [smem:$0x3FA8]  }
0x39: {  	_ = 	snop;
	(pc) =	sbr.ind lr, $3  }
0x3a: {  	_ = 	snop  }
0x3b: {  	_ = 	snop  }
0x3c: {  	p2 =	seq.s32 s10, $0x1;
	s10 =	sld [smem:$0x3FA7]  }
0x3d: {  	_ =	shalt  }
0x3e: {  	_ =	shalt  }
0x3f: {  	_ =	shalt  }
0x40: {  	_ =	shalt  }
0x41: {  	_ =	shalt  }
0x42: {  	_ =	shalt  }
0x43: {  	_ =	shalt  }
0x44: {  	_ =	shalt  }
0x45: {  	_ =	shalt  }
0x46: {  	_ =	shalt  }
0x47: {  	_ =	shalt  }
0x48: {  	_ =	shalt  }
0x49: {  	_ =	shalt  }
0x4a: {  	_ =	shalt  }
0x4b: {  	_ =	shalt  }
0x4c: {  	_ =	shalt  }
0x4d: {  	_ =	shalt  }
0x4e: {  	_ =	shalt  }
0x4f: {  	_ =	shalt  }
0x50: {  	_ =	shalt  }
0x51: {  	_ =	shalt  }
0x52: {  	_ =	shalt  }
0x53: {  	_ =	shalt  }
0x54: {  	_ =	shalt  }
0x55: {  	_ =	shalt  }
0x56: {  	_ =	shalt  }
0x57: {  	_ =	shalt  }
0x58: {  	_ =	shalt  }
0x59: {  	_ =	shalt  }
0x5a: {  	_ =	shalt  }
0x5b: {  	_ =	shalt  }
0x5c: {  	_ =	shalt  }
0x5d: {  	_ =	shalt  }
0x5e: {  	_ =	shalt  }
0x5f: {  	_ =	shalt  }
0x60: {  	_ =	shalt  }
0x61: {  	_ =	shalt  }
0x62: {  	_ =	shalt  }
0x63: {  	_ =	shalt  }
0x64: {  	_ =	shalt  }
0x65: {  	_ =	shalt  }
0x66: {  	_ =	shalt  }
0x67: {  	_ =	shalt  }
0x68: {  	_ =	shalt  }
0x69: {  	_ =	shalt  }
0x6a: {  	_ =	shalt  }
0x6b: {  	_ =	shalt  }
0x6c: {  	_ =	shalt  }
0x6d: {  	_ =	shalt  }
0x6e: {  	_ =	shalt  }
0x6f: {  	_ =	shalt  }
0x70: {  	_ =	shalt  }
0x71: {  	_ =	shalt  }
0x72: {  	_ =	shalt  }
0x73: {  	_ =	shalt  }
0x74: {  	_ =	shalt  }
0x75: {  	_ =	shalt  }
0x76: {  	_ =	shalt  }
0x77: {  	_ =	shalt  }
0x78: {  	_ =	shalt  }
0x79: {  	_ =	shalt  }
0x7a: {  	_ =	shalt  }
0x7b: {  	_ =	shalt  }
0x7c: {  	_ =	shalt  }
0x7d: {  	_ =	shalt  }
0x7e: {  	_ =	shalt  }
0x7f: {  	_ =	shalt  }
0x80: {  	_ =	shalt  }
0x81: {  	_ =	shalt  }
0x82: {  	_ =	shalt  }
0x83: {  	_ =	shalt  }
0x84: {  	_ =	shalt  }
0x85: {  	_ =	shalt  }
0x86: {  	_ =	shalt  }
0x87: {  	_ =	shalt  }
.Lfunc_end0:
.L_simem_size_0:
called_computation.2_lowered:
.L_overlay_start_0:
0x88: {  	s2 =	sld [smem:$0x3FD9]  }
0x89: {  	s3 =	sld [smem:$0x3FFE];
	_ =	sdelay $0x1  }
0x8a: {  	s1 =	srdreg.scid  }
0x8b: {  	s0 =	sand.u32 $0x1, s1  }
0x8c: {  	s17 =	sshll.u32 s0, $0xA;
	s2 =	sadd.s32 s3, s2  }
0x8d: {  	s2 =	sadd.s32 s2, s17  }
0x8e: {  	[smem:$0x3FB3] =	sst s2  }
0x8f: {  	_ = 	snop  }
0x90: {  	s18 =	sld [smem:$0x3FC7];
	(tm) =	ssettm $0x1  }
0x91: {  	s19 =	sld [smem:$0x3FFB];
	_ =	sdelay $0x3  }
0x92: {  	_ =	strace s19  }
0x93: {  	s2 =	sld [smem:$0x3FFC];
	_ =	sdelay $0x3  }
0x94: {  	_ =	strace s2  }
0x95: {  	s2 =	sld [smem:$0x3FFD];
	_ =	sdelay $0x3  }
0x96: {  	_ =	strace s2  }
0x97: {  	_ =	strace $0x8FFFFFFF  }
0x98: {  	s20 =	sld [smem:$0x3FDB];
	_ =	sdelay $0x1  }
0x99: {  	s4 =	simm.s32 $_scs_section_size  }
0x9a: {  	s5 =	simm.s32 $_size__tile_overlayer_lowered;
	s6 =	simm.s32 $_tile_overlayer_lowered  }
0x9b: {  	s7 =	simm.s32 $0x1BFF;
	s21 =	sshll.u32 s6, $0x1;
	s4 =	sadd.s32 s4, s20  }
0x9c: {  	s22 =	simm.s32 $0x0;
	s5 =	sshll.u32 s5, $0x1;
	s6 =	sadd.s32 s21, s4  }
0x9d: {  	[timem:s22], [sflag:s7] =	dma.local [hbm:s6], s5  }
0x9e: {  	_ =	swait.ge [sflag:s7], s5  }
0x9f: {  	s5 =	ssub.s32 $0x0, s5;
	[sflag:s7] =	ssyncset.done $0x0  }
0xa0: {  	[sflag:s7] =	ssyncadd.s32 s5;
	_ =	sdelay $0x1  }
0xa1: {  	s23 =	simm.s32 $0x1B8B  }
0xa2: {  	_ =	swait.ge [sflag:s23], $0x1  }
0xa3: {  	[sflag:s23] =	ssyncset.done $0x0  }
0xa4: {  	[sflag:s23] =	ssyncadd.s32 $0xFFFFFFFF  }
0xa5: {  	s5 =	sld [smem:$0x0]  }
0xa6: {  	s6 =	sand.u32 $0xFFFFFFFE, s1  }
0xa7: {  	p0 =	sne.s32 s1, s6  }
0xa8: {  	s6 =	sshll.u32 @p0 s6, $0xE  }
0xa9: {  	s6 =	sadd.s32 @p0 $0x11B8D, s6;
	s7 =	sshll.u32 @p0 s5, $0x11  }
0xaa: {  	s6 =	sor.u32 @p0 s7, s6  }
0xab: {  	[sflag:s6] =	ssyncadd.remote.s32 @p0 $0x1;
	_ =	sdelay $0x1  }
0xac: {  	s6 =	simm.s32 @p0 $0x1B8D  }
0xad: {  	_ =	swait.eq @p0 [sflag:s6], $0x1  }
0xae: {  	[sflag:s6] =	ssyncadd.s32 @p0 $0xFFFFFFFF  }
0xaf: {  	s7 =	sshll.u32 @!p0 s1, $0xE  }
0xb0: {  	s7 =	sor.u32 @!p0 $0x4000, s7;
	s6 =	simm.s32 @!p0 $0x1B8D  }
0xb1: {  	s5 =	sshll.u32 @!p0 s5, $0x11;
	s7 =	sadd.s32 @!p0 $0x11B8D, s7;
	_ =	swait.eq @!p0 [sflag:s6], $0x1  }
0xb2: {  	s5 =	sor.u32 @!p0 s5, s7;
	[sflag:s6] =	ssyncadd.s32 @!p0 $0xFFFFFFFF  }
0xb3: {  	s25 =	simm.s32 $0x1B8E;
	s24 =	sld [smem:$0x3FFE];
	[sflag:s5] =	ssyncadd.remote.s32 @!p0 $0x1  }
0xb4: {  	s26 =	simm.s32 $execute0_lowered;
	[smem:$0x3FD2] =	sst s25  }
0xb5: {  	s6 =	sshll.u32 s26, $0x1;
	_ =	strace $0x8000004F;
	[dreg:$0x1] =	wrdreg $0xFFFFFFFF  }
0xb6: {  	s28 =	simm.s32 $_size_execute0_lowered;
	s4 =	sadd.s32 s4, s6;
	[dreg:$0x0] =	wrdreg $0x0  }
0xb7: {  	s6 =	sshll.u32 s28, $0x1;
	[dreg:$0x2] =	wrdreg s4  }
0xb8: {  	[dreg:$0x3] =	wrdreg s6  }
0xb9: {  	[dreg:$0x4] =	wrdreg $0xC0  }
0xba: {  	_ =	task [dreg:s22], $0x5FFFF  }
0xbb: {  	[dreg:$0x1] =	wrdreg $0xFFFFFFFF  }
0xbc: {  	[dreg:$0x0] =	wrdreg $0x60  }
0xbd: {  	[dreg:$0x2] =	wrdreg s18  }
0xbe: {  	[dreg:$0x3] =	wrdreg s24  }
0xbf: {  	[dreg:$0x4] =	wrdreg $0xA  }
0xc0: {  	_ =	task.clear_ibuf [dreg:s22], $0x5FFFF;
	_ =	strace $0x9000004F  }
0xc1: {  	s29 =	simm.s32 $0xA;
	_ =	strace $0x80000051  }
0xc2: {  	_ =	swait.ge [sflag:s29], $0x1  }
0xc3: {  	[sflag:s29] =	ssyncadd.s32 $0xFFFFFFFF  }
0xc4: {  	_ =	strace $0x90000051  }
0xc5: {  	_ =	sfence  }
0xc6: {  	s30 =	sld [smem:$0x0];
	_ =	sdelay $0x2  }
0xc7: {  	s31 =	sshll.u32 s1, $0xD;
	s1 =	sshrl.u32 s1, $0x2  }
0xc8: {  	s4 =	sand.u32 $0x4000, s31;
	s1 =	sadd.s32 s1, s30  }
0xc9: {  	s0 =	sor.u32 s4, s0;
	s1 =	sshll.u32 s1, $0x11  }
0xca: {  	s0 =	sor.u32 s1, s0  }
0xcb: {  	s0 =	sadd.s32 $0x8F2B, s0  }
0xcc: {  	[sflag:s0] =	ssyncadd.remote.s32 $0x1  }
0xcd: {  	_ =	sfence.sel $0xFFFF  }
0xce: {  	[dreg:$0x0] =	wrdreg $0xFFFFFFFF;
	(pc) =	sbr.abs _section_cstart, $3  }
0xcf: {  	[dreg:$0x1] =	wrdreg $0xFFFFFFFF  }
0xd0: {  	_ =	task.clear_ibuf [dreg:s22], $0x2FFFF;
	_ =	strace $0x9FFFFFFF  }
0xd1: {  	(tm) =	ssettm $0x7FFFFFFF  }
tec
execute0_lowered:
.L_overlay_start_1:
0x0: {  	(tag) =	ssettag $0x1  }
0x1: {  	s2 =	rddreg [dreg:$0x0]  }
0x2: {  	s8 =	rddreg [dreg:$0x1]  }
0x3: {  	s0 =	rddreg [dreg:$0x2];
	s1 =	stileid.u32  }
0x4: {  	s3 =	srdreg.scid;
	_ =	strace $0x80000050;
	s4 =	simm.s32 $0x1  }
0x5: {  	s7 =	simm.s32 $0x1;
	s9 =	simm.s32 $0x1;
	s10 =	simm.s32 $0x3  }
0x6: {  	s13 =	simm.s32 $0x0;
	s5 =	sand.u32 $0x1, s3;
	s6 =	sshll.u32 s1, $0x1  }
0x7: {  	s12 =	simm.s32 $0x0;
	s3 =	sadd.s32 $0x4E00, s8;
	s5 =	sor.u32 s6, s5  }
.Ltmp0:
0x8: {  	[sflag:s4] =	ssyncpa.u1 $0x0;
	p0 =	slt.u32 s5, $0x9;
	(pc) =	sbr.rel .LBB2_1-.Ltmp0, $4  }
0x9: {  	s6 =	simm.s32 $0x2;
	s7 =	simm.s32 @!p0 $0x0;
	p0 =	sne.s32 s5, $0x8  }
0xa: {  	[sflag:s6] =	ssyncpa.u1 $0x0;
	s5 =	smul.u32 $0x3E80, s5;
	s9 =	simm.s32 @!p0 $0x0  }
0xb: {  	s8 =	sadd.s32 $0x71200, s8;
	[sflag:s10] =	ssyncpa.u1 $0x0;
	s7 =	sadd.s32 s9, s7  }
0xc: {  	vm0 =	vmmov $0xffff;
	s10 =	simm.s32 $0x0;
	s11 =	smov.u32 s5;
	s9 =	sadd.s32 $0x1, s7  }
.LBB2_4:
0xd: {  	v2 =	vnsel vm1, $0x0, v2  }
0xe: {  	vm1 =	vgt.s32 v0, $0x0;
	v2 =	vmin.u32 v2, $0x9C3FF  }
0xf: {  	v0 =	vnsel vm1, $0x0, v0  }
0x10: {  	v0 =	vmin.u32 v0, $0x9C3FF  }
0x11: {  	[tilespmem:s18], [sflag:$0x1] =	stream.indirect_vreg.gather [hbm4b:s2+s10], $0x1, v1, vm0, $0x4038;
	[tilespmem:$0xFA00] =	vst v63  }
0x12: {  	(ifvalue) =	ssetifvalue $0x7FFFFFFF  }
0x13: {  	[tilespmem:s15], [sflag:$0x1] =	stream.indirect_vreg.gather [hbm4b:s2+s10], $0x1, v2, vm0, $0x4038;
	[tilespmem:$0xFA00] =	vst v63  }
0x14: {  	s29 =	sadd.s32 $0x10, s15;
	(ifvalue) =	ssetifvalue $0x7FFFFFFF  }
0x15: {  	[tilespmem:s29], [sflag:$0x1] =	stream.indirect_vreg.gather [hbm4b:s2+s10], $0x1, v0, vm0, $0x4038;
	[tilespmem:$0xFA00] =	vst v63  }
0x16: {  	_ =	swait.ge [sflag:s4], $0x3E80  }
0x17: {  	s30 =	sshrl.u32 s13, $0x3;
	[sflag:s4] =	ssyncset.done $0x0  }
0x18: {  	s31 =	sand.u32 $0x7, s13;
	s15 =	sadd.s32 s8, s30;
	[sflag:s4] =	ssyncadd.s32 $0xFFFFC180  }
0x19: {  	[hbm4b:s15+s31] =	stream.linear.scatter [tilespmem:s14], [sflag:$0x3], $0x3E80, $0x38;
	[tilespmem:$0xFA00] =	vst v63  }
.LBB2_5:
0x1a: {  	s15 =	sadd.s32 $0x7D000, s11  }
0x1b: {  	p1 =	sgt.s32 s15, $0x9C3FF  }
0x1c: {  	s15 =	smov.u32 @p1 s5;
	p1 =	sne.s32 s12, s9  }
.Ltmp1:
0x1d: {  	p0 =	slt.u32 s12, $0x2;
	(pc) =	sbr.rel @!p1 .LBB2_6-.Ltmp1, $4  }
0x1e: {  	s14 =	simm.s32 @!p0 $0x3  }
0x1f: {  	_ =	swait.ge @!p0 [sflag:s14], $0x3E80  }
0x20: {  	s16 =	sadd.s32 $0x1, s12;
	s13 =	smov.u32 s11;
	[sflag:s14] =	ssyncset.done @!p0 $0x0  }
0x21: {  	s12 =	smov.u32 s16;
	s11 =	smov.u32 s15;
	[sflag:s14] =	ssyncadd.s32 @!p0 $0xFFFFC180  }
.LBB2_1:
0x22: {  	p0 =	sge.u32 s12, s7  }
0x23: {  	s14 =	sxor.u32 @!p0 $0x1, s12  }
0x24: {  	s14 =	smul.u32 @!p0 $0xFA00, s14  }
0x25: {  	s31 =	sadd.s32 $0xFFFFFFFF, s12;
	s15 =	sshrl.u32 @!p0 s11, $0x3  }
0x26: {  	s16 =	sand.u32 @!p0 $0x7, s11;
	s15 =	sadd.s32 @!p0 s3, s15;
	s14 =	sshra.s32 @!p0 s14, $0x2  }
0x27: {  	[tilespmem:s14], [sflag:$0x2] =	stream.linear.gather @!p0 [hbm4b:s15+s16], $0x3E80, $0x38;
	[tilespmem:$0xFA00] =	vst v63  }
0x28: {  	p0 =	sge.u32 s31, s7  }
.Ltmp2:
0x29: {  	_ = 	snop;
	(pc) =	sbr.rel @p0 .LBB2_5-.Ltmp2, $1  }
0x2a: {  	_ =	sdelay $0x3  }
0x2b: {  	s14 =	sand.u32 $0x1, s12  }
0x2c: {  	_ =	swait.ge [sflag:s6], $0x3E80;
	p0 =	seq.s32 s14, $0x1;
	s14 =	simm.s32 $0x3E80  }
0x2d: {  	[sflag:s6] =	ssyncset.done $0x0;
	s14 =	simm.s32 @!p0 $0x0  }
0x2e: {  	[sflag:s6] =	ssyncadd.s32 $0xFFFFC180;
	(ifvalue) =	ssetifvalue $0x7FFFFFFF;
	v0 =	vld.msk [tilespmem:s14+$0x0 ss:$0x1], $0xffff;
	_ =	sdelay $0x4  }
0x2f: {  	s15 =	sadd.s32 $0x10, s14;
	vm1 =	vgt.s32 v0, $0x0  }
0x30: {  	v2 =	vld.msk [tilespmem:s15+$0x0 ss:$0x1], $0xffff;
	v1 =	vnsel vm1, $0x0, v0  }
0x31: {  	v1 =	vmin.u32 v1, $0x9C3FF;
	_ =	sdelay $0x2  }
0x32: {  	s17 =	simm.s32 $0x20;
	s14 =	sadd.s32 $0x7D00, s14;
	s16 =	sadd.s32 $0x10, s15  }
0x33: {  	s15 =	sadd.s32 $0x10, s14;
	s18 =	smov.u32 s14;
	v0 =	vld.msk [tilespmem:s16+$0x0 ss:$0x1], $0xffff;
	vm1 =	vgt.s32 v2, $0x0;
	(ifvalue) =	ssetifvalue $0x7FFFFFFF  }
.LBB2_3:
0x34: {  	[tilespmem:s18], [sflag:$0x1] =	stream.indirect_vreg.gather [hbm4b:s2+s10], $0x1, v1, vm0, $0x4038;
	[tilespmem:$0xFA00] =	vst v63  }
0x35: {  	s17 =	sadd.s32 $0x10, s17  }
0x36: {  	v2 =	vnsel vm1, $0x0, v2;
	p0 =	slt.u32 s17, $0x3E70  }
.Ltmp3:
0x37: {  	s18 =	smov.u32 s15;
	v1 =	vmin.u32 v2, $0x9C3FF;
	(pc) =	sbr.rel @p0 .LBB2_3-.Ltmp3, $3  }
0x38: {  	_ =	sdelay $0x1  }
0x39: {  	s16 =	sadd.s32 $0x10, s16  }
0x3a: {  	vm1 =	vgt.s32 v0, $0x0;
	s15 =	sadd.s32 $0x10, s15;
	v2 =	vmov v0;
	(ifvalue) =	ssetifvalue $0x7FFFFFFF;
	v0 =	vld.msk [tilespmem:s16+$0x0 ss:$0x1], $0xffff  }
.Ltmp4:
0x3b: {  	_ = 	snop;
	(pc) =	sbr.rel .LBB2_4-.Ltmp4, $1  }
0x3c: {  	_ =	sdelay $0x3  }
.LBB2_6:
0x3d: {  	_ =	sfence.sel $0x180000  }
0x3e: {  	s2 =	simm.s32 $0x2;
	[bflag:$0x0] =	sbarrier.arrive $0xFFFF  }
0x3f: {  	s30 =	simm.s32 $0x3;
	[sflag:s2] =	ssyncpa.u1 $0x1  }
0x40: {  	s31 =	simm.s32 $0x1;
	[sflag:s30] =	ssyncpa.u1 $0x1  }
0x41: {  	[sflag:s31] =	ssyncpa.u1 $0x1  }
0x42: {  	p0 =	sne.s32 s1, $0x0;
	_ =	strace $0x90000050  }
0x43: {  	s0 =	sadd.s32 @!p0 $0x100000, s0;
	[bflag:$0x2] =	sbarrier.arrive $0xFFFF  }
0x44: {  	[sflag:s0] =	ssyncadd.tile.s32 @!p0 $0x1;
	_ =	shalt  }
.Lfunc_end2:
_tile_overlayer_lowered:
.L_overlay_start_2:
0x45: {  	(tag) =	ssettag $0x2  }
0x46: {  	s0 =	rddreg [dreg:$0x0];
	s2 =	stileid.u32  }
0x47: {  	s1 =	rddreg [dreg:$0x1];
	p0 =	sne.s32 s2, $0x0  }
0x48: {  	s3 =	rddreg [dreg:$0x2];
	[bflag:$0x3] =	sbarrier.arrive $0xFFFF;
	s2 =	simm.s32 @!p0 $0x1C01  }
0x49: {  	[timem:s3], [sflag:s2] =	dma.local @!p0 [hbm:s0], s1  }
0x4a: {  	s0 =	simm.s32 @!p0 $0x1  }
0x4b: {  	_ =	swait.ge @!p0 [sflag:s0], s1  }
0x4c: {  	s1 =	ssub.s32 @!p0 $0x0, s1;
	[sflag:s0] =	ssyncset.done @!p0 $0x0  }
0x4d: {  	[sflag:s0] =	ssyncadd.s32 @!p0 s1  }
0x4e: {  	[bflag:$0x3] =	sbarrier.arrive $0xFFFF  }
0x4f: {  	_ =	shalt  }

// kernel: gather_offload_async_start.3
scs
__scs_entry_jumppad:
0x0: {  	(pc) =	sbr.rel $0x88, $3  }
0x1: {  	(tag) =	ssettag $0x0;
	lr =	simm.s32 $0x1  }
0x2: {  	[smem:$0x3F8C] =	sst lr;
	_ =	strace $0xD0000000  }
0x3: {  	_ = 	snop  }
0x4: {  	_ = 	snop  }
0x5: {  	_ = 	snop  }
0x6: {  	_ = 	snop  }
0x7: {  	_ = 	snop  }
__scs_overlays_trampoline_lowered:
0x8: {  	[smem:$0x3F9B] =	sst s0  }
0x9: {  	[smem:$0x3F9C] =	sst s1  }
0xa: {  	[smem:$0x3F9D] =	sst s2  }
0xb: {  	[smem:$0x3F9E] =	sst s3  }
0xc: {  	[smem:$0x3F9F] =	sst s4  }
0xd: {  	[smem:$0x3FA0] =	sst s5  }
0xe: {  	[smem:$0x3FA1] =	sst s6  }
0xf: {  	[smem:$0x3FA2] =	sst s7  }
0x10: {  	[smem:$0x3FA3] =	sst s8  }
0x11: {  	[smem:$0x3FA4] =	sst s9;
	s0 =	simm.s32 @!p0 $0x0  }
0x12: {  	s1 =	sld [smem:$0x3F8A];
	s0 =	simm.s32 @p0 $0x1  }
0x13: {  	[smem:$0x3FA5] =	sst s0;
	s0 =	simm.s32 @!p1 $0x0  }
0x14: {  	s2 =	sld [smem:$0x3F89];
	s0 =	simm.s32 @p1 $0x1  }
0x15: {  	[smem:$0x3FA6] =	sst s0;
	s0 =	simm.s32 @!p2 $0x0  }
0x16: {  	s3 =	sld [smem:$0x3FDB];
	s0 =	simm.s32 @p2 $0x1  }
0x17: {  	s4 =	simm.s32 $0x1BF5;
	[smem:$0x3FA8] =	sst s0  }
0x18: {  	s0 =	sld [smem:$0x3F8B];
	_ =	swait.ge [sflag:s4], $0x0  }
0x19: {  	s7 =	sld [smem:$0x3F8C]  }
0x1a: {  	s8 =	sadd.s32 $0xFFFFE003, lr  }
0x1b: {  	s9 =	sadd.s32 $0xFFFFFEF7, lr;
	s5 =	simm.s32 $0xFFFFFFFF;
	p2 =	slt.u32 s8, $0xFFFFF086  }
0x1c: {  	p1 =	slt.u32 s9, $0xF7A;
	s5 =	simm.s32 @!p2 $0x0  }
0x1d: {  	s5 =	simm.s32 @p1 $0x1;
	p0 =	seq.s32 s7, s2  }
0x1e: {  	s7 =	smul.u32 @!p0 $0xF7A, s2;
	p2 =	seq.s32 @!p0 s5, $0x0  }
0x1f: {  	s9 =	smul.u32 $0xF7A, s1;
	s8 =	simm.s32 @!p0 $0x1BF5;
	p2 =	por !p2, p0  }
0x20: {  	[sflag:s8] =	ssyncset.s32 @!p0 $0xFFFFF086;
	s6 =	sadd.s32 @!p0 s3, s7;
	s7 =	simm.s32 @!p0 $0x108  }
0x21: {  	s3 =	sadd.s32 s3, s9;
	s6 =	sadd.s32 @!p0 $0x88, s6;
	s7 =	simm.s32 @p2 $0x1082  }
0x22: {  	[simem:s7], [sflag:s8] =	dma.local @!p0 [hbm:s6], $0xF7A  }
0x23: {  	s9 =	sor.u32 $0xD0000000, s2;
	s6 =	simm.s32 $0x108;
	_ =	swait.ge @!p0 [sflag:s8], $0x0  }
0x24: {  	s3 =	sadd.s32 $0x88, s3;
	s6 =	simm.s32 @!p1 $0x1082;
	[sflag:s4] =	ssyncset.s32 $0xFFFFF086  }
0x25: {  	[simem:s6], [sflag:s4] =	dma.local [hbm:s3], $0xF7A  }
0x26: {  	[smem:$0x3F8C] =	sst s1;
	(tag) =	ssettag s2;
	_ =	strace s9  }
0x27: {  	s1 =	sld [smem:$0x3F9C]  }
0x28: {  	s2 =	sld [smem:$0x3F9D]  }
0x29: {  	s4 =	sld [smem:$0x3F9F]  }
0x2a: {  	p0 =	seq.s32 s5, $0x0;
	s5 =	sld [smem:$0x3FA0]  }
0x2b: {  	s6 =	sld [smem:$0x3FA1]  }
0x2c: {  	s7 =	sld [smem:$0x3FA2]  }
0x2d: {  	s3 =	simm.s32 $0x108;
	s8 =	sld [smem:$0x3FA3]  }
0x2e: {  	s3 =	simm.s32 @!p0 $0x1082;
	s9 =	sld [smem:$0x3FA4]  }
0x2f: {  	lr =	sadd.s32 s0, s3;
	s0 =	sld [smem:$0x3F9B]  }
0x30: {  	s3 =	sld [smem:$0x3F9E]  }
0x31: {  	[smem:$0x3FA7] =	sst s10  }
0x32: {  	s10 =	sld [smem:$0x3FA5];
	_ =	sdelay $0x3  }
0x33: {  	p0 =	seq.s32 s10, $0x1;
	s10 =	sld [smem:$0x3FA7];
	_ =	sdelay $0x3  }
0x34: {  	[smem:$0x3FA7] =	sst s10  }
0x35: {  	s10 =	sld [smem:$0x3FA6];
	_ =	sdelay $0x3  }
0x36: {  	p1 =	seq.s32 s10, $0x1;
	s10 =	sld [smem:$0x3FA7];
	_ =	sdelay $0x3  }
0x37: {  	[smem:$0x3FA7] =	sst s10  }
0x38: {  	s10 =	sld [smem:$0x3FA8]  }
0x39: {  	_ = 	snop;
	(pc) =	sbr.ind lr, $3  }
0x3a: {  	_ = 	snop  }
0x3b: {  	_ = 	snop  }
0x3c: {  	p2 =	seq.s32 s10, $0x1;
	s10 =	sld [smem:$0x3FA7]  }
0x3d: {  	_ =	shalt  }
0x3e: {  	_ =	shalt  }
0x3f: {  	_ =	shalt  }
0x40: {  	_ =	shalt  }
0x41: {  	_ =	shalt  }
0x42: {  	_ =	shalt  }
0x43: {  	_ =	shalt  }
0x44: {  	_ =	shalt  }
0x45: {  	_ =	shalt  }
0x46: {  	_ =	shalt  }
0x47: {  	_ =	shalt  }
0x48: {  	_ =	shalt  }
0x49: {  	_ =	shalt  }
0x4a: {  	_ =	shalt  }
0x4b: {  	_ =	shalt  }
0x4c: {  	_ =	shalt  }
0x4d: {  	_ =	shalt  }
0x4e: {  	_ =	shalt  }
0x4f: {  	_ =	shalt  }
0x50: {  	_ =	shalt  }
0x51: {  	_ =	shalt  }
0x52: {  	_ =	shalt  }
0x53: {  	_ =	shalt  }
0x54: {  	_ =	shalt  }
0x55: {  	_ =	shalt  }
0x56: {  	_ =	shalt  }
0x57: {  	_ =	shalt  }
0x58: {  	_ =	shalt  }
0x59: {  	_ =	shalt  }
0x5a: {  	_ =	shalt  }
0x5b: {  	_ =	shalt  }
0x5c: {  	_ =	shalt  }
0x5d: {  	_ =	shalt  }
0x5e: {  	_ =	shalt  }
0x5f: {  	_ =	shalt  }
0x60: {  	_ =	shalt  }
0x61: {  	_ =	shalt  }
0x62: {  	_ =	shalt  }
0x63: {  	_ =	shalt  }
0x64: {  	_ =	shalt  }
0x65: {  	_ =	shalt  }
0x66: {  	_ =	shalt  }
0x67: {  	_ =	shalt  }
0x68: {  	_ =	shalt  }
0x69: {  	_ =	shalt  }
0x6a: {  	_ =	shalt  }
0x6b: {  	_ =	shalt  }
0x6c: {  	_ =	shalt  }
0x6d: {  	_ =	shalt  }
0x6e: {  	_ =	shalt  }
0x6f: {  	_ =	shalt  }
0x70: {  	_ =	shalt  }
0x71: {  	_ =	shalt  }
0x72: {  	_ =	shalt  }
0x73: {  	_ =	shalt  }
0x74: {  	_ =	shalt  }
0x75: {  	_ =	shalt  }
0x76: {  	_ =	shalt  }
0x77: {  	_ =	shalt  }
0x78: {  	_ =	shalt  }
0x79: {  	_ =	shalt  }
0x7a: {  	_ =	shalt  }
0x7b: {  	_ =	shalt  }
0x7c: {  	_ =	shalt  }
0x7d: {  	_ =	shalt  }
0x7e: {  	_ =	shalt  }
0x7f: {  	_ =	shalt  }
0x80: {  	_ =	shalt  }
0x81: {  	_ =	shalt  }
0x82: {  	_ =	shalt  }
0x83: {  	_ =	shalt  }
0x84: {  	_ =	shalt  }
0x85: {  	_ =	shalt  }
0x86: {  	_ =	shalt  }
0x87: {  	_ =	shalt  }
.Lfunc_end0:
.L_simem_size_0:
called_computation.3_lowered:
.L_overlay_start_0:
0x88: {  	s2 =	sld [smem:$0x3FD9]  }
0x89: {  	s3 =	sld [smem:$0x3FFE];
	_ =	sdelay $0x1  }
0x8a: {  	s1 =	srdreg.scid  }
0x8b: {  	s0 =	sand.u32 $0x1, s1  }
0x8c: {  	s15 =	sshll.u32 s0, $0xA;
	s2 =	sadd.s32 s3, s2  }
0x8d: {  	s2 =	sadd.s32 s2, s15  }
0x8e: {  	[smem:$0x3FB3] =	sst s2  }
0x8f: {  	_ = 	snop  }
0x90: {  	s2 =	sld [smem:$0x3FD0];
	_ =	sdelay $0x2  }
0x91: {  	s16 =	simm.s32 $0xE;
	s4 =	simm.s32 $0x10  }
0x92: {  	[smem:s4], [sflag:s16] =	dma.local [hbm:s2], $0x1  }
0x93: {  	_ =	swait.eq [sflag:s16], $0x1  }
0x94: {  	[sflag:s16] =	ssyncset.done $0x0  }
0x95: {  	[sflag:s16] =	ssyncadd.s32 $0xFFFFFFFF  }
0x96: {  	s17 =	sld [smem:$0x10];
	(tm) =	ssettm $0x1  }
0x97: {  	s18 =	sld [smem:$0x3FFB];
	_ =	sdelay $0x3  }
0x98: {  	_ =	strace s18  }
0x99: {  	s2 =	sld [smem:$0x3FFC];
	_ =	sdelay $0x3  }
0x9a: {  	_ =	strace s2  }
0x9b: {  	s2 =	sld [smem:$0x3FFD];
	_ =	sdelay $0x3  }
0x9c: {  	_ =	strace s2  }
0x9d: {  	_ =	strace $0x8FFFFFFF  }
0x9e: {  	s19 =	sld [smem:$0x3FDB];
	_ =	sdelay $0x1  }
0x9f: {  	s20 =	simm.s32 $_scs_section_size  }
0xa0: {  	s5 =	simm.s32 $_size__tile_overlayer_lowered;
	s6 =	simm.s32 $_tile_overlayer_lowered  }
0xa1: {  	s7 =	simm.s32 $0x1BFF;
	s21 =	sshll.u32 s6, $0x1;
	s4 =	sadd.s32 s20, s19  }
0xa2: {  	s22 =	simm.s32 $0x0;
	s5 =	sshll.u32 s5, $0x1;
	s6 =	sadd.s32 s21, s4  }
0xa3: {  	[timem:s22], [sflag:s7] =	dma.local [hbm:s6], s5  }
0xa4: {  	_ =	swait.ge [sflag:s7], s5  }
0xa5: {  	s5 =	ssub.s32 $0x0, s5;
	[sflag:s7] =	ssyncset.done $0x0  }
0xa6: {  	[sflag:s7] =	ssyncadd.s32 s5;
	_ =	sdelay $0x1  }
0xa7: {  	s23 =	simm.s32 $0x1B8B  }
0xa8: {  	_ =	swait.ge [sflag:s23], $0x1  }
0xa9: {  	[sflag:s23] =	ssyncset.done $0x0  }
0xaa: {  	[sflag:s23] =	ssyncadd.s32 $0xFFFFFFFF  }
0xab: {  	s5 =	sld [smem:$0x0]  }
0xac: {  	s6 =	sand.u32 $0xFFFFFFFE, s1  }
0xad: {  	p0 =	sne.s32 s1, s6  }
0xae: {  	s6 =	sshll.u32 @p0 s6, $0xE  }
0xaf: {  	s6 =	sadd.s32 @p0 $0x11B8D, s6;
	s7 =	sshll.u32 @p0 s5, $0x11  }
0xb0: {  	s6 =	sor.u32 @p0 s7, s6  }
0xb1: {  	[sflag:s6] =	ssyncadd.remote.s32 @p0 $0x1;
	_ =	sdelay $0x1  }
0xb2: {  	s6 =	simm.s32 @p0 $0x1B8D  }
0xb3: {  	_ =	swait.eq @p0 [sflag:s6], $0x1  }
0xb4: {  	[sflag:s6] =	ssyncadd.s32 @p0 $0xFFFFFFFF  }
0xb5: {  	s7 =	sshll.u32 @!p0 s1, $0xE  }
0xb6: {  	s7 =	sor.u32 @!p0 $0x4000, s7;
	s6 =	simm.s32 @!p0 $0x1B8D  }
0xb7: {  	s5 =	sshll.u32 @!p0 s5, $0x11;
	s7 =	sadd.s32 @!p0 $0x11B8D, s7;
	_ =	swait.eq @!p0 [sflag:s6], $0x1  }
0xb8: {  	s5 =	sor.u32 @!p0 s5, s7;
	[sflag:s6] =	ssyncadd.s32 @!p0 $0xFFFFFFFF  }
0xb9: {  	s25 =	simm.s32 $0x1B8E;
	s24 =	sld [smem:$0x3FFE];
	[sflag:s5] =	ssyncadd.remote.s32 @!p0 $0x1  }
0xba: {  	s26 =	simm.s32 $execute0_lowered;
	[smem:$0x3FD2] =	sst s25  }
0xbb: {  	s6 =	sshll.u32 s26, $0x1;
	_ =	strace $0x80000055;
	[dreg:$0x1] =	wrdreg $0xFFFFFFFF  }
0xbc: {  	s28 =	simm.s32 $_size_execute0_lowered;
	s4 =	sadd.s32 s4, s6;
	[dreg:$0x0] =	wrdreg $0x0  }
0xbd: {  	s6 =	sshll.u32 s28, $0x1;
	[dreg:$0x2] =	wrdreg s4  }
0xbe: {  	[dreg:$0x3] =	wrdreg s6  }
0xbf: {  	[dreg:$0x4] =	wrdreg $0xC0  }
0xc0: {  	_ =	task [dreg:s22], $0x5FFFF  }
0xc1: {  	[dreg:$0x1] =	wrdreg $0xFFFFFFFF  }
0xc2: {  	[dreg:$0x0] =	wrdreg $0x60  }
0xc3: {  	[dreg:$0x2] =	wrdreg s24  }
0xc4: {  	[dreg:$0x3] =	wrdreg s17  }
0xc5: {  	[dreg:$0x4] =	wrdreg $0xB  }
0xc6: {  	_ =	task.clear_ibuf [dreg:s22], $0x5FFFF;
	_ =	strace $0x90000055  }
0xc7: {  	s29 =	simm.s32 $0xB;
	_ =	strace $0x80000057  }
0xc8: {  	_ =	swait.ge [sflag:s29], $0x1  }
0xc9: {  	[sflag:s29] =	ssyncadd.s32 $0xFFFFFFFF  }
0xca: {  	_ =	strace $0x90000057  }
0xcb: {  	_ =	sfence  }
0xcc: {  	s30 =	sld [smem:$0x0];
	_ =	sdelay $0x2  }
0xcd: {  	s31 =	sshll.u32 s1, $0xD;
	s1 =	sshrl.u32 s1, $0x2  }
0xce: {  	s4 =	sand.u32 $0x4000, s31;
	s1 =	sadd.s32 s1, s30  }
0xcf: {  	s0 =	sor.u32 s4, s0;
	s1 =	sshll.u32 s1, $0x11  }
0xd0: {  	s0 =	sor.u32 s1, s0  }
0xd1: {  	s0 =	sadd.s32 $0x8F2B, s0  }
0xd2: {  	[sflag:s0] =	ssyncadd.remote.s32 $0x1  }
0xd3: {  	_ =	sfence.sel $0xFFFF  }
0xd4: {  	[dreg:$0x0] =	wrdreg $0xFFFFFFFF;
	(pc) =	sbr.abs _section_cstart, $3  }
0xd5: {  	[dreg:$0x1] =	wrdreg $0xFFFFFFFF  }
0xd6: {  	_ =	task.clear_ibuf [dreg:s22], $0x2FFFF;
	_ =	strace $0x9FFFFFFF  }
0xd7: {  	(tm) =	ssettm $0x7FFFFFFF  }
tec
execute0_lowered:
.L_overlay_start_1:
0x0: {  	(tag) =	ssettag $0x1  }
0x1: {  	s8 =	rddreg [dreg:$0x0]  }
0x2: {  	s2 =	rddreg [dreg:$0x1]  }
0x3: {  	s0 =	rddreg [dreg:$0x2];
	s1 =	stileid.u32  }
0x4: {  	s3 =	srdreg.scid;
	_ =	strace $0x80000056;
	s4 =	simm.s32 $0x1  }
0x5: {  	s7 =	simm.s32 $0x1;
	s9 =	simm.s32 $0x1;
	s10 =	simm.s32 $0x3  }
0x6: {  	s13 =	simm.s32 $0x0;
	s5 =	sand.u32 $0x1, s3;
	s6 =	sshll.u32 s1, $0x1  }
0x7: {  	s12 =	simm.s32 $0x0;
	s3 =	sadd.s32 $0x22600, s8;
	s5 =	sor.u32 s6, s5  }
.Ltmp0:
0x8: {  	[sflag:s4] =	ssyncpa.u1 $0x0;
	p0 =	slt.u32 s5, $0x9;
	(pc) =	sbr.rel .LBB2_1-.Ltmp0, $4  }
0x9: {  	s6 =	simm.s32 $0x2;
	s7 =	simm.s32 @!p0 $0x0;
	p0 =	sne.s32 s5, $0x8  }
0xa: {  	[sflag:s6] =	ssyncpa.u1 $0x0;
	s5 =	smul.u32 $0x1F40, s5;
	s9 =	simm.s32 @!p0 $0x0  }
0xb: {  	s8 =	sadd.s32 $0x36200, s8;
	[sflag:s10] =	ssyncpa.u1 $0x0;
	s7 =	sadd.s32 s9, s7  }
0xc: {  	vm0 =	vmmov $0xffff;
	s10 =	simm.s32 $0x0;
	s11 =	smov.u32 s5;
	s9 =	sadd.s32 $0x1, s7  }
.LBB2_4:
0xd: {  	v2 =	vnsel vm1, $0x0, v2  }
0xe: {  	vm1 =	vgt.s32 v0, $0x0;
	v2 =	vmin.u32 v2, $0x4E1FF  }
0xf: {  	v0 =	vnsel vm1, $0x0, v0  }
0x10: {  	v0 =	vmin.u32 v0, $0x4E1FF  }
0x11: {  	[tilespmem:s18], [sflag:$0x1] =	stream.indirect_vreg.gather [hbm4b:s3+s10], $0x1, v1, vm0, $0x4038;
	[tilespmem:$0x7D00] =	vst v63  }
0x12: {  	(ifvalue) =	ssetifvalue $0x7FFFFFFF  }
0x13: {  	[tilespmem:s15], [sflag:$0x1] =	stream.indirect_vreg.gather [hbm4b:s3+s10], $0x1, v2, vm0, $0x4038;
	[tilespmem:$0x7D00] =	vst v63  }
0x14: {  	s29 =	sadd.s32 $0x10, s15;
	(ifvalue) =	ssetifvalue $0x7FFFFFFF  }
0x15: {  	[tilespmem:s29], [sflag:$0x1] =	stream.indirect_vreg.gather [hbm4b:s3+s10], $0x1, v0, vm0, $0x4038;
	[tilespmem:$0x7D00] =	vst v63  }
0x16: {  	_ =	swait.ge [sflag:s4], $0x1F40  }
0x17: {  	s30 =	sshrl.u32 s13, $0x3;
	[sflag:s4] =	ssyncset.done $0x0  }
0x18: {  	s31 =	sand.u32 $0x7, s13;
	s15 =	sadd.s32 s2, s30;
	[sflag:s4] =	ssyncadd.s32 $0xFFFFE0C0  }
0x19: {  	[hbm4b:s15+s31] =	stream.linear.scatter [tilespmem:s14], [sflag:$0x3], $0x1F40, $0x38;
	[tilespmem:$0x7D00] =	vst v63  }
.LBB2_5:
0x1a: {  	s15 =	sadd.s32 $0x3E800, s11  }
0x1b: {  	p1 =	sgt.s32 s15, $0x4E1FF  }
0x1c: {  	s15 =	smov.u32 @p1 s5;
	p1 =	sne.s32 s12, s9  }
.Ltmp1:
0x1d: {  	p0 =	slt.u32 s12, $0x2;
	(pc) =	sbr.rel @!p1 .LBB2_6-.Ltmp1, $4  }
0x1e: {  	s14 =	simm.s32 @!p0 $0x3  }
0x1f: {  	_ =	swait.ge @!p0 [sflag:s14], $0x1F40  }
0x20: {  	s16 =	sadd.s32 $0x1, s12;
	s13 =	smov.u32 s11;
	[sflag:s14] =	ssyncset.done @!p0 $0x0  }
0x21: {  	s12 =	smov.u32 s16;
	s11 =	smov.u32 s15;
	[sflag:s14] =	ssyncadd.s32 @!p0 $0xFFFFE0C0  }
.LBB2_1:
0x22: {  	p0 =	sge.u32 s12, s7  }
0x23: {  	s14 =	sxor.u32 @!p0 $0x1, s12  }
0x24: {  	s14 =	smul.u32 @!p0 $0x7D00, s14  }
0x25: {  	s31 =	sadd.s32 $0xFFFFFFFF, s12;
	s15 =	sshrl.u32 @!p0 s11, $0x3  }
0x26: {  	s16 =	sand.u32 @!p0 $0x7, s11;
	s15 =	sadd.s32 @!p0 s8, s15;
	s14 =	sshra.s32 @!p0 s14, $0x2  }
0x27: {  	[tilespmem:s14], [sflag:$0x2] =	stream.linear.gather @!p0 [hbm4b:s15+s16], $0x1F40, $0x38;
	[tilespmem:$0x7D00] =	vst v63  }
0x28: {  	p0 =	sge.u32 s31, s7  }
.Ltmp2:
0x29: {  	_ = 	snop;
	(pc) =	sbr.rel @p0 .LBB2_5-.Ltmp2, $1  }
0x2a: {  	_ =	sdelay $0x3  }
0x2b: {  	s14 =	sand.u32 $0x1, s12  }
0x2c: {  	_ =	swait.ge [sflag:s6], $0x1F40;
	p0 =	seq.s32 s14, $0x1;
	s14 =	simm.s32 $0x1F40  }
0x2d: {  	[sflag:s6] =	ssyncset.done $0x0;
	s14 =	simm.s32 @!p0 $0x0  }
0x2e: {  	[sflag:s6] =	ssyncadd.s32 $0xFFFFE0C0;
	(ifvalue) =	ssetifvalue $0x7FFFFFFF;
	v0 =	vld.msk [tilespmem:s14+$0x0 ss:$0x1], $0xffff;
	_ =	sdelay $0x4  }
0x2f: {  	s15 =	sadd.s32 $0x10, s14;
	vm1 =	vgt.s32 v0, $0x0  }
0x30: {  	v2 =	vld.msk [tilespmem:s15+$0x0 ss:$0x1], $0xffff;
	v1 =	vnsel vm1, $0x0, v0  }
0x31: {  	v1 =	vmin.u32 v1, $0x4E1FF;
	_ =	sdelay $0x2  }
0x32: {  	s17 =	simm.s32 $0x20;
	s14 =	sadd.s32 $0x3E80, s14;
	s16 =	sadd.s32 $0x10, s15  }
0x33: {  	s15 =	sadd.s32 $0x10, s14;
	s18 =	smov.u32 s14;
	v0 =	vld.msk [tilespmem:s16+$0x0 ss:$0x1], $0xffff;
	vm1 =	vgt.s32 v2, $0x0;
	(ifvalue) =	ssetifvalue $0x7FFFFFFF  }
.LBB2_3:
0x34: {  	[tilespmem:s18], [sflag:$0x1] =	stream.indirect_vreg.gather [hbm4b:s3+s10], $0x1, v1, vm0, $0x4038;
	[tilespmem:$0x7D00] =	vst v63  }
0x35: {  	s17 =	sadd.s32 $0x10, s17  }
0x36: {  	v2 =	vnsel vm1, $0x0, v2;
	p0 =	slt.u32 s17, $0x1F30  }
.Ltmp3:
0x37: {  	s18 =	smov.u32 s15;
	v1 =	vmin.u32 v2, $0x4E1FF;
	(pc) =	sbr.rel @p0 .LBB2_3-.Ltmp3, $3  }
0x38: {  	_ =	sdelay $0x1  }
0x39: {  	s16 =	sadd.s32 $0x10, s16  }
0x3a: {  	vm1 =	vgt.s32 v0, $0x0;
	s15 =	sadd.s32 $0x10, s15;
	v2 =	vmov v0;
	(ifvalue) =	ssetifvalue $0x7FFFFFFF;
	v0 =	vld.msk [tilespmem:s16+$0x0 ss:$0x1], $0xffff  }
.Ltmp4:
0x3b: {  	_ = 	snop;
	(pc) =	sbr.rel .LBB2_4-.Ltmp4, $1  }
0x3c: {  	_ =	sdelay $0x3  }
.LBB2_6:
0x3d: {  	_ =	sfence.sel $0x180000  }
0x3e: {  	s2 =	simm.s32 $0x2;
	[bflag:$0x0] =	sbarrier.arrive $0xFFFF  }
0x3f: {  	s30 =	simm.s32 $0x3;
	[sflag:s2] =	ssyncpa.u1 $0x1  }
0x40: {  	s31 =	simm.s32 $0x1;
	[sflag:s30] =	ssyncpa.u1 $0x1  }
0x41: {  	[sflag:s31] =	ssyncpa.u1 $0x1  }
0x42: {  	p0 =	sne.s32 s1, $0x0;
	_ =	strace $0x90000056  }
0x43: {  	s0 =	sadd.s32 @!p0 $0x100000, s0;
	[bflag:$0x2] =	sbarrier.arrive $0xFFFF  }
0x44: {  	[sflag:s0] =	ssyncadd.tile.s32 @!p0 $0x1;
	_ =	shalt  }
.Lfunc_end2:
_tile_overlayer_lowered:
.L_overlay_start_2:
0x45: {  	(tag) =	ssettag $0x2  }
0x46: {  	s0 =	rddreg [dreg:$0x0];
	s2 =	stileid.u32  }
0x47: {  	s1 =	rddreg [dreg:$0x1];
	p0 =	sne.s32 s2, $0x0  }
0x48: {  	s3 =	rddreg [dreg:$0x2];
	[bflag:$0x3] =	sbarrier.arrive $0xFFFF;
	s2 =	simm.s32 @!p0 $0x1C01  }
0x49: {  	[timem:s3], [sflag:s2] =	dma.local @!p0 [hbm:s0], s1  }
0x4a: {  	s0 =	simm.s32 @!p0 $0x1  }
0x4b: {  	_ =	swait.ge @!p0 [sflag:s0], s1  }
0x4c: {  	s1 =	ssub.s32 @!p0 $0x0, s1;
	[sflag:s0] =	ssyncset.done @!p0 $0x0  }
0x4d: {  	[sflag:s0] =	ssyncadd.s32 @!p0 s1  }
0x4e: {  	[bflag:$0x3] =	sbarrier.arrive $0xFFFF  }
0x4f: {  	_ =	shalt  }

// kernel: gather_offload_async_start.4
scs
__scs_entry_jumppad:
0x0: {  	(pc) =	sbr.rel $0x88, $3  }
0x1: {  	(tag) =	ssettag $0x0;
	lr =	simm.s32 $0x1  }
0x2: {  	[smem:$0x3F8C] =	sst lr;
	_ =	strace $0xD0000000  }
0x3: {  	_ = 	snop  }
0x4: {  	_ = 	snop  }
0x5: {  	_ = 	snop  }
0x6: {  	_ = 	snop  }
0x7: {  	_ = 	snop  }
__scs_overlays_trampoline_lowered:
0x8: {  	[smem:$0x3F9B] =	sst s0  }
0x9: {  	[smem:$0x3F9C] =	sst s1  }
0xa: {  	[smem:$0x3F9D] =	sst s2  }
0xb: {  	[smem:$0x3F9E] =	sst s3  }
0xc: {  	[smem:$0x3F9F] =	sst s4  }
0xd: {  	[smem:$0x3FA0] =	sst s5  }
0xe: {  	[smem:$0x3FA1] =	sst s6  }
0xf: {  	[smem:$0x3FA2] =	sst s7  }
0x10: {  	[smem:$0x3FA3] =	sst s8  }
0x11: {  	[smem:$0x3FA4] =	sst s9;
	s0 =	simm.s32 @!p0 $0x0  }
0x12: {  	s1 =	sld [smem:$0x3F8A];
	s0 =	simm.s32 @p0 $0x1  }
0x13: {  	[smem:$0x3FA5] =	sst s0;
	s0 =	simm.s32 @!p1 $0x0  }
0x14: {  	s2 =	sld [smem:$0x3F89];
	s0 =	simm.s32 @p1 $0x1  }
0x15: {  	[smem:$0x3FA6] =	sst s0;
	s0 =	simm.s32 @!p2 $0x0  }
0x16: {  	s3 =	sld [smem:$0x3FDB];
	s0 =	simm.s32 @p2 $0x1  }
0x17: {  	s4 =	simm.s32 $0x1BF5;
	[smem:$0x3FA8] =	sst s0  }
0x18: {  	s0 =	sld [smem:$0x3F8B];
	_ =	swait.ge [sflag:s4], $0x0  }
0x19: {  	s7 =	sld [smem:$0x3F8C]  }
0x1a: {  	s8 =	sadd.s32 $0xFFFFE003, lr  }
0x1b: {  	s9 =	sadd.s32 $0xFFFFFEF7, lr;
	s5 =	simm.s32 $0xFFFFFFFF;
	p2 =	slt.u32 s8, $0xFFFFF086  }
0x1c: {  	p1 =	slt.u32 s9, $0xF7A;
	s5 =	simm.s32 @!p2 $0x0  }
0x1d: {  	s5 =	simm.s32 @p1 $0x1;
	p0 =	seq.s32 s7, s2  }
0x1e: {  	s7 =	smul.u32 @!p0 $0xF7A, s2;
	p2 =	seq.s32 @!p0 s5, $0x0  }
0x1f: {  	s9 =	smul.u32 $0xF7A, s1;
	s8 =	simm.s32 @!p0 $0x1BF5;
	p2 =	por !p2, p0  }
0x20: {  	[sflag:s8] =	ssyncset.s32 @!p0 $0xFFFFF086;
	s6 =	sadd.s32 @!p0 s3, s7;
	s7 =	simm.s32 @!p0 $0x108  }
0x21: {  	s3 =	sadd.s32 s3, s9;
	s6 =	sadd.s32 @!p0 $0x88, s6;
	s7 =	simm.s32 @p2 $0x1082  }
0x22: {  	[simem:s7], [sflag:s8] =	dma.local @!p0 [hbm:s6], $0xF7A  }
0x23: {  	s9 =	sor.u32 $0xD0000000, s2;
	s6 =	simm.s32 $0x108;
	_ =	swait.ge @!p0 [sflag:s8], $0x0  }
0x24: {  	s3 =	sadd.s32 $0x88, s3;
	s6 =	simm.s32 @!p1 $0x1082;
	[sflag:s4] =	ssyncset.s32 $0xFFFFF086  }
0x25: {  	[simem:s6], [sflag:s4] =	dma.local [hbm:s3], $0xF7A  }
0x26: {  	[smem:$0x3F8C] =	sst s1;
	(tag) =	ssettag s2;
	_ =	strace s9  }
0x27: {  	s1 =	sld [smem:$0x3F9C]  }
0x28: {  	s2 =	sld [smem:$0x3F9D]  }
0x29: {  	s4 =	sld [smem:$0x3F9F]  }
0x2a: {  	p0 =	seq.s32 s5, $0x0;
	s5 =	sld [smem:$0x3FA0]  }
0x2b: {  	s6 =	sld [smem:$0x3FA1]  }
0x2c: {  	s7 =	sld [smem:$0x3FA2]  }
0x2d: {  	s3 =	simm.s32 $0x108;
	s8 =	sld [smem:$0x3FA3]  }
0x2e: {  	s3 =	simm.s32 @!p0 $0x1082;
	s9 =	sld [smem:$0x3FA4]  }
0x2f: {  	lr =	sadd.s32 s0, s3;
	s0 =	sld [smem:$0x3F9B]  }
0x30: {  	s3 =	sld [smem:$0x3F9E]  }
0x31: {  	[smem:$0x3FA7] =	sst s10  }
0x32: {  	s10 =	sld [smem:$0x3FA5];
	_ =	sdelay $0x3  }
0x33: {  	p0 =	seq.s32 s10, $0x1;
	s10 =	sld [smem:$0x3FA7];
	_ =	sdelay $0x3  }
0x34: {  	[smem:$0x3FA7] =	sst s10  }
0x35: {  	s10 =	sld [smem:$0x3FA6];
	_ =	sdelay $0x3  }
0x36: {  	p1 =	seq.s32 s10, $0x1;
	s10 =	sld [smem:$0x3FA7];
	_ =	sdelay $0x3  }
0x37: {  	[smem:$0x3FA7] =	sst s10  }
0x38: {  	s10 =	sld [smem:$0x3FA8]  }
0x39: {  	_ = 	snop;
	(pc) =	sbr.ind lr, $3  }
0x3a: {  	_ = 	snop  }
0x3b: {  	_ = 	snop  }
0x3c: {  	p2 =	seq.s32 s10, $0x1;
	s10 =	sld [smem:$0x3FA7]  }
0x3d: {  	_ =	shalt  }
0x3e: {  	_ =	shalt  }
0x3f: {  	_ =	shalt  }
0x40: {  	_ =	shalt  }
0x41: {  	_ =	shalt  }
0x42: {  	_ =	shalt  }
0x43: {  	_ =	shalt  }
0x44: {  	_ =	shalt  }
0x45: {  	_ =	shalt  }
0x46: {  	_ =	shalt  }
0x47: {  	_ =	shalt  }
0x48: {  	_ =	shalt  }
0x49: {  	_ =	shalt  }
0x4a: {  	_ =	shalt  }
0x4b: {  	_ =	shalt  }
0x4c: {  	_ =	shalt  }
0x4d: {  	_ =	shalt  }
0x4e: {  	_ =	shalt  }
0x4f: {  	_ =	shalt  }
0x50: {  	_ =	shalt  }
0x51: {  	_ =	shalt  }
0x52: {  	_ =	shalt  }
0x53: {  	_ =	shalt  }
0x54: {  	_ =	shalt  }
0x55: {  	_ =	shalt  }
0x56: {  	_ =	shalt  }
0x57: {  	_ =	shalt  }
0x58: {  	_ =	shalt  }
0x59: {  	_ =	shalt  }
0x5a: {  	_ =	shalt  }
0x5b: {  	_ =	shalt  }
0x5c: {  	_ =	shalt  }
0x5d: {  	_ =	shalt  }
0x5e: {  	_ =	shalt  }
0x5f: {  	_ =	shalt  }
0x60: {  	_ =	shalt  }
0x61: {  	_ =	shalt  }
0x62: {  	_ =	shalt  }
0x63: {  	_ =	shalt  }
0x64: {  	_ =	shalt  }
0x65: {  	_ =	shalt  }
0x66: {  	_ =	shalt  }
0x67: {  	_ =	shalt  }
0x68: {  	_ =	shalt  }
0x69: {  	_ =	shalt  }
0x6a: {  	_ =	shalt  }
0x6b: {  	_ =	shalt  }
0x6c: {  	_ =	shalt  }
0x6d: {  	_ =	shalt  }
0x6e: {  	_ =	shalt  }
0x6f: {  	_ =	shalt  }
0x70: {  	_ =	shalt  }
0x71: {  	_ =	shalt  }
0x72: {  	_ =	shalt  }
0x73: {  	_ =	shalt  }
0x74: {  	_ =	shalt  }
0x75: {  	_ =	shalt  }
0x76: {  	_ =	shalt  }
0x77: {  	_ =	shalt  }
0x78: {  	_ =	shalt  }
0x79: {  	_ =	shalt  }
0x7a: {  	_ =	shalt  }
0x7b: {  	_ =	shalt  }
0x7c: {  	_ =	shalt  }
0x7d: {  	_ =	shalt  }
0x7e: {  	_ =	shalt  }
0x7f: {  	_ =	shalt  }
0x80: {  	_ =	shalt  }
0x81: {  	_ =	shalt  }
0x82: {  	_ =	shalt  }
0x83: {  	_ =	shalt  }
0x84: {  	_ =	shalt  }
0x85: {  	_ =	shalt  }
0x86: {  	_ =	shalt  }
0x87: {  	_ =	shalt  }
.Lfunc_end0:
.L_simem_size_0:
called_computation.4_lowered:
.L_overlay_start_0:
0x88: {  	s2 =	sld [smem:$0x3FD9]  }
0x89: {  	s3 =	sld [smem:$0x3FFE];
	_ =	sdelay $0x1  }
0x8a: {  	s1 =	srdreg.scid  }
0x8b: {  	s0 =	sand.u32 $0x1, s1  }
0x8c: {  	s17 =	sshll.u32 s0, $0xA;
	s2 =	sadd.s32 s3, s2  }
0x8d: {  	s2 =	sadd.s32 s2, s17  }
0x8e: {  	[smem:$0x3FB3] =	sst s2  }
0x8f: {  	_ = 	snop  }
0x90: {  	(tm) =	ssettm $0x1  }
0x91: {  	s18 =	sld [smem:$0x3FFB];
	_ =	sdelay $0x3  }
0x92: {  	_ =	strace s18  }
0x93: {  	s2 =	sld [smem:$0x3FFC];
	_ =	sdelay $0x3  }
0x94: {  	_ =	strace s2  }
0x95: {  	s2 =	sld [smem:$0x3FFD];
	_ =	sdelay $0x3  }
0x96: {  	_ =	strace s2  }
0x97: {  	_ =	strace $0x8FFFFFFF  }
0x98: {  	s19 =	sld [smem:$0x3FDB];
	_ =	sdelay $0x1  }
0x99: {  	s20 =	simm.s32 $_scs_section_size  }
0x9a: {  	s4 =	simm.s32 $_size__tile_overlayer_lowered;
	s5 =	simm.s32 $_tile_overlayer_lowered  }
0x9b: {  	s6 =	simm.s32 $0x1BFF;
	s21 =	sshll.u32 s5, $0x1;
	s3 =	sadd.s32 s20, s19  }
0x9c: {  	s22 =	simm.s32 $0x0;
	s4 =	sshll.u32 s4, $0x1;
	s5 =	sadd.s32 s21, s3  }
0x9d: {  	[timem:s22], [sflag:s6] =	dma.local [hbm:s5], s4  }
0x9e: {  	_ =	swait.ge [sflag:s6], s4  }
0x9f: {  	s4 =	ssub.s32 $0x0, s4;
	[sflag:s6] =	ssyncset.done $0x0  }
0xa0: {  	[sflag:s6] =	ssyncadd.s32 s4;
	_ =	sdelay $0x1  }
0xa1: {  	s23 =	simm.s32 $0x1B8B  }
0xa2: {  	_ =	swait.ge [sflag:s23], $0x1  }
0xa3: {  	[sflag:s23] =	ssyncset.done $0x0  }
0xa4: {  	[sflag:s23] =	ssyncadd.s32 $0xFFFFFFFF  }
0xa5: {  	s4 =	sld [smem:$0x0]  }
0xa6: {  	s5 =	sand.u32 $0xFFFFFFFE, s1  }
0xa7: {  	p0 =	sne.s32 s1, s5  }
0xa8: {  	s5 =	sshll.u32 @p0 s5, $0xE  }
0xa9: {  	s5 =	sadd.s32 @p0 $0x11B8D, s5;
	s6 =	sshll.u32 @p0 s4, $0x11  }
0xaa: {  	s5 =	sor.u32 @p0 s6, s5  }
0xab: {  	[sflag:s5] =	ssyncadd.remote.s32 @p0 $0x1;
	_ =	sdelay $0x1  }
0xac: {  	s5 =	simm.s32 @p0 $0x1B8D  }
0xad: {  	_ =	swait.eq @p0 [sflag:s5], $0x1  }
0xae: {  	[sflag:s5] =	ssyncadd.s32 @p0 $0xFFFFFFFF  }
0xaf: {  	s6 =	sshll.u32 @!p0 s1, $0xE  }
0xb0: {  	s6 =	sor.u32 @!p0 $0x4000, s6;
	s5 =	simm.s32 @!p0 $0x1B8D  }
0xb1: {  	s4 =	sshll.u32 @!p0 s4, $0x11;
	s6 =	sadd.s32 @!p0 $0x11B8D, s6;
	_ =	swait.eq @!p0 [sflag:s5], $0x1  }
0xb2: {  	s4 =	sor.u32 @!p0 s4, s6;
	[sflag:s5] =	ssyncadd.s32 @!p0 $0xFFFFFFFF  }
0xb3: {  	s25 =	simm.s32 $0x1B8E;
	s24 =	sld [smem:$0x3FFE];
	[sflag:s4] =	ssyncadd.remote.s32 @!p0 $0x1  }
0xb4: {  	s26 =	simm.s32 $execute0_lowered;
	[smem:$0x3FD2] =	sst s25  }
0xb5: {  	s5 =	sshll.u32 s26, $0x1;
	_ =	strace $0x80000049;
	[dreg:$0x1] =	wrdreg $0xFFFFFFFF  }
0xb6: {  	s28 =	simm.s32 $_size_execute0_lowered;
	s3 =	sadd.s32 s3, s5;
	[dreg:$0x0] =	wrdreg $0x0  }
0xb7: {  	s5 =	sshll.u32 s28, $0x1;
	[dreg:$0x2] =	wrdreg s3  }
0xb8: {  	[dreg:$0x3] =	wrdreg s5  }
0xb9: {  	[dreg:$0x4] =	wrdreg $0xC0  }
0xba: {  	_ =	task [dreg:s22], $0x5FFFF  }
0xbb: {  	[dreg:$0x1] =	wrdreg $0xFFFFFFFF  }
0xbc: {  	[dreg:$0x0] =	wrdreg $0x60  }
0xbd: {  	[dreg:$0x2] =	wrdreg s24  }
0xbe: {  	[dreg:$0x3] =	wrdreg $0xC  }
0xbf: {  	_ =	task.clear_ibuf [dreg:s22], $0x4FFFF;
	_ =	strace $0x90000049  }
0xc0: {  	s29 =	simm.s32 $0xC;
	_ =	strace $0x8000004B  }
0xc1: {  	_ =	swait.ge [sflag:s29], $0x1  }
0xc2: {  	[sflag:s29] =	ssyncadd.s32 $0xFFFFFFFF  }
0xc3: {  	_ =	strace $0x9000004B  }
0xc4: {  	_ =	sfence  }
0xc5: {  	s30 =	sld [smem:$0x0];
	_ =	sdelay $0x2  }
0xc6: {  	s31 =	sshll.u32 s1, $0xD;
	s1 =	sshrl.u32 s1, $0x2  }
0xc7: {  	s4 =	sand.u32 $0x4000, s31;
	s1 =	sadd.s32 s1, s30  }
0xc8: {  	s0 =	sor.u32 s4, s0;
	s1 =	sshll.u32 s1, $0x11  }
0xc9: {  	s0 =	sor.u32 s1, s0  }
0xca: {  	s0 =	sadd.s32 $0x8F2B, s0  }
0xcb: {  	[sflag:s0] =	ssyncadd.remote.s32 $0x1  }
0xcc: {  	_ =	sfence.sel $0xFFFF  }
0xcd: {  	[dreg:$0x0] =	wrdreg $0xFFFFFFFF;
	(pc) =	sbr.abs _section_cstart, $3  }
0xce: {  	[dreg:$0x1] =	wrdreg $0xFFFFFFFF  }
0xcf: {  	_ =	task.clear_ibuf [dreg:s22], $0x2FFFF;
	_ =	strace $0x9FFFFFFF  }
0xd0: {  	(tm) =	ssettm $0x7FFFFFFF  }
0xd1: {  	_ =	shalt  }
tec
execute0_lowered:
.L_overlay_start_1:
0x0: {  	(tag) =	ssettag $0x1  }
0x1: {  	s8 =	rddreg [dreg:$0x0]  }
0x2: {  	s0 =	rddreg [dreg:$0x1];
	_ =	strace $0x8000004A;
	s1 =	stileid.u32  }
0x3: {  	s3 =	srdreg.scid;
	s4 =	simm.s32 $0x1;
	s7 =	simm.s32 $0x1  }
0x4: {  	s9 =	simm.s32 $0x1;
	s10 =	simm.s32 $0x3;
	s13 =	simm.s32 $0x0  }
0x5: {  	s12 =	simm.s32 $0x0;
	s5 =	sand.u32 $0x1, s3;
	s6 =	sshll.u32 s1, $0x1  }
0x6: {  	s2 =	sadd.s32 $0x18800, s8;
	s3 =	sadd.s32 $0x36200, s8;
	s5 =	sor.u32 s6, s5  }
.Ltmp0:
0x7: {  	[sflag:s4] =	ssyncpa.u1 $0x0;
	p0 =	slt.u32 s5, $0x9;
	(pc) =	sbr.rel .LBB2_1-.Ltmp0, $4  }
0x8: {  	s6 =	simm.s32 $0x2;
	s7 =	simm.s32 @!p0 $0x0;
	p0 =	sne.s32 s5, $0x8  }
0x9: {  	[sflag:s6] =	ssyncpa.u1 $0x0;
	s5 =	smul.u32 $0x1F40, s5;
	s9 =	simm.s32 @!p0 $0x0  }
0xa: {  	s8 =	sadd.s32 $0x53A00, s8;
	[sflag:s10] =	ssyncpa.u1 $0x0;
	s7 =	sadd.s32 s9, s7  }
0xb: {  	vm0 =	vmmov $0xffff;
	s10 =	simm.s32 $0x0;
	s11 =	smov.u32 s5;
	s9 =	sadd.s32 $0x1, s7  }
.LBB2_4:
0xc: {  	v2 =	vnsel vm1, $0x0, v2  }
0xd: {  	vm1 =	vgt.s32 v0, $0x0;
	v2 =	vmin.u32 v2, $0x4E1FF  }
0xe: {  	v0 =	vnsel vm1, $0x0, v0  }
0xf: {  	v0 =	vmin.u32 v0, $0x4E1FF  }
0x10: {  	[tilespmem:s18], [sflag:$0x1] =	stream.indirect_vreg.gather [hbm4b:s2+s10], $0x1, v1, vm0, $0x4038;
	[tilespmem:$0x7D00] =	vst v63  }
0x11: {  	(ifvalue) =	ssetifvalue $0x7FFFFFFF  }
0x12: {  	[tilespmem:s15], [sflag:$0x1] =	stream.indirect_vreg.gather [hbm4b:s2+s10], $0x1, v2, vm0, $0x4038;
	[tilespmem:$0x7D00] =	vst v63  }
0x13: {  	s29 =	sadd.s32 $0x10, s15;
	(ifvalue) =	ssetifvalue $0x7FFFFFFF  }
0x14: {  	[tilespmem:s29], [sflag:$0x1] =	stream.indirect_vreg.gather [hbm4b:s2+s10], $0x1, v0, vm0, $0x4038;
	[tilespmem:$0x7D00] =	vst v63  }
0x15: {  	_ =	swait.ge [sflag:s4], $0x1F40  }
0x16: {  	s30 =	sshrl.u32 s13, $0x3;
	[sflag:s4] =	ssyncset.done $0x0  }
0x17: {  	s31 =	sand.u32 $0x7, s13;
	s15 =	sadd.s32 s8, s30;
	[sflag:s4] =	ssyncadd.s32 $0xFFFFE0C0  }
0x18: {  	[hbm4b:s15+s31] =	stream.linear.scatter [tilespmem:s14], [sflag:$0x3], $0x1F40, $0x38;
	[tilespmem:$0x7D00] =	vst v63  }
.LBB2_5:
0x19: {  	s15 =	sadd.s32 $0x3E800, s11  }
0x1a: {  	p1 =	sgt.s32 s15, $0x4E1FF  }
0x1b: {  	s15 =	smov.u32 @p1 s5;
	p1 =	sne.s32 s12, s9  }
.Ltmp1:
0x1c: {  	p0 =	slt.u32 s12, $0x2;
	(pc) =	sbr.rel @!p1 .LBB2_6-.Ltmp1, $4  }
0x1d: {  	s14 =	simm.s32 @!p0 $0x3  }
0x1e: {  	_ =	swait.ge @!p0 [sflag:s14], $0x1F40  }
0x1f: {  	s16 =	sadd.s32 $0x1, s12;
	s13 =	smov.u32 s11;
	[sflag:s14] =	ssyncset.done @!p0 $0x0  }
0x20: {  	s12 =	smov.u32 s16;
	s11 =	smov.u32 s15;
	[sflag:s14] =	ssyncadd.s32 @!p0 $0xFFFFE0C0  }
.LBB2_1:
0x21: {  	p0 =	sge.u32 s12, s7  }
0x22: {  	s14 =	sxor.u32 @!p0 $0x1, s12  }
0x23: {  	s14 =	smul.u32 @!p0 $0x7D00, s14  }
0x24: {  	s31 =	sadd.s32 $0xFFFFFFFF, s12;
	s15 =	sshrl.u32 @!p0 s11, $0x3  }
0x25: {  	s16 =	sand.u32 @!p0 $0x7, s11;
	s15 =	sadd.s32 @!p0 s3, s15;
	s14 =	sshra.s32 @!p0 s14, $0x2  }
0x26: {  	[tilespmem:s14], [sflag:$0x2] =	stream.linear.gather @!p0 [hbm4b:s15+s16], $0x1F40, $0x38;
	[tilespmem:$0x7D00] =	vst v63  }
0x27: {  	p0 =	sge.u32 s31, s7  }
.Ltmp2:
0x28: {  	_ = 	snop;
	(pc) =	sbr.rel @p0 .LBB2_5-.Ltmp2, $1  }
0x29: {  	_ =	sdelay $0x3  }
0x2a: {  	s14 =	sand.u32 $0x1, s12  }
0x2b: {  	_ =	swait.ge [sflag:s6], $0x1F40;
	p0 =	seq.s32 s14, $0x1;
	s14 =	simm.s32 $0x1F40  }
0x2c: {  	[sflag:s6] =	ssyncset.done $0x0;
	s14 =	simm.s32 @!p0 $0x0  }
0x2d: {  	[sflag:s6] =	ssyncadd.s32 $0xFFFFE0C0;
	(ifvalue) =	ssetifvalue $0x7FFFFFFF;
	v0 =	vld.msk [tilespmem:s14+$0x0 ss:$0x1], $0xffff;
	_ =	sdelay $0x4  }
0x2e: {  	s15 =	sadd.s32 $0x10, s14;
	vm1 =	vgt.s32 v0, $0x0  }
0x2f: {  	v2 =	vld.msk [tilespmem:s15+$0x0 ss:$0x1], $0xffff;
	v1 =	vnsel vm1, $0x0, v0  }
0x30: {  	v1 =	vmin.u32 v1, $0x4E1FF;
	_ =	sdelay $0x2  }
0x31: {  	s17 =	simm.s32 $0x20;
	s14 =	sadd.s32 $0x3E80, s14;
	s16 =	sadd.s32 $0x10, s15  }
0x32: {  	s15 =	sadd.s32 $0x10, s14;
	s18 =	smov.u32 s14;
	v0 =	vld.msk [tilespmem:s16+$0x0 ss:$0x1], $0xffff;
	vm1 =	vgt.s32 v2, $0x0;
	(ifvalue) =	ssetifvalue $0x7FFFFFFF  }
.LBB2_3:
0x33: {  	[tilespmem:s18], [sflag:$0x1] =	stream.indirect_vreg.gather [hbm4b:s2+s10], $0x1, v1, vm0, $0x4038;
	[tilespmem:$0x7D00] =	vst v63  }
0x34: {  	s17 =	sadd.s32 $0x10, s17  }
0x35: {  	v2 =	vnsel vm1, $0x0, v2;
	p0 =	slt.u32 s17, $0x1F30  }
.Ltmp3:
0x36: {  	s18 =	smov.u32 s15;
	v1 =	vmin.u32 v2, $0x4E1FF;
	(pc) =	sbr.rel @p0 .LBB2_3-.Ltmp3, $3  }
0x37: {  	_ =	sdelay $0x1  }
0x38: {  	s16 =	sadd.s32 $0x10, s16  }
0x39: {  	vm1 =	vgt.s32 v0, $0x0;
	s15 =	sadd.s32 $0x10, s15;
	v2 =	vmov v0;
	(ifvalue) =	ssetifvalue $0x7FFFFFFF;
	v0 =	vld.msk [tilespmem:s16+$0x0 ss:$0x1], $0xffff  }
.Ltmp4:
0x3a: {  	_ = 	snop;
	(pc) =	sbr.rel .LBB2_4-.Ltmp4, $1  }
0x3b: {  	_ =	sdelay $0x3  }
.LBB2_6:
0x3c: {  	_ =	sfence.sel $0x180000  }
0x3d: {  	s2 =	simm.s32 $0x2;
	[bflag:$0x0] =	sbarrier.arrive $0xFFFF  }
0x3e: {  	s30 =	simm.s32 $0x3;
	[sflag:s2] =	ssyncpa.u1 $0x1  }
0x3f: {  	s31 =	simm.s32 $0x1;
	[sflag:s30] =	ssyncpa.u1 $0x1  }
0x40: {  	[sflag:s31] =	ssyncpa.u1 $0x1  }
0x41: {  	p0 =	sne.s32 s1, $0x0;
	_ =	strace $0x9000004A  }
0x42: {  	s0 =	sadd.s32 @!p0 $0x100000, s0;
	[bflag:$0x2] =	sbarrier.arrive $0xFFFF  }
0x43: {  	[sflag:s0] =	ssyncadd.tile.s32 @!p0 $0x1;
	_ =	shalt  }
.Lfunc_end2:
_tile_overlayer_lowered:
.L_overlay_start_2:
0x44: {  	(tag) =	ssettag $0x2  }
0x45: {  	s0 =	rddreg [dreg:$0x0];
	s2 =	stileid.u32  }
0x46: {  	s1 =	rddreg [dreg:$0x1];
	p0 =	sne.s32 s2, $0x0  }
0x47: {  	s3 =	rddreg [dreg:$0x2];
	[bflag:$0x3] =	sbarrier.arrive $0xFFFF;
	s2 =	simm.s32 @!p0 $0x1C01  }
0x48: {  	[timem:s3], [sflag:s2] =	dma.local @!p0 [hbm:s0], s1  }
0x49: {  	s0 =	simm.s32 @!p0 $0x1  }
0x4a: {  	_ =	swait.ge @!p0 [sflag:s0], s1  }
0x4b: {  	s1 =	ssub.s32 @!p0 $0x0, s1;
	[sflag:s0] =	ssyncset.done @!p0 $0x0  }
0x4c: {  	[sflag:s0] =	ssyncadd.s32 @!p0 s1  }
0x4d: {  	[bflag:$0x3] =	sbarrier.arrive $0xFFFF  }
0x4e: {  	_ =	shalt  }

// kernel: gather_offload_async_start
scs
__scs_entry_jumppad:
0x0: {  	(pc) =	sbr.rel $0x88, $3  }
0x1: {  	(tag) =	ssettag $0x0;
	lr =	simm.s32 $0x1  }
0x2: {  	[smem:$0x3F8C] =	sst lr;
	_ =	strace $0xD0000000  }
0x3: {  	_ = 	snop  }
0x4: {  	_ = 	snop  }
0x5: {  	_ = 	snop  }
0x6: {  	_ = 	snop  }
0x7: {  	_ = 	snop  }
__scs_overlays_trampoline_lowered:
0x8: {  	[smem:$0x3F9B] =	sst s0  }
0x9: {  	[smem:$0x3F9C] =	sst s1  }
0xa: {  	[smem:$0x3F9D] =	sst s2  }
0xb: {  	[smem:$0x3F9E] =	sst s3  }
0xc: {  	[smem:$0x3F9F] =	sst s4  }
0xd: {  	[smem:$0x3FA0] =	sst s5  }
0xe: {  	[smem:$0x3FA1] =	sst s6  }
0xf: {  	[smem:$0x3FA2] =	sst s7  }
0x10: {  	[smem:$0x3FA3] =	sst s8  }
0x11: {  	[smem:$0x3FA4] =	sst s9;
	s0 =	simm.s32 @!p0 $0x0  }
0x12: {  	s1 =	sld [smem:$0x3F8A];
	s0 =	simm.s32 @p0 $0x1  }
0x13: {  	[smem:$0x3FA5] =	sst s0;
	s0 =	simm.s32 @!p1 $0x0  }
0x14: {  	s2 =	sld [smem:$0x3F89];
	s0 =	simm.s32 @p1 $0x1  }
0x15: {  	[smem:$0x3FA6] =	sst s0;
	s0 =	simm.s32 @!p2 $0x0  }
0x16: {  	s3 =	sld [smem:$0x3FDB];
	s0 =	simm.s32 @p2 $0x1  }
0x17: {  	s4 =	simm.s32 $0x1BF5;
	[smem:$0x3FA8] =	sst s0  }
0x18: {  	s0 =	sld [smem:$0x3F8B];
	_ =	swait.ge [sflag:s4], $0x0  }
0x19: {  	s7 =	sld [smem:$0x3F8C]  }
0x1a: {  	s8 =	sadd.s32 $0xFFFFE003, lr  }
0x1b: {  	s9 =	sadd.s32 $0xFFFFFEF7, lr;
	s5 =	simm.s32 $0xFFFFFFFF;
	p2 =	slt.u32 s8, $0xFFFFF086  }
0x1c: {  	p1 =	slt.u32 s9, $0xF7A;
	s5 =	simm.s32 @!p2 $0x0  }
0x1d: {  	s5 =	simm.s32 @p1 $0x1;
	p0 =	seq.s32 s7, s2  }
0x1e: {  	s7 =	smul.u32 @!p0 $0xF7A, s2;
	p2 =	seq.s32 @!p0 s5, $0x0  }
0x1f: {  	s9 =	smul.u32 $0xF7A, s1;
	s8 =	simm.s32 @!p0 $0x1BF5;
	p2 =	por !p2, p0  }
0x20: {  	[sflag:s8] =	ssyncset.s32 @!p0 $0xFFFFF086;
	s6 =	sadd.s32 @!p0 s3, s7;
	s7 =	simm.s32 @!p0 $0x108  }
0x21: {  	s3 =	sadd.s32 s3, s9;
	s6 =	sadd.s32 @!p0 $0x88, s6;
	s7 =	simm.s32 @p2 $0x1082  }
0x22: {  	[simem:s7], [sflag:s8] =	dma.local @!p0 [hbm:s6], $0xF7A  }
0x23: {  	s9 =	sor.u32 $0xD0000000, s2;
	s6 =	simm.s32 $0x108;
	_ =	swait.ge @!p0 [sflag:s8], $0x0  }
0x24: {  	s3 =	sadd.s32 $0x88, s3;
	s6 =	simm.s32 @!p1 $0x1082;
	[sflag:s4] =	ssyncset.s32 $0xFFFFF086  }
0x25: {  	[simem:s6], [sflag:s4] =	dma.local [hbm:s3], $0xF7A  }
0x26: {  	[smem:$0x3F8C] =	sst s1;
	(tag) =	ssettag s2;
	_ =	strace s9  }
0x27: {  	s1 =	sld [smem:$0x3F9C]  }
0x28: {  	s2 =	sld [smem:$0x3F9D]  }
0x29: {  	s4 =	sld [smem:$0x3F9F]  }
0x2a: {  	p0 =	seq.s32 s5, $0x0;
	s5 =	sld [smem:$0x3FA0]  }
0x2b: {  	s6 =	sld [smem:$0x3FA1]  }
0x2c: {  	s7 =	sld [smem:$0x3FA2]  }
0x2d: {  	s3 =	simm.s32 $0x108;
	s8 =	sld [smem:$0x3FA3]  }
0x2e: {  	s3 =	simm.s32 @!p0 $0x1082;
	s9 =	sld [smem:$0x3FA4]  }
0x2f: {  	lr =	sadd.s32 s0, s3;
	s0 =	sld [smem:$0x3F9B]  }
0x30: {  	s3 =	sld [smem:$0x3F9E]  }
0x31: {  	[smem:$0x3FA7] =	sst s10  }
0x32: {  	s10 =	sld [smem:$0x3FA5];
	_ =	sdelay $0x3  }
0x33: {  	p0 =	seq.s32 s10, $0x1;
	s10 =	sld [smem:$0x3FA7];
	_ =	sdelay $0x3  }
0x34: {  	[smem:$0x3FA7] =	sst s10  }
0x35: {  	s10 =	sld [smem:$0x3FA6];
	_ =	sdelay $0x3  }
0x36: {  	p1 =	seq.s32 s10, $0x1;
	s10 =	sld [smem:$0x3FA7];
	_ =	sdelay $0x3  }
0x37: {  	[smem:$0x3FA7] =	sst s10  }
0x38: {  	s10 =	sld [smem:$0x3FA8]  }
0x39: {  	_ = 	snop;
	(pc) =	sbr.ind lr, $3  }
0x3a: {  	_ = 	snop  }
0x3b: {  	_ = 	snop  }
0x3c: {  	p2 =	seq.s32 s10, $0x1;
	s10 =	sld [smem:$0x3FA7]  }
0x3d: {  	_ =	shalt  }
0x3e: {  	_ =	shalt  }
0x3f: {  	_ =	shalt  }
0x40: {  	_ =	shalt  }
0x41: {  	_ =	shalt  }
0x42: {  	_ =	shalt  }
0x43: {  	_ =	shalt  }
0x44: {  	_ =	shalt  }
0x45: {  	_ =	shalt  }
0x46: {  	_ =	shalt  }
0x47: {  	_ =	shalt  }
0x48: {  	_ =	shalt  }
0x49: {  	_ =	shalt  }
0x4a: {  	_ =	shalt  }
0x4b: {  	_ =	shalt  }
0x4c: {  	_ =	shalt  }
0x4d: {  	_ =	shalt  }
0x4e: {  	_ =	shalt  }
0x4f: {  	_ =	shalt  }
0x50: {  	_ =	shalt  }
0x51: {  	_ =	shalt  }
0x52: {  	_ =	shalt  }
0x53: {  	_ =	shalt  }
0x54: {  	_ =	shalt  }
0x55: {  	_ =	shalt  }
0x56: {  	_ =	shalt  }
0x57: {  	_ =	shalt  }
0x58: {  	_ =	shalt  }
0x59: {  	_ =	shalt  }
0x5a: {  	_ =	shalt  }
0x5b: {  	_ =	shalt  }
0x5c: {  	_ =	shalt  }
0x5d: {  	_ =	shalt  }
0x5e: {  	_ =	shalt  }
0x5f: {  	_ =	shalt  }
0x60: {  	_ =	shalt  }
0x61: {  	_ =	shalt  }
0x62: {  	_ =	shalt  }
0x63: {  	_ =	shalt  }
0x64: {  	_ =	shalt  }
0x65: {  	_ =	shalt  }
0x66: {  	_ =	shalt  }
0x67: {  	_ =	shalt  }
0x68: {  	_ =	shalt  }
0x69: {  	_ =	shalt  }
0x6a: {  	_ =	shalt  }
0x6b: {  	_ =	shalt  }
0x6c: {  	_ =	shalt  }
0x6d: {  	_ =	shalt  }
0x6e: {  	_ =	shalt  }
0x6f: {  	_ =	shalt  }
0x70: {  	_ =	shalt  }
0x71: {  	_ =	shalt  }
0x72: {  	_ =	shalt  }
0x73: {  	_ =	shalt  }
0x74: {  	_ =	shalt  }
0x75: {  	_ =	shalt  }
0x76: {  	_ =	shalt  }
0x77: {  	_ =	shalt  }
0x78: {  	_ =	shalt  }
0x79: {  	_ =	shalt  }
0x7a: {  	_ =	shalt  }
0x7b: {  	_ =	shalt  }
0x7c: {  	_ =	shalt  }
0x7d: {  	_ =	shalt  }
0x7e: {  	_ =	shalt  }
0x7f: {  	_ =	shalt  }
0x80: {  	_ =	shalt  }
0x81: {  	_ =	shalt  }
0x82: {  	_ =	shalt  }
0x83: {  	_ =	shalt  }
0x84: {  	_ =	shalt  }
0x85: {  	_ =	shalt  }
0x86: {  	_ =	shalt  }
0x87: {  	_ =	shalt  }
.Lfunc_end0:
.L_simem_size_0:
called_computation_lowered:
.L_overlay_start_0:
0x88: {  	s2 =	sld [smem:$0x3FD9]  }
0x89: {  	s3 =	sld [smem:$0x3FFE];
	_ =	sdelay $0x1  }
0x8a: {  	s1 =	srdreg.scid  }
0x8b: {  	s0 =	sand.u32 $0x1, s1  }
0x8c: {  	s15 =	sshll.u32 s0, $0xA;
	s2 =	sadd.s32 s3, s2  }
0x8d: {  	s2 =	sadd.s32 s2, s15  }
0x8e: {  	[smem:$0x3FB3] =	sst s2  }
0x8f: {  	_ = 	snop  }
0x90: {  	s2 =	sld [smem:$0x3FD0];
	_ =	sdelay $0x2  }
0x91: {  	s16 =	simm.s32 $0xE;
	s4 =	simm.s32 $0x10  }
0x92: {  	[smem:s4], [sflag:s16] =	dma.local [hbm:s2], $0x1  }
0x93: {  	_ =	swait.eq [sflag:s16], $0x1  }
0x94: {  	[sflag:s16] =	ssyncset.done $0x0  }
0x95: {  	[sflag:s16] =	ssyncadd.s32 $0xFFFFFFFF  }
0x96: {  	s17 =	sld [smem:$0x11];
	(tm) =	ssettm $0x1  }
0x97: {  	s18 =	sld [smem:$0x3FFB];
	_ =	sdelay $0x3  }
0x98: {  	_ =	strace s18  }
0x99: {  	s2 =	sld [smem:$0x3FFC];
	_ =	sdelay $0x3  }
0x9a: {  	_ =	strace s2  }
0x9b: {  	s2 =	sld [smem:$0x3FFD];
	_ =	sdelay $0x3  }
0x9c: {  	_ =	strace s2  }
0x9d: {  	_ =	strace $0x8FFFFFFF  }
0x9e: {  	s19 =	sld [smem:$0x3FDB];
	_ =	sdelay $0x1  }
0x9f: {  	s20 =	simm.s32 $_scs_section_size  }
0xa0: {  	s5 =	simm.s32 $_size__tile_overlayer_lowered;
	s6 =	simm.s32 $_tile_overlayer_lowered  }
0xa1: {  	s7 =	simm.s32 $0x1BFF;
	s21 =	sshll.u32 s6, $0x1;
	s4 =	sadd.s32 s20, s19  }
0xa2: {  	s22 =	simm.s32 $0x0;
	s5 =	sshll.u32 s5, $0x1;
	s6 =	sadd.s32 s21, s4  }
0xa3: {  	[timem:s22], [sflag:s7] =	dma.local [hbm:s6], s5  }
0xa4: {  	_ =	swait.ge [sflag:s7], s5  }
0xa5: {  	s5 =	ssub.s32 $0x0, s5;
	[sflag:s7] =	ssyncset.done $0x0  }
0xa6: {  	[sflag:s7] =	ssyncadd.s32 s5;
	_ =	sdelay $0x1  }
0xa7: {  	s23 =	simm.s32 $0x1B8B  }
0xa8: {  	_ =	swait.ge [sflag:s23], $0x1  }
0xa9: {  	[sflag:s23] =	ssyncset.done $0x0  }
0xaa: {  	[sflag:s23] =	ssyncadd.s32 $0xFFFFFFFF  }
0xab: {  	s5 =	sld [smem:$0x0]  }
0xac: {  	s6 =	sand.u32 $0xFFFFFFFE, s1  }
0xad: {  	p0 =	sne.s32 s1, s6  }
0xae: {  	s6 =	sshll.u32 @p0 s6, $0xE  }
0xaf: {  	s6 =	sadd.s32 @p0 $0x11B8D, s6;
	s7 =	sshll.u32 @p0 s5, $0x11  }
0xb0: {  	s6 =	sor.u32 @p0 s7, s6  }
0xb1: {  	[sflag:s6] =	ssyncadd.remote.s32 @p0 $0x1;
	_ =	sdelay $0x1  }
0xb2: {  	s6 =	simm.s32 @p0 $0x1B8D  }
0xb3: {  	_ =	swait.eq @p0 [sflag:s6], $0x1  }
0xb4: {  	[sflag:s6] =	ssyncadd.s32 @p0 $0xFFFFFFFF  }
0xb5: {  	s7 =	sshll.u32 @!p0 s1, $0xE  }
0xb6: {  	s7 =	sor.u32 @!p0 $0x4000, s7;
	s6 =	simm.s32 @!p0 $0x1B8D  }
0xb7: {  	s5 =	sshll.u32 @!p0 s5, $0x11;
	s7 =	sadd.s32 @!p0 $0x11B8D, s7;
	_ =	swait.eq @!p0 [sflag:s6], $0x1  }
0xb8: {  	s5 =	sor.u32 @!p0 s5, s7;
	[sflag:s6] =	ssyncadd.s32 @!p0 $0xFFFFFFFF  }
0xb9: {  	s25 =	simm.s32 $0x1B8E;
	s24 =	sld [smem:$0x3FFE];
	[sflag:s5] =	ssyncadd.remote.s32 @!p0 $0x1  }
0xba: {  	s26 =	simm.s32 $execute0_lowered;
	[smem:$0x3FD2] =	sst s25  }
0xbb: {  	s6 =	sshll.u32 s26, $0x1;
	_ =	strace $0x8000004C;
	[dreg:$0x1] =	wrdreg $0xFFFFFFFF  }
0xbc: {  	s28 =	simm.s32 $_size_execute0_lowered;
	s4 =	sadd.s32 s4, s6;
	[dreg:$0x0] =	wrdreg $0x0  }
0xbd: {  	s6 =	sshll.u32 s28, $0x1;
	[dreg:$0x2] =	wrdreg s4  }
0xbe: {  	[dreg:$0x3] =	wrdreg s6  }
0xbf: {  	[dreg:$0x4] =	wrdreg $0xC0  }
0xc0: {  	_ =	task [dreg:s22], $0x5FFFF  }
0xc1: {  	[dreg:$0x1] =	wrdreg $0xFFFFFFFF  }
0xc2: {  	[dreg:$0x0] =	wrdreg $0x60  }
0xc3: {  	[dreg:$0x2] =	wrdreg s17  }
0xc4: {  	[dreg:$0x3] =	wrdreg s24  }
0xc5: {  	[dreg:$0x4] =	wrdreg $0x9  }
0xc6: {  	_ =	task.clear_ibuf [dreg:s22], $0x5FFFF;
	_ =	strace $0x9000004C  }
0xc7: {  	s29 =	simm.s32 $0x9;
	_ =	strace $0x8000004E  }
0xc8: {  	_ =	swait.ge [sflag:s29], $0x1  }
0xc9: {  	[sflag:s29] =	ssyncadd.s32 $0xFFFFFFFF  }
0xca: {  	_ =	strace $0x9000004E  }
0xcb: {  	_ =	sfence  }
0xcc: {  	s30 =	sld [smem:$0x0];
	_ =	sdelay $0x2  }
0xcd: {  	s31 =	sshll.u32 s1, $0xD;
	s1 =	sshrl.u32 s1, $0x2  }
0xce: {  	s4 =	sand.u32 $0x4000, s31;
	s1 =	sadd.s32 s1, s30  }
0xcf: {  	s0 =	sor.u32 s4, s0;
	s1 =	sshll.u32 s1, $0x11  }
0xd0: {  	s0 =	sor.u32 s1, s0  }
0xd1: {  	s0 =	sadd.s32 $0x8F2B, s0  }
0xd2: {  	[sflag:s0] =	ssyncadd.remote.s32 $0x1  }
0xd3: {  	_ =	sfence.sel $0xFFFF  }
0xd4: {  	[dreg:$0x0] =	wrdreg $0xFFFFFFFF;
	(pc) =	sbr.abs _section_cstart, $3  }
0xd5: {  	[dreg:$0x1] =	wrdreg $0xFFFFFFFF  }
0xd6: {  	_ =	task.clear_ibuf [dreg:s22], $0x2FFFF;
	_ =	strace $0x9FFFFFFF  }
0xd7: {  	(tm) =	ssettm $0x7FFFFFFF  }
tec
execute0_lowered:
.L_overlay_start_1:
0x0: {  	(tag) =	ssettag $0x1  }
0x1: {  	s2 =	rddreg [dreg:$0x0]  }
0x2: {  	s8 =	rddreg [dreg:$0x1]  }
0x3: {  	s0 =	rddreg [dreg:$0x2];
	s1 =	stileid.u32  }
0x4: {  	s3 =	srdreg.scid;
	_ =	strace $0x8000004D;
	s4 =	simm.s32 $0x1  }
0x5: {  	s7 =	simm.s32 $0x1;
	s9 =	simm.s32 $0x1;
	s10 =	simm.s32 $0x3  }
0x6: {  	s13 =	simm.s32 $0x0;
	s5 =	sand.u32 $0x1, s3;
	s6 =	sshll.u32 s1, $0x1  }
0x7: {  	s12 =	simm.s32 $0x0;
	s3 =	sadd.s32 $0x4E00, s8;
	s5 =	sor.u32 s6, s5  }
.Ltmp0:
0x8: {  	[sflag:s4] =	ssyncpa.u1 $0x0;
	p0 =	slt.u32 s5, $0x9;
	(pc) =	sbr.rel .LBB2_1-.Ltmp0, $4  }
0x9: {  	s6 =	simm.s32 $0x2;
	s7 =	simm.s32 @!p0 $0x0;
	p0 =	sne.s32 s5, $0x8  }
0xa: {  	[sflag:s6] =	ssyncpa.u1 $0x0;
	s5 =	smul.u32 $0x3E80, s5;
	s9 =	simm.s32 @!p0 $0x0  }
0xb: {  	s8 =	sadd.s32 $0x5D800, s8;
	[sflag:s10] =	ssyncpa.u1 $0x0;
	s7 =	sadd.s32 s9, s7  }
0xc: {  	vm0 =	vmmov $0xffff;
	s10 =	simm.s32 $0x0;
	s11 =	smov.u32 s5;
	s9 =	sadd.s32 $0x1, s7  }
.LBB2_4:
0xd: {  	v2 =	vnsel vm1, $0x0, v2  }
0xe: {  	vm1 =	vgt.s32 v0, $0x0;
	v2 =	vmin.u32 v2, $0x9C3FF  }
0xf: {  	v0 =	vnsel vm1, $0x0, v0  }
0x10: {  	v0 =	vmin.u32 v0, $0x9C3FF  }
0x11: {  	[tilespmem:s18], [sflag:$0x1] =	stream.indirect_vreg.gather [hbm4b:s2+s10], $0x1, v1, vm0, $0x4038;
	[tilespmem:$0xFA00] =	vst v63  }
0x12: {  	(ifvalue) =	ssetifvalue $0x7FFFFFFF  }
0x13: {  	[tilespmem:s15], [sflag:$0x1] =	stream.indirect_vreg.gather [hbm4b:s2+s10], $0x1, v2, vm0, $0x4038;
	[tilespmem:$0xFA00] =	vst v63  }
0x14: {  	s29 =	sadd.s32 $0x10, s15;
	(ifvalue) =	ssetifvalue $0x7FFFFFFF  }
0x15: {  	[tilespmem:s29], [sflag:$0x1] =	stream.indirect_vreg.gather [hbm4b:s2+s10], $0x1, v0, vm0, $0x4038;
	[tilespmem:$0xFA00] =	vst v63  }
0x16: {  	_ =	swait.ge [sflag:s4], $0x3E80  }
0x17: {  	s30 =	sshrl.u32 s13, $0x3;
	[sflag:s4] =	ssyncset.done $0x0  }
0x18: {  	s31 =	sand.u32 $0x7, s13;
	s15 =	sadd.s32 s8, s30;
	[sflag:s4] =	ssyncadd.s32 $0xFFFFC180  }
0x19: {  	[hbm4b:s15+s31] =	stream.linear.scatter [tilespmem:s14], [sflag:$0x3], $0x3E80, $0x38;
	[tilespmem:$0xFA00] =	vst v63  }
.LBB2_5:
0x1a: {  	s15 =	sadd.s32 $0x7D000, s11  }
0x1b: {  	p1 =	sgt.s32 s15, $0x9C3FF  }
0x1c: {  	s15 =	smov.u32 @p1 s5;
	p1 =	sne.s32 s12, s9  }
.Ltmp1:
0x1d: {  	p0 =	slt.u32 s12, $0x2;
	(pc) =	sbr.rel @!p1 .LBB2_6-.Ltmp1, $4  }
0x1e: {  	s14 =	simm.s32 @!p0 $0x3  }
0x1f: {  	_ =	swait.ge @!p0 [sflag:s14], $0x3E80  }
0x20: {  	s16 =	sadd.s32 $0x1, s12;
	s13 =	smov.u32 s11;
	[sflag:s14] =	ssyncset.done @!p0 $0x0  }
0x21: {  	s12 =	smov.u32 s16;
	s11 =	smov.u32 s15;
	[sflag:s14] =	ssyncadd.s32 @!p0 $0xFFFFC180  }
.LBB2_1:
0x22: {  	p0 =	sge.u32 s12, s7  }
0x23: {  	s14 =	sxor.u32 @!p0 $0x1, s12  }
0x24: {  	s14 =	smul.u32 @!p0 $0xFA00, s14  }
0x25: {  	s31 =	sadd.s32 $0xFFFFFFFF, s12;
	s15 =	sshrl.u32 @!p0 s11, $0x3  }
0x26: {  	s16 =	sand.u32 @!p0 $0x7, s11;
	s15 =	sadd.s32 @!p0 s3, s15;
	s14 =	sshra.s32 @!p0 s14, $0x2  }
0x27: {  	[tilespmem:s14], [sflag:$0x2] =	stream.linear.gather @!p0 [hbm4b:s15+s16], $0x3E80, $0x38;
	[tilespmem:$0xFA00] =	vst v63  }
0x28: {  	p0 =	sge.u32 s31, s7  }
.Ltmp2:
0x29: {  	_ = 	snop;
	(pc) =	sbr.rel @p0 .LBB2_5-.Ltmp2, $1  }
0x2a: {  	_ =	sdelay $0x3  }
0x2b: {  	s14 =	sand.u32 $0x1, s12  }
0x2c: {  	_ =	swait.ge [sflag:s6], $0x3E80;
	p0 =	seq.s32 s14, $0x1;
	s14 =	simm.s32 $0x3E80  }
0x2d: {  	[sflag:s6] =	ssyncset.done $0x0;
	s14 =	simm.s32 @!p0 $0x0  }
0x2e: {  	[sflag:s6] =	ssyncadd.s32 $0xFFFFC180;
	(ifvalue) =	ssetifvalue $0x7FFFFFFF;
	v0 =	vld.msk [tilespmem:s14+$0x0 ss:$0x1], $0xffff;
	_ =	sdelay $0x4  }
0x2f: {  	s15 =	sadd.s32 $0x10, s14;
	vm1 =	vgt.s32 v0, $0x0  }
0x30: {  	v2 =	vld.msk [tilespmem:s15+$0x0 ss:$0x1], $0xffff;
	v1 =	vnsel vm1, $0x0, v0  }
0x31: {  	v1 =	vmin.u32 v1, $0x9C3FF;
	_ =	sdelay $0x2  }
0x32: {  	s17 =	simm.s32 $0x20;
	s14 =	sadd.s32 $0x7D00, s14;
	s16 =	sadd.s32 $0x10, s15  }
0x33: {  	s15 =	sadd.s32 $0x10, s14;
	s18 =	smov.u32 s14;
	v0 =	vld.msk [tilespmem:s16+$0x0 ss:$0x1], $0xffff;
	vm1 =	vgt.s32 v2, $0x0;
	(ifvalue) =	ssetifvalue $0x7FFFFFFF  }
.LBB2_3:
0x34: {  	[tilespmem:s18], [sflag:$0x1] =	stream.indirect_vreg.gather [hbm4b:s2+s10], $0x1, v1, vm0, $0x4038;
	[tilespmem:$0xFA00] =	vst v63  }
0x35: {  	s17 =	sadd.s32 $0x10, s17  }
0x36: {  	v2 =	vnsel vm1, $0x0, v2;
	p0 =	slt.u32 s17, $0x3E70  }
.Ltmp3:
0x37: {  	s18 =	smov.u32 s15;
	v1 =	vmin.u32 v2, $0x9C3FF;
	(pc) =	sbr.rel @p0 .LBB2_3-.Ltmp3, $3  }
0x38: {  	_ =	sdelay $0x1  }
0x39: {  	s16 =	sadd.s32 $0x10, s16  }
0x3a: {  	vm1 =	vgt.s32 v0, $0x0;
	s15 =	sadd.s32 $0x10, s15;
	v2 =	vmov v0;
	(ifvalue) =	ssetifvalue $0x7FFFFFFF;
	v0 =	vld.msk [tilespmem:s16+$0x0 ss:$0x1], $0xffff  }
.Ltmp4:
0x3b: {  	_ = 	snop;
	(pc) =	sbr.rel .LBB2_4-.Ltmp4, $1  }
0x3c: {  	_ =	sdelay $0x3  }
.LBB2_6:
0x3d: {  	_ =	sfence.sel $0x180000  }
0x3e: {  	s2 =	simm.s32 $0x2;
	[bflag:$0x0] =	sbarrier.arrive $0xFFFF  }
0x3f: {  	s30 =	simm.s32 $0x3;
	[sflag:s2] =	ssyncpa.u1 $0x1  }
0x40: {  	s31 =	simm.s32 $0x1;
	[sflag:s30] =	ssyncpa.u1 $0x1  }
0x41: {  	[sflag:s31] =	ssyncpa.u1 $0x1  }
0x42: {  	p0 =	sne.s32 s1, $0x0;
	_ =	strace $0x9000004D  }
0x43: {  	s0 =	sadd.s32 @!p0 $0x100000, s0;
	[bflag:$0x2] =	sbarrier.arrive $0xFFFF  }
0x44: {  	[sflag:s0] =	ssyncadd.tile.s32 @!p0 $0x1;
	_ =	shalt  }
.Lfunc_end2:
_tile_overlayer_lowered:
.L_overlay_start_2:
0x45: {  	(tag) =	ssettag $0x2  }
0x46: {  	s0 =	rddreg [dreg:$0x0];
	s2 =	stileid.u32  }
0x47: {  	s1 =	rddreg [dreg:$0x1];
	p0 =	sne.s32 s2, $0x0  }
0x48: {  	s3 =	rddreg [dreg:$0x2];
	[bflag:$0x3] =	sbarrier.arrive $0xFFFF;
	s2 =	simm.s32 @!p0 $0x1C01  }
0x49: {  	[timem:s3], [sflag:s2] =	dma.local @!p0 [hbm:s0], s1  }
0x4a: {  	s0 =	simm.s32 @!p0 $0x1  }
0x4b: {  	_ =	swait.ge @!p0 [sflag:s0], s1  }
0x4c: {  	s1 =	ssub.s32 @!p0 $0x0, s1;
	[sflag:s0] =	ssyncset.done @!p0 $0x0  }
0x4d: {  	[sflag:s0] =	ssyncadd.s32 @!p0 s1  }
0x4e: {  	[bflag:$0x3] =	sbarrier.arrive $0xFFFF  }
0x4f: {  	_ =	shalt  }

// kernel: kernel.10.cloned.1.call-start
scs
__scs_entry_jumppad:
0x0: {  	(pc) =	sbr.rel $0x88, $3  }
0x1: {  	(tag) =	ssettag $0x0;
	lr =	simm.s32 $0x1  }
0x2: {  	[smem:$0x3F8C] =	sst lr;
	_ =	strace $0xD0000000  }
0x3: {  	_ = 	snop  }
0x4: {  	_ = 	snop  }
0x5: {  	_ = 	snop  }
0x6: {  	_ = 	snop  }
0x7: {  	_ = 	snop  }
__scs_overlays_trampoline_lowered:
0x8: {  	[smem:$0x3F9B] =	sst s0  }
0x9: {  	[smem:$0x3F9C] =	sst s1  }
0xa: {  	[smem:$0x3F9D] =	sst s2  }
0xb: {  	[smem:$0x3F9E] =	sst s3  }
0xc: {  	[smem:$0x3F9F] =	sst s4  }
0xd: {  	[smem:$0x3FA0] =	sst s5  }
0xe: {  	[smem:$0x3FA1] =	sst s6  }
0xf: {  	[smem:$0x3FA2] =	sst s7  }
0x10: {  	[smem:$0x3FA3] =	sst s8  }
0x11: {  	[smem:$0x3FA4] =	sst s9;
	s0 =	simm.s32 @!p0 $0x0  }
0x12: {  	s1 =	sld [smem:$0x3F8A];
	s0 =	simm.s32 @p0 $0x1  }
0x13: {  	[smem:$0x3FA5] =	sst s0;
	s0 =	simm.s32 @!p1 $0x0  }
0x14: {  	s2 =	sld [smem:$0x3F89];
	s0 =	simm.s32 @p1 $0x1  }
0x15: {  	[smem:$0x3FA6] =	sst s0;
	s0 =	simm.s32 @!p2 $0x0  }
0x16: {  	s3 =	sld [smem:$0x3FDB];
	s0 =	simm.s32 @p2 $0x1  }
0x17: {  	s4 =	simm.s32 $0x1BF5;
	[smem:$0x3FA8] =	sst s0  }
0x18: {  	s0 =	sld [smem:$0x3F8B];
	_ =	swait.ge [sflag:s4], $0x0  }
0x19: {  	s7 =	sld [smem:$0x3F8C]  }
0x1a: {  	s8 =	sadd.s32 $0xFFFFE003, lr  }
0x1b: {  	s9 =	sadd.s32 $0xFFFFFEF7, lr;
	s5 =	simm.s32 $0xFFFFFFFF;
	p2 =	slt.u32 s8, $0xFFFFF086  }
0x1c: {  	p1 =	slt.u32 s9, $0xF7A;
	s5 =	simm.s32 @!p2 $0x0  }
0x1d: {  	s5 =	simm.s32 @p1 $0x1;
	p0 =	seq.s32 s7, s2  }
0x1e: {  	s7 =	smul.u32 @!p0 $0xF7A, s2;
	p2 =	seq.s32 @!p0 s5, $0x0  }
0x1f: {  	s9 =	smul.u32 $0xF7A, s1;
	s8 =	simm.s32 @!p0 $0x1BF5;
	p2 =	por !p2, p0  }
0x20: {  	[sflag:s8] =	ssyncset.s32 @!p0 $0xFFFFF086;
	s6 =	sadd.s32 @!p0 s3, s7;
	s7 =	simm.s32 @!p0 $0x108  }
0x21: {  	s3 =	sadd.s32 s3, s9;
	s6 =	sadd.s32 @!p0 $0x88, s6;
	s7 =	simm.s32 @p2 $0x1082  }
0x22: {  	[simem:s7], [sflag:s8] =	dma.local @!p0 [hbm:s6], $0xF7A  }
0x23: {  	s9 =	sor.u32 $0xD0000000, s2;
	s6 =	simm.s32 $0x108;
	_ =	swait.ge @!p0 [sflag:s8], $0x0  }
0x24: {  	s3 =	sadd.s32 $0x88, s3;
	s6 =	simm.s32 @!p1 $0x1082;
	[sflag:s4] =	ssyncset.s32 $0xFFFFF086  }
0x25: {  	[simem:s6], [sflag:s4] =	dma.local [hbm:s3], $0xF7A  }
0x26: {  	[smem:$0x3F8C] =	sst s1;
	(tag) =	ssettag s2;
	_ =	strace s9  }
0x27: {  	s1 =	sld [smem:$0x3F9C]  }
0x28: {  	s2 =	sld [smem:$0x3F9D]  }
0x29: {  	s4 =	sld [smem:$0x3F9F]  }
0x2a: {  	p0 =	seq.s32 s5, $0x0;
	s5 =	sld [smem:$0x3FA0]  }
0x2b: {  	s6 =	sld [smem:$0x3FA1]  }
0x2c: {  	s7 =	sld [smem:$0x3FA2]  }
0x2d: {  	s3 =	simm.s32 $0x108;
	s8 =	sld [smem:$0x3FA3]  }
0x2e: {  	s3 =	simm.s32 @!p0 $0x1082;
	s9 =	sld [smem:$0x3FA4]  }
0x2f: {  	lr =	sadd.s32 s0, s3;
	s0 =	sld [smem:$0x3F9B]  }
0x30: {  	s3 =	sld [smem:$0x3F9E]  }
0x31: {  	[smem:$0x3FA7] =	sst s10  }
0x32: {  	s10 =	sld [smem:$0x3FA5];
	_ =	sdelay $0x3  }
0x33: {  	p0 =	seq.s32 s10, $0x1;
	s10 =	sld [smem:$0x3FA7];
	_ =	sdelay $0x3  }
0x34: {  	[smem:$0x3FA7] =	sst s10  }
0x35: {  	s10 =	sld [smem:$0x3FA6];
	_ =	sdelay $0x3  }
0x36: {  	p1 =	seq.s32 s10, $0x1;
	s10 =	sld [smem:$0x3FA7];
	_ =	sdelay $0x3  }
0x37: {  	[smem:$0x3FA7] =	sst s10  }
0x38: {  	s10 =	sld [smem:$0x3FA8]  }
0x39: {  	_ = 	snop;
	(pc) =	sbr.ind lr, $3  }
0x3a: {  	_ = 	snop  }
0x3b: {  	_ = 	snop  }
0x3c: {  	p2 =	seq.s32 s10, $0x1;
	s10 =	sld [smem:$0x3FA7]  }
0x3d: {  	_ =	shalt  }
0x3e: {  	_ =	shalt  }
0x3f: {  	_ =	shalt  }
0x40: {  	_ =	shalt  }
0x41: {  	_ =	shalt  }
0x42: {  	_ =	shalt  }
0x43: {  	_ =	shalt  }
0x44: {  	_ =	shalt  }
0x45: {  	_ =	shalt  }
0x46: {  	_ =	shalt  }
0x47: {  	_ =	shalt  }
0x48: {  	_ =	shalt  }
0x49: {  	_ =	shalt  }
0x4a: {  	_ =	shalt  }
0x4b: {  	_ =	shalt  }
0x4c: {  	_ =	shalt  }
0x4d: {  	_ =	shalt  }
0x4e: {  	_ =	shalt  }
0x4f: {  	_ =	shalt  }
0x50: {  	_ =	shalt  }
0x51: {  	_ =	shalt  }
0x52: {  	_ =	shalt  }
0x53: {  	_ =	shalt  }
0x54: {  	_ =	shalt  }
0x55: {  	_ =	shalt  }
0x56: {  	_ =	shalt  }
0x57: {  	_ =	shalt  }
0x58: {  	_ =	shalt  }
0x59: {  	_ =	shalt  }
0x5a: {  	_ =	shalt  }
0x5b: {  	_ =	shalt  }
0x5c: {  	_ =	shalt  }
0x5d: {  	_ =	shalt  }
0x5e: {  	_ =	shalt  }
0x5f: {  	_ =	shalt  }
0x60: {  	_ =	shalt  }
0x61: {  	_ =	shalt  }
0x62: {  	_ =	shalt  }
0x63: {  	_ =	shalt  }
0x64: {  	_ =	shalt  }
0x65: {  	_ =	shalt  }
0x66: {  	_ =	shalt  }
0x67: {  	_ =	shalt  }
0x68: {  	_ =	shalt  }
0x69: {  	_ =	shalt  }
0x6a: {  	_ =	shalt  }
0x6b: {  	_ =	shalt  }
0x6c: {  	_ =	shalt  }
0x6d: {  	_ =	shalt  }
0x6e: {  	_ =	shalt  }
0x6f: {  	_ =	shalt  }
0x70: {  	_ =	shalt  }
0x71: {  	_ =	shalt  }
0x72: {  	_ =	shalt  }
0x73: {  	_ =	shalt  }
0x74: {  	_ =	shalt  }
0x75: {  	_ =	shalt  }
0x76: {  	_ =	shalt  }
0x77: {  	_ =	shalt  }
0x78: {  	_ =	shalt  }
0x79: {  	_ =	shalt  }
0x7a: {  	_ =	shalt  }
0x7b: {  	_ =	shalt  }
0x7c: {  	_ =	shalt  }
0x7d: {  	_ =	shalt  }
0x7e: {  	_ =	shalt  }
0x7f: {  	_ =	shalt  }
0x80: {  	_ =	shalt  }
0x81: {  	_ =	shalt  }
0x82: {  	_ =	shalt  }
0x83: {  	_ =	shalt  }
0x84: {  	_ =	shalt  }
0x85: {  	_ =	shalt  }
0x86: {  	_ =	shalt  }
0x87: {  	_ =	shalt  }
.Lfunc_end0:
.L_simem_size_0:
called_computation.6_lowered:
.L_overlay_start_0:
0x88: {  	s2 =	sld [smem:$0x3FD9]  }
0x89: {  	s3 =	sld [smem:$0x3FFE];
	_ =	sdelay $0x1  }
0x8a: {  	s1 =	srdreg.scid  }
0x8b: {  	s0 =	sand.u32 $0x1, s1  }
0x8c: {  	s17 =	sshll.u32 s0, $0xA;
	s2 =	sadd.s32 s3, s2  }
0x8d: {  	s2 =	sadd.s32 s2, s17  }
0x8e: {  	[smem:$0x3FB3] =	sst s2  }
0x8f: {  	_ = 	snop  }
0x90: {  	s18 =	sld [smem:$0x3FC9];
	(tm) =	ssettm $0x1  }
0x91: {  	s19 =	sld [smem:$0x3FFB];
	_ =	sdelay $0x3  }
0x92: {  	_ =	strace s19  }
0x93: {  	s2 =	sld [smem:$0x3FFC];
	_ =	sdelay $0x3  }
0x94: {  	_ =	strace s2  }
0x95: {  	s2 =	sld [smem:$0x3FFD];
	_ =	sdelay $0x3  }
0x96: {  	_ =	strace s2  }
0x97: {  	_ =	strace $0x8FFFFFFF  }
0x98: {  	s20 =	sld [smem:$0x3FDB];
	_ =	sdelay $0x1  }
0x99: {  	s4 =	simm.s32 $_scs_section_size  }
0x9a: {  	s5 =	simm.s32 $_size__tile_overlayer_lowered;
	s6 =	simm.s32 $_tile_overlayer_lowered  }
0x9b: {  	s7 =	simm.s32 $0x1BFF;
	s21 =	sshll.u32 s6, $0x1;
	s4 =	sadd.s32 s4, s20  }
0x9c: {  	s22 =	simm.s32 $0x0;
	s5 =	sshll.u32 s5, $0x1;
	s6 =	sadd.s32 s21, s4  }
0x9d: {  	[timem:s22], [sflag:s7] =	dma.local [hbm:s6], s5  }
0x9e: {  	_ =	swait.ge [sflag:s7], s5  }
0x9f: {  	s5 =	ssub.s32 $0x0, s5;
	[sflag:s7] =	ssyncset.done $0x0  }
0xa0: {  	[sflag:s7] =	ssyncadd.s32 s5;
	_ =	sdelay $0x1  }
0xa1: {  	s23 =	simm.s32 $0x1B8B  }
0xa2: {  	_ =	swait.ge [sflag:s23], $0x1  }
0xa3: {  	[sflag:s23] =	ssyncset.done $0x0  }
0xa4: {  	[sflag:s23] =	ssyncadd.s32 $0xFFFFFFFF  }
0xa5: {  	s5 =	sld [smem:$0x0]  }
0xa6: {  	s6 =	sand.u32 $0xFFFFFFFE, s1  }
0xa7: {  	p0 =	sne.s32 s1, s6  }
0xa8: {  	s6 =	sshll.u32 @p0 s6, $0xE  }
0xa9: {  	s6 =	sadd.s32 @p0 $0x11B8D, s6;
	s7 =	sshll.u32 @p0 s5, $0x11  }
0xaa: {  	s6 =	sor.u32 @p0 s7, s6  }
0xab: {  	[sflag:s6] =	ssyncadd.remote.s32 @p0 $0x1;
	_ =	sdelay $0x1  }
0xac: {  	s6 =	simm.s32 @p0 $0x1B8D  }
0xad: {  	_ =	swait.eq @p0 [sflag:s6], $0x1  }
0xae: {  	[sflag:s6] =	ssyncadd.s32 @p0 $0xFFFFFFFF  }
0xaf: {  	s7 =	sshll.u32 @!p0 s1, $0xE  }
0xb0: {  	s7 =	sor.u32 @!p0 $0x4000, s7;
	s6 =	simm.s32 @!p0 $0x1B8D  }
0xb1: {  	s5 =	sshll.u32 @!p0 s5, $0x11;
	s7 =	sadd.s32 @!p0 $0x11B8D, s7;
	_ =	swait.eq @!p0 [sflag:s6], $0x1  }
0xb2: {  	s5 =	sor.u32 @!p0 s5, s7;
	[sflag:s6] =	ssyncadd.s32 @!p0 $0xFFFFFFFF  }
0xb3: {  	s25 =	simm.s32 $0x1B8E;
	s24 =	sld [smem:$0x3FFE];
	[sflag:s5] =	ssyncadd.remote.s32 @!p0 $0x1  }
0xb4: {  	s26 =	simm.s32 $execute0_lowered;
	[smem:$0x3FD2] =	sst s25  }
0xb5: {  	s6 =	sshll.u32 s26, $0x1;
	_ =	strace $0x80000058;
	[dreg:$0x1] =	wrdreg $0xFFFFFFFF  }
0xb6: {  	s28 =	simm.s32 $_size_execute0_lowered;
	s4 =	sadd.s32 s4, s6;
	[dreg:$0x0] =	wrdreg $0x0  }
0xb7: {  	s6 =	sshll.u32 s28, $0x1;
	[dreg:$0x2] =	wrdreg s4  }
0xb8: {  	[dreg:$0x3] =	wrdreg s6  }
0xb9: {  	[dreg:$0x4] =	wrdreg $0xC0  }
0xba: {  	_ =	task [dreg:s22], $0x5FFFF  }
0xbb: {  	[dreg:$0x1] =	wrdreg $0xFFFFFFFF  }
0xbc: {  	[dreg:$0x0] =	wrdreg $0x60  }
0xbd: {  	[dreg:$0x2] =	wrdreg s18  }
0xbe: {  	[dreg:$0x3] =	wrdreg s24  }
0xbf: {  	[dreg:$0x4] =	wrdreg $0xC  }
0xc0: {  	_ =	task.clear_ibuf [dreg:s22], $0x5FFFF;
	_ =	strace $0x90000058  }
0xc1: {  	s29 =	simm.s32 $0xC;
	_ =	strace $0x8000005A  }
0xc2: {  	_ =	swait.ge [sflag:s29], $0x1  }
0xc3: {  	[sflag:s29] =	ssyncadd.s32 $0xFFFFFFFF  }
0xc4: {  	_ =	strace $0x9000005A  }
0xc5: {  	_ =	sfence  }
0xc6: {  	s30 =	sld [smem:$0x0];
	_ =	sdelay $0x2  }
0xc7: {  	s31 =	sshll.u32 s1, $0xD;
	s1 =	sshrl.u32 s1, $0x2  }
0xc8: {  	s4 =	sand.u32 $0x4000, s31;
	s1 =	sadd.s32 s1, s30  }
0xc9: {  	s0 =	sor.u32 s4, s0;
	s1 =	sshll.u32 s1, $0x11  }
0xca: {  	s0 =	sor.u32 s1, s0  }
0xcb: {  	s0 =	sadd.s32 $0x8F2B, s0  }
0xcc: {  	[sflag:s0] =	ssyncadd.remote.s32 $0x1  }
0xcd: {  	_ =	sfence.sel $0xFFFF  }
0xce: {  	[dreg:$0x0] =	wrdreg $0xFFFFFFFF;
	(pc) =	sbr.abs _section_cstart, $3  }
0xcf: {  	[dreg:$0x1] =	wrdreg $0xFFFFFFFF  }
0xd0: {  	_ =	task.clear_ibuf [dreg:s22], $0x2FFFF;
	_ =	strace $0x9FFFFFFF  }
0xd1: {  	(tm) =	ssettm $0x7FFFFFFF  }
tec
execute0_lowered:
.L_overlay_start_1:
0x0: {  	(tag) =	ssettag $0x1  }
0x1: {  	s2 =	rddreg [dreg:$0x0];
	s1 =	srdreg.scid  }
0x2: {  	s0 =	stileid.u32;
	s4 =	rddreg [dreg:$0x1];
	s3 =	simm.s32 $0x0  }
0x3: {  	s10 =	simm.s32 $0x1;
	s11 =	simm.s32 $0x0;
	s6 =	smul.u32 $0x4E20, s0  }
0x4: {  	s5 =	sand.u32 $0x1, s1;
	s1 =	rddreg [dreg:$0x2];
	s8 =	smul.u32 $0x4E200, s0  }
0x5: {  	[smem:$0x7FF] =	sst s3;
	s7 =	smul.u32 $0x2710, s5;
	s9 =	ssub.s32 $0x2, s5  }
0x6: {  	_ =	strace $0x80000059;
	s5 =	smul.u32 $0x27100, s5;
	s31 =	sshrl.u32 s9, $0x1  }
0x7: {  	s30 =	sadd.s32 s8, s4;
	s6 =	sadd.s32 s7, s6;
	s8 =	ssub.s32 s9, s31  }
0x8: {  	s5 =	sadd.s32 s5, s30;
	s7 =	simm.s32 $0x2;
	s6 =	sshrl.u32 s6, $0x3  }
0x9: {  	s9 =	simm.s32 $0x200;
	s5 =	sadd.s32 $0xA48C00, s5;
	s6 =	sadd.s32 s6, s4  }
0xa: {  	s4 =	smax.u32 s8, $0x1;
	s8 =	simm.s32 $0x190;
	s6 =	sadd.s32 $0x53A00, s6  }
.LBB2_1:
0xb: {  	s12 =	sadd.s32 $0x0, s6  }
0xc: {  	[tilespmem:s3], [sflag:$0x2] =	stream.linear.gather [hbm4b:s12+s3], $0x190, $0x38;
	[tilespmem:$0xCA00] =	vst v63  }
0xd: {  	_ =	swait.ge [sflag:s7], $0x190  }
0xe: {  	[sflag:s7] =	ssyncset.done $0x0  }
0xf: {  	[sflag:s7] =	ssyncadd.s32 $0xFFFFFE70  }
0x10: {  	[tilespmem:s9], [sflag:$0x1] =	stream.indirect.gather [hbm4b:s2+s8], $0x80, s3, s8, $0xb8;
	[tilespmem:$0xCA00] =	vst v63  }
0x11: {  	_ =	swait.ge [sflag:s10], $0xC800  }
0x12: {  	[sflag:s10] =	ssyncset.done $0x0  }
0x13: {  	[sflag:s10] =	ssyncadd.s32 $0xFFFF3800  }
0x14: {  	[hbm4b:s5+s3] =	stream.linear.scatter [tilespmem:s9], [sflag:$0x2], $0xC800, $0x38;
	[tilespmem:$0xCA00] =	vst v63  }
0x15: {  	s13 =	simm.s32 $0x32;
	_ =	swait.ge [sflag:s7], $0xC800  }
0x16: {  	s14 =	simm.s32 $0x64;
	s12 =	sadd.s32 $0x1900, s5;
	[sflag:s7] =	ssyncset.done $0x0  }
.LBB2_2:
0x17: {  	s15 =	sadd.s32 s13, s6  }
0x18: {  	[sflag:s7] =	ssyncadd.s32 $0xFFFF3800;
	s13 =	smov.u32 s14;
	s16 =	sadd.s32 $0x32, s14  }
0x19: {  	[tilespmem:s3], [sflag:$0x2] =	stream.linear.gather [hbm4b:s15+s3], $0x190, $0x38;
	[tilespmem:$0xCA00] =	vst v63  }
0x1a: {  	p0 =	sne.s32 s14, $0x4B0;
	_ =	swait.ge [sflag:s7], $0x190  }
0x1b: {  	[sflag:s7] =	ssyncset.done $0x0  }
0x1c: {  	[sflag:s7] =	ssyncadd.s32 $0xFFFFFE70  }
0x1d: {  	[tilespmem:s9], [sflag:$0x1] =	stream.indirect.gather [hbm4b:s2+s8], $0x80, s3, s8, $0xb8;
	[tilespmem:$0xCA00] =	vst v63  }
0x1e: {  	_ =	swait.ge [sflag:s10], $0xC800  }
.Ltmp0:
0x1f: {  	[sflag:s10] =	ssyncset.done $0x0;
	(pc) =	sbr.rel @p0 .LBB2_2-.Ltmp0, $4  }
0x20: {  	[sflag:s10] =	ssyncadd.s32 $0xFFFF3800  }
0x21: {  	[hbm4b:s12+s3] =	stream.linear.scatter [tilespmem:s9], [sflag:$0x2], $0xC800, $0x38;
	[tilespmem:$0xCA00] =	vst v63  }
0x22: {  	_ =	swait.ge [sflag:s7], $0xC800  }
0x23: {  	s14 =	smov.u32 s16;
	s12 =	sadd.s32 $0x1900, s12;
	[sflag:s7] =	ssyncset.done $0x0  }
0x24: {  	s13 =	sadd.s32 s13, s6;
	[sflag:s7] =	ssyncadd.s32 $0xFFFF3800  }
0x25: {  	[tilespmem:s3], [sflag:$0x2] =	stream.linear.gather [hbm4b:s13+s3], $0x190, $0x38;
	[tilespmem:$0xCA00] =	vst v63  }
0x26: {  	_ =	swait.ge [sflag:s7], $0x190  }
0x27: {  	[sflag:s7] =	ssyncset.done $0x0  }
0x28: {  	[sflag:s7] =	ssyncadd.s32 $0xFFFFFE70  }
0x29: {  	[tilespmem:s9], [sflag:$0x1] =	stream.indirect.gather [hbm4b:s2+s8], $0x80, s3, s8, $0xb8;
	[tilespmem:$0xCA00] =	vst v63  }
0x2a: {  	s11 =	sadd.s32 $0x1, s11;
	_ =	swait.ge [sflag:s10], $0xC800  }
0x2b: {  	p0 =	sne.s32 s11, s4;
	[sflag:s10] =	ssyncset.done $0x0  }
.Ltmp1:
0x2c: {  	[sflag:s10] =	ssyncadd.s32 $0xFFFF3800;
	(pc) =	sbr.rel @p0 .LBB2_1-.Ltmp1, $4  }
0x2d: {  	[hbm4b:s12+s3] =	stream.linear.scatter [tilespmem:s9], [sflag:$0x2], $0xC800, $0x38;
	[tilespmem:$0xCA00] =	vst v63  }
0x2e: {  	_ =	swait.ge [sflag:s7], $0xC800  }
0x2f: {  	[sflag:s7] =	ssyncset.done $0x0  }
0x30: {  	[sflag:s7] =	ssyncadd.s32 $0xFFFF3800  }
0x31: {  	_ =	sfence.sel $0x180000  }
0x32: {  	[bflag:$0x0] =	sbarrier.arrive $0xFFFF  }
0x33: {  	p0 =	sne.s32 s0, $0x0;
	_ =	strace $0x90000059  }
0x34: {  	s0 =	sadd.s32 @!p0 $0x100000, s1;
	[bflag:$0x2] =	sbarrier.arrive $0xFFFF  }
0x35: {  	[sflag:s0] =	ssyncadd.tile.s32 @!p0 $0x1;
	_ =	shalt  }
.Lfunc_end2:
_tile_overlayer_lowered:
.L_overlay_start_2:
0x36: {  	(tag) =	ssettag $0x2  }
0x37: {  	s0 =	rddreg [dreg:$0x0];
	s2 =	stileid.u32  }
0x38: {  	s1 =	rddreg [dreg:$0x1];
	p0 =	sne.s32 s2, $0x0  }
0x39: {  	s3 =	rddreg [dreg:$0x2];
	[bflag:$0x3] =	sbarrier.arrive $0xFFFF;
	s2 =	simm.s32 @!p0 $0x1C02  }
0x3a: {  	[timem:s3], [sflag:s2] =	dma.local @!p0 [hbm:s0], s1  }
0x3b: {  	s0 =	simm.s32 @!p0 $0x2  }
0x3c: {  	_ =	swait.ge @!p0 [sflag:s0], s1  }
0x3d: {  	s1 =	ssub.s32 @!p0 $0x0, s1;
	[sflag:s0] =	ssyncset.done @!p0 $0x0  }
0x3e: {  	[sflag:s0] =	ssyncadd.s32 @!p0 s1  }
0x3f: {  	[bflag:$0x3] =	sbarrier.arrive $0xFFFF  }
0x40: {  	_ =	shalt  }

// kernel: kernel.13.cloned.1.call-start
scs
__scs_entry_jumppad:
0x0: {  	(pc) =	sbr.rel $0x88, $3  }
0x1: {  	(tag) =	ssettag $0x0;
	lr =	simm.s32 $0x1  }
0x2: {  	[smem:$0x3F8C] =	sst lr;
	_ =	strace $0xD0000000  }
0x3: {  	_ = 	snop  }
0x4: {  	_ = 	snop  }
0x5: {  	_ = 	snop  }
0x6: {  	_ = 	snop  }
0x7: {  	_ = 	snop  }
__scs_overlays_trampoline_lowered:
0x8: {  	[smem:$0x3F9B] =	sst s0  }
0x9: {  	[smem:$0x3F9C] =	sst s1  }
0xa: {  	[smem:$0x3F9D] =	sst s2  }
0xb: {  	[smem:$0x3F9E] =	sst s3  }
0xc: {  	[smem:$0x3F9F] =	sst s4  }
0xd: {  	[smem:$0x3FA0] =	sst s5  }
0xe: {  	[smem:$0x3FA1] =	sst s6  }
0xf: {  	[smem:$0x3FA2] =	sst s7  }
0x10: {  	[smem:$0x3FA3] =	sst s8  }
0x11: {  	[smem:$0x3FA4] =	sst s9;
	s0 =	simm.s32 @!p0 $0x0  }
0x12: {  	s1 =	sld [smem:$0x3F8A];
	s0 =	simm.s32 @p0 $0x1  }
0x13: {  	[smem:$0x3FA5] =	sst s0;
	s0 =	simm.s32 @!p1 $0x0  }
0x14: {  	s2 =	sld [smem:$0x3F89];
	s0 =	simm.s32 @p1 $0x1  }
0x15: {  	[smem:$0x3FA6] =	sst s0;
	s0 =	simm.s32 @!p2 $0x0  }
0x16: {  	s3 =	sld [smem:$0x3FDB];
	s0 =	simm.s32 @p2 $0x1  }
0x17: {  	s4 =	simm.s32 $0x1BF5;
	[smem:$0x3FA8] =	sst s0  }
0x18: {  	s0 =	sld [smem:$0x3F8B];
	_ =	swait.ge [sflag:s4], $0x0  }
0x19: {  	s7 =	sld [smem:$0x3F8C]  }
0x1a: {  	s8 =	sadd.s32 $0xFFFFE003, lr  }
0x1b: {  	s9 =	sadd.s32 $0xFFFFFEF7, lr;
	s5 =	simm.s32 $0xFFFFFFFF;
	p2 =	slt.u32 s8, $0xFFFFF086  }
0x1c: {  	p1 =	slt.u32 s9, $0xF7A;
	s5 =	simm.s32 @!p2 $0x0  }
0x1d: {  	s5 =	simm.s32 @p1 $0x1;
	p0 =	seq.s32 s7, s2  }
0x1e: {  	s7 =	smul.u32 @!p0 $0xF7A, s2;
	p2 =	seq.s32 @!p0 s5, $0x0  }
0x1f: {  	s9 =	smul.u32 $0xF7A, s1;
	s8 =	simm.s32 @!p0 $0x1BF5;
	p2 =	por !p2, p0  }
0x20: {  	[sflag:s8] =	ssyncset.s32 @!p0 $0xFFFFF086;
	s6 =	sadd.s32 @!p0 s3, s7;
	s7 =	simm.s32 @!p0 $0x108  }
0x21: {  	s3 =	sadd.s32 s3, s9;
	s6 =	sadd.s32 @!p0 $0x88, s6;
	s7 =	simm.s32 @p2 $0x1082  }
0x22: {  	[simem:s7], [sflag:s8] =	dma.local @!p0 [hbm:s6], $0xF7A  }
0x23: {  	s9 =	sor.u32 $0xD0000000, s2;
	s6 =	simm.s32 $0x108;
	_ =	swait.ge @!p0 [sflag:s8], $0x0  }
0x24: {  	s3 =	sadd.s32 $0x88, s3;
	s6 =	simm.s32 @!p1 $0x1082;
	[sflag:s4] =	ssyncset.s32 $0xFFFFF086  }
0x25: {  	[simem:s6], [sflag:s4] =	dma.local [hbm:s3], $0xF7A  }
0x26: {  	[smem:$0x3F8C] =	sst s1;
	(tag) =	ssettag s2;
	_ =	strace s9  }
0x27: {  	s1 =	sld [smem:$0x3F9C]  }
0x28: {  	s2 =	sld [smem:$0x3F9D]  }
0x29: {  	s4 =	sld [smem:$0x3F9F]  }
0x2a: {  	p0 =	seq.s32 s5, $0x0;
	s5 =	sld [smem:$0x3FA0]  }
0x2b: {  	s6 =	sld [smem:$0x3FA1]  }
0x2c: {  	s7 =	sld [smem:$0x3FA2]  }
0x2d: {  	s3 =	simm.s32 $0x108;
	s8 =	sld [smem:$0x3FA3]  }
0x2e: {  	s3 =	simm.s32 @!p0 $0x1082;
	s9 =	sld [smem:$0x3FA4]  }
0x2f: {  	lr =	sadd.s32 s0, s3;
	s0 =	sld [smem:$0x3F9B]  }
0x30: {  	s3 =	sld [smem:$0x3F9E]  }
0x31: {  	[smem:$0x3FA7] =	sst s10  }
0x32: {  	s10 =	sld [smem:$0x3FA5];
	_ =	sdelay $0x3  }
0x33: {  	p0 =	seq.s32 s10, $0x1;
	s10 =	sld [smem:$0x3FA7];
	_ =	sdelay $0x3  }
0x34: {  	[smem:$0x3FA7] =	sst s10  }
0x35: {  	s10 =	sld [smem:$0x3FA6];
	_ =	sdelay $0x3  }
0x36: {  	p1 =	seq.s32 s10, $0x1;
	s10 =	sld [smem:$0x3FA7];
	_ =	sdelay $0x3  }
0x37: {  	[smem:$0x3FA7] =	sst s10  }
0x38: {  	s10 =	sld [smem:$0x3FA8]  }
0x39: {  	_ = 	snop;
	(pc) =	sbr.ind lr, $3  }
0x3a: {  	_ = 	snop  }
0x3b: {  	_ = 	snop  }
0x3c: {  	p2 =	seq.s32 s10, $0x1;
	s10 =	sld [smem:$0x3FA7]  }
0x3d: {  	_ =	shalt  }
0x3e: {  	_ =	shalt  }
0x3f: {  	_ =	shalt  }
0x40: {  	_ =	shalt  }
0x41: {  	_ =	shalt  }
0x42: {  	_ =	shalt  }
0x43: {  	_ =	shalt  }
0x44: {  	_ =	shalt  }
0x45: {  	_ =	shalt  }
0x46: {  	_ =	shalt  }
0x47: {  	_ =	shalt  }
0x48: {  	_ =	shalt  }
0x49: {  	_ =	shalt  }
0x4a: {  	_ =	shalt  }
0x4b: {  	_ =	shalt  }
0x4c: {  	_ =	shalt  }
0x4d: {  	_ =	shalt  }
0x4e: {  	_ =	shalt  }
0x4f: {  	_ =	shalt  }
0x50: {  	_ =	shalt  }
0x51: {  	_ =	shalt  }
0x52: {  	_ =	shalt  }
0x53: {  	_ =	shalt  }
0x54: {  	_ =	shalt  }
0x55: {  	_ =	shalt  }
0x56: {  	_ =	shalt  }
0x57: {  	_ =	shalt  }
0x58: {  	_ =	shalt  }
0x59: {  	_ =	shalt  }
0x5a: {  	_ =	shalt  }
0x5b: {  	_ =	shalt  }
0x5c: {  	_ =	shalt  }
0x5d: {  	_ =	shalt  }
0x5e: {  	_ =	shalt  }
0x5f: {  	_ =	shalt  }
0x60: {  	_ =	shalt  }
0x61: {  	_ =	shalt  }
0x62: {  	_ =	shalt  }
0x63: {  	_ =	shalt  }
0x64: {  	_ =	shalt  }
0x65: {  	_ =	shalt  }
0x66: {  	_ =	shalt  }
0x67: {  	_ =	shalt  }
0x68: {  	_ =	shalt  }
0x69: {  	_ =	shalt  }
0x6a: {  	_ =	shalt  }
0x6b: {  	_ =	shalt  }
0x6c: {  	_ =	shalt  }
0x6d: {  	_ =	shalt  }
0x6e: {  	_ =	shalt  }
0x6f: {  	_ =	shalt  }
0x70: {  	_ =	shalt  }
0x71: {  	_ =	shalt  }
0x72: {  	_ =	shalt  }
0x73: {  	_ =	shalt  }
0x74: {  	_ =	shalt  }
0x75: {  	_ =	shalt  }
0x76: {  	_ =	shalt  }
0x77: {  	_ =	shalt  }
0x78: {  	_ =	shalt  }
0x79: {  	_ =	shalt  }
0x7a: {  	_ =	shalt  }
0x7b: {  	_ =	shalt  }
0x7c: {  	_ =	shalt  }
0x7d: {  	_ =	shalt  }
0x7e: {  	_ =	shalt  }
0x7f: {  	_ =	shalt  }
0x80: {  	_ =	shalt  }
0x81: {  	_ =	shalt  }
0x82: {  	_ =	shalt  }
0x83: {  	_ =	shalt  }
0x84: {  	_ =	shalt  }
0x85: {  	_ =	shalt  }
0x86: {  	_ =	shalt  }
0x87: {  	_ =	shalt  }
.Lfunc_end0:
.L_simem_size_0:
called_computation.7_lowered:
.L_overlay_start_0:
0x88: {  	s2 =	sld [smem:$0x3FD9]  }
0x89: {  	s3 =	sld [smem:$0x3FFE];
	_ =	sdelay $0x1  }
0x8a: {  	s1 =	srdreg.scid  }
0x8b: {  	s0 =	sand.u32 $0x1, s1  }
0x8c: {  	s15 =	sshll.u32 s0, $0xA;
	s2 =	sadd.s32 s3, s2  }
0x8d: {  	s2 =	sadd.s32 s2, s15  }
0x8e: {  	[smem:$0x3FB3] =	sst s2  }
0x8f: {  	_ = 	snop  }
0x90: {  	s2 =	sld [smem:$0x3FD0];
	_ =	sdelay $0x2  }
0x91: {  	s16 =	simm.s32 $0xE;
	s4 =	simm.s32 $0x10  }
0x92: {  	[smem:s4], [sflag:s16] =	dma.local [hbm:s2], $0x1  }
0x93: {  	_ =	swait.eq [sflag:s16], $0x1  }
0x94: {  	[sflag:s16] =	ssyncset.done $0x0  }
0x95: {  	[sflag:s16] =	ssyncadd.s32 $0xFFFFFFFF  }
0x96: {  	s17 =	sld [smem:$0x11];
	(tm) =	ssettm $0x1  }
0x97: {  	s18 =	sld [smem:$0x3FFB];
	_ =	sdelay $0x3  }
0x98: {  	_ =	strace s18  }
0x99: {  	s2 =	sld [smem:$0x3FFC];
	_ =	sdelay $0x3  }
0x9a: {  	_ =	strace s2  }
0x9b: {  	s2 =	sld [smem:$0x3FFD];
	_ =	sdelay $0x3  }
0x9c: {  	_ =	strace s2  }
0x9d: {  	_ =	strace $0x8FFFFFFF  }
0x9e: {  	s19 =	sld [smem:$0x3FDB];
	_ =	sdelay $0x1  }
0x9f: {  	s20 =	simm.s32 $_scs_section_size  }
0xa0: {  	s5 =	simm.s32 $_size__tile_overlayer_lowered;
	s6 =	simm.s32 $_tile_overlayer_lowered  }
0xa1: {  	s7 =	simm.s32 $0x1BFF;
	s21 =	sshll.u32 s6, $0x1;
	s4 =	sadd.s32 s20, s19  }
0xa2: {  	s22 =	simm.s32 $0x0;
	s5 =	sshll.u32 s5, $0x1;
	s6 =	sadd.s32 s21, s4  }
0xa3: {  	[timem:s22], [sflag:s7] =	dma.local [hbm:s6], s5  }
0xa4: {  	_ =	swait.ge [sflag:s7], s5  }
0xa5: {  	s5 =	ssub.s32 $0x0, s5;
	[sflag:s7] =	ssyncset.done $0x0  }
0xa6: {  	[sflag:s7] =	ssyncadd.s32 s5;
	_ =	sdelay $0x1  }
0xa7: {  	s23 =	simm.s32 $0x1B8B  }
0xa8: {  	_ =	swait.ge [sflag:s23], $0x1  }
0xa9: {  	[sflag:s23] =	ssyncset.done $0x0  }
0xaa: {  	[sflag:s23] =	ssyncadd.s32 $0xFFFFFFFF  }
0xab: {  	s5 =	sld [smem:$0x0]  }
0xac: {  	s6 =	sand.u32 $0xFFFFFFFE, s1  }
0xad: {  	p0 =	sne.s32 s1, s6  }
0xae: {  	s6 =	sshll.u32 @p0 s6, $0xE  }
0xaf: {  	s6 =	sadd.s32 @p0 $0x11B8D, s6;
	s7 =	sshll.u32 @p0 s5, $0x11  }
0xb0: {  	s6 =	sor.u32 @p0 s7, s6  }
0xb1: {  	[sflag:s6] =	ssyncadd.remote.s32 @p0 $0x1;
	_ =	sdelay $0x1  }
0xb2: {  	s6 =	simm.s32 @p0 $0x1B8D  }
0xb3: {  	_ =	swait.eq @p0 [sflag:s6], $0x1  }
0xb4: {  	[sflag:s6] =	ssyncadd.s32 @p0 $0xFFFFFFFF  }
0xb5: {  	s7 =	sshll.u32 @!p0 s1, $0xE  }
0xb6: {  	s7 =	sor.u32 @!p0 $0x4000, s7;
	s6 =	simm.s32 @!p0 $0x1B8D  }
0xb7: {  	s5 =	sshll.u32 @!p0 s5, $0x11;
	s7 =	sadd.s32 @!p0 $0x11B8D, s7;
	_ =	swait.eq @!p0 [sflag:s6], $0x1  }
0xb8: {  	s5 =	sor.u32 @!p0 s5, s7;
	[sflag:s6] =	ssyncadd.s32 @!p0 $0xFFFFFFFF  }
0xb9: {  	s25 =	simm.s32 $0x1B8E;
	s24 =	sld [smem:$0x3FFE];
	[sflag:s5] =	ssyncadd.remote.s32 @!p0 $0x1  }
0xba: {  	s26 =	simm.s32 $execute0_lowered;
	[smem:$0x3FD2] =	sst s25  }
0xbb: {  	s6 =	sshll.u32 s26, $0x1;
	_ =	strace $0x8000005B;
	[dreg:$0x1] =	wrdreg $0xFFFFFFFF  }
0xbc: {  	s28 =	simm.s32 $_size_execute0_lowered;
	s4 =	sadd.s32 s4, s6;
	[dreg:$0x0] =	wrdreg $0x0  }
0xbd: {  	s6 =	sshll.u32 s28, $0x1;
	[dreg:$0x2] =	wrdreg s4  }
0xbe: {  	[dreg:$0x3] =	wrdreg s6  }
0xbf: {  	[dreg:$0x4] =	wrdreg $0xC0  }
0xc0: {  	_ =	task [dreg:s22], $0x5FFFF  }
0xc1: {  	[dreg:$0x1] =	wrdreg $0xFFFFFFFF  }
0xc2: {  	[dreg:$0x0] =	wrdreg $0x60  }
0xc3: {  	[dreg:$0x2] =	wrdreg s17  }
0xc4: {  	[dreg:$0x3] =	wrdreg s24  }
0xc5: {  	[dreg:$0x4] =	wrdreg $0x9  }
0xc6: {  	_ =	task.clear_ibuf [dreg:s22], $0x5FFFF;
	_ =	strace $0x9000005B  }
0xc7: {  	s29 =	simm.s32 $0x9;
	_ =	strace $0x8000005D  }
0xc8: {  	_ =	swait.ge [sflag:s29], $0x1  }
0xc9: {  	[sflag:s29] =	ssyncadd.s32 $0xFFFFFFFF  }
0xca: {  	_ =	strace $0x9000005D  }
0xcb: {  	_ =	sfence  }
0xcc: {  	s30 =	sld [smem:$0x0];
	_ =	sdelay $0x2  }
0xcd: {  	s31 =	sshll.u32 s1, $0xD;
	s1 =	sshrl.u32 s1, $0x2  }
0xce: {  	s4 =	sand.u32 $0x4000, s31;
	s1 =	sadd.s32 s1, s30  }
0xcf: {  	s0 =	sor.u32 s4, s0;
	s1 =	sshll.u32 s1, $0x11  }
0xd0: {  	s0 =	sor.u32 s1, s0  }
0xd1: {  	s0 =	sadd.s32 $0x8F2B, s0  }
0xd2: {  	[sflag:s0] =	ssyncadd.remote.s32 $0x1  }
0xd3: {  	_ =	sfence.sel $0xFFFF  }
0xd4: {  	[dreg:$0x0] =	wrdreg $0xFFFFFFFF;
	(pc) =	sbr.abs _section_cstart, $3  }
0xd5: {  	[dreg:$0x1] =	wrdreg $0xFFFFFFFF  }
0xd6: {  	_ =	task.clear_ibuf [dreg:s22], $0x2FFFF;
	_ =	strace $0x9FFFFFFF  }
0xd7: {  	(tm) =	ssettm $0x7FFFFFFF  }
tec
execute0_lowered:
.L_overlay_start_1:
0x0: {  	(tag) =	ssettag $0x1  }
0x1: {  	s2 =	rddreg [dreg:$0x0];
	s1 =	srdreg.scid  }
0x2: {  	s0 =	stileid.u32;
	s4 =	rddreg [dreg:$0x1];
	s3 =	simm.s32 $0x0  }
0x3: {  	s10 =	simm.s32 $0x1;
	s11 =	simm.s32 $0x0;
	s6 =	smul.u32 $0x4E20, s0  }
0x4: {  	s5 =	sand.u32 $0x1, s1;
	s1 =	rddreg [dreg:$0x2];
	s8 =	smul.u32 $0x4E200, s0  }
0x5: {  	[smem:$0x7FF] =	sst s3;
	s7 =	smul.u32 $0x2710, s5;
	s9 =	ssub.s32 $0x2, s5  }
0x6: {  	_ =	strace $0x8000005C;
	s5 =	smul.u32 $0x27100, s5;
	s31 =	sshrl.u32 s9, $0x1  }
0x7: {  	s30 =	sadd.s32 s8, s4;
	s6 =	sadd.s32 s7, s6;
	s8 =	ssub.s32 s9, s31  }
0x8: {  	s5 =	sadd.s32 s5, s30;
	s7 =	simm.s32 $0x2;
	s6 =	sshrl.u32 s6, $0x3  }
0x9: {  	s9 =	simm.s32 $0x200;
	s5 =	sadd.s32 $0x5D800, s5;
	s6 =	sadd.s32 s6, s4  }
0xa: {  	s4 =	smax.u32 s8, $0x1;
	s8 =	simm.s32 $0x190;
	s6 =	sadd.s32 $0x2C400, s6  }
.LBB2_1:
0xb: {  	s12 =	sadd.s32 $0x0, s6  }
0xc: {  	[tilespmem:s3], [sflag:$0x2] =	stream.linear.gather [hbm4b:s12+s3], $0x190, $0x38;
	[tilespmem:$0xCA00] =	vst v63  }
0xd: {  	_ =	swait.ge [sflag:s7], $0x190  }
0xe: {  	[sflag:s7] =	ssyncset.done $0x0  }
0xf: {  	[sflag:s7] =	ssyncadd.s32 $0xFFFFFE70  }
0x10: {  	[tilespmem:s9], [sflag:$0x1] =	stream.indirect.gather [hbm4b:s2+s8], $0x80, s3, s8, $0xb8;
	[tilespmem:$0xCA00] =	vst v63  }
0x11: {  	_ =	swait.ge [sflag:s10], $0xC800  }
0x12: {  	[sflag:s10] =	ssyncset.done $0x0  }
0x13: {  	[sflag:s10] =	ssyncadd.s32 $0xFFFF3800  }
0x14: {  	[hbm4b:s5+s3] =	stream.linear.scatter [tilespmem:s9], [sflag:$0x2], $0xC800, $0x38;
	[tilespmem:$0xCA00] =	vst v63  }
0x15: {  	s13 =	simm.s32 $0x32;
	_ =	swait.ge [sflag:s7], $0xC800  }
0x16: {  	s14 =	simm.s32 $0x64;
	s12 =	sadd.s32 $0x1900, s5;
	[sflag:s7] =	ssyncset.done $0x0  }
.LBB2_2:
0x17: {  	s15 =	sadd.s32 s13, s6  }
0x18: {  	[sflag:s7] =	ssyncadd.s32 $0xFFFF3800;
	s13 =	smov.u32 s14;
	s16 =	sadd.s32 $0x32, s14  }
0x19: {  	[tilespmem:s3], [sflag:$0x2] =	stream.linear.gather [hbm4b:s15+s3], $0x190, $0x38;
	[tilespmem:$0xCA00] =	vst v63  }
0x1a: {  	p0 =	sne.s32 s14, $0x4B0;
	_ =	swait.ge [sflag:s7], $0x190  }
0x1b: {  	[sflag:s7] =	ssyncset.done $0x0  }
0x1c: {  	[sflag:s7] =	ssyncadd.s32 $0xFFFFFE70  }
0x1d: {  	[tilespmem:s9], [sflag:$0x1] =	stream.indirect.gather [hbm4b:s2+s8], $0x80, s3, s8, $0xb8;
	[tilespmem:$0xCA00] =	vst v63  }
0x1e: {  	_ =	swait.ge [sflag:s10], $0xC800  }
.Ltmp0:
0x1f: {  	[sflag:s10] =	ssyncset.done $0x0;
	(pc) =	sbr.rel @p0 .LBB2_2-.Ltmp0, $4  }
0x20: {  	[sflag:s10] =	ssyncadd.s32 $0xFFFF3800  }
0x21: {  	[hbm4b:s12+s3] =	stream.linear.scatter [tilespmem:s9], [sflag:$0x2], $0xC800, $0x38;
	[tilespmem:$0xCA00] =	vst v63  }
0x22: {  	_ =	swait.ge [sflag:s7], $0xC800  }
0x23: {  	s14 =	smov.u32 s16;
	s12 =	sadd.s32 $0x1900, s12;
	[sflag:s7] =	ssyncset.done $0x0  }
0x24: {  	s13 =	sadd.s32 s13, s6;
	[sflag:s7] =	ssyncadd.s32 $0xFFFF3800  }
0x25: {  	[tilespmem:s3], [sflag:$0x2] =	stream.linear.gather [hbm4b:s13+s3], $0x190, $0x38;
	[tilespmem:$0xCA00] =	vst v63  }
0x26: {  	_ =	swait.ge [sflag:s7], $0x190  }
0x27: {  	[sflag:s7] =	ssyncset.done $0x0  }
0x28: {  	[sflag:s7] =	ssyncadd.s32 $0xFFFFFE70  }
0x29: {  	[tilespmem:s9], [sflag:$0x1] =	stream.indirect.gather [hbm4b:s2+s8], $0x80, s3, s8, $0xb8;
	[tilespmem:$0xCA00] =	vst v63  }
0x2a: {  	s11 =	sadd.s32 $0x1, s11;
	_ =	swait.ge [sflag:s10], $0xC800  }
0x2b: {  	p0 =	sne.s32 s11, s4;
	[sflag:s10] =	ssyncset.done $0x0  }
.Ltmp1:
0x2c: {  	[sflag:s10] =	ssyncadd.s32 $0xFFFF3800;
	(pc) =	sbr.rel @p0 .LBB2_1-.Ltmp1, $4  }
0x2d: {  	[hbm4b:s12+s3] =	stream.linear.scatter [tilespmem:s9], [sflag:$0x2], $0xC800, $0x38;
	[tilespmem:$0xCA00] =	vst v63  }
0x2e: {  	_ =	swait.ge [sflag:s7], $0xC800  }
0x2f: {  	[sflag:s7] =	ssyncset.done $0x0  }
0x30: {  	[sflag:s7] =	ssyncadd.s32 $0xFFFF3800  }
0x31: {  	_ =	sfence.sel $0x180000  }
0x32: {  	[bflag:$0x0] =	sbarrier.arrive $0xFFFF  }
0x33: {  	p0 =	sne.s32 s0, $0x0;
	_ =	strace $0x9000005C  }
0x34: {  	s0 =	sadd.s32 @!p0 $0x100000, s1;
	[bflag:$0x2] =	sbarrier.arrive $0xFFFF  }
0x35: {  	[sflag:s0] =	ssyncadd.tile.s32 @!p0 $0x1;
	_ =	shalt  }
.Lfunc_end2:
_tile_overlayer_lowered:
.L_overlay_start_2:
0x36: {  	(tag) =	ssettag $0x2  }
0x37: {  	s0 =	rddreg [dreg:$0x0];
	s2 =	stileid.u32  }
0x38: {  	s1 =	rddreg [dreg:$0x1];
	p0 =	sne.s32 s2, $0x0  }
0x39: {  	s3 =	rddreg [dreg:$0x2];
	[bflag:$0x3] =	sbarrier.arrive $0xFFFF;
	s2 =	simm.s32 @!p0 $0x1C02  }
0x3a: {  	[timem:s3], [sflag:s2] =	dma.local @!p0 [hbm:s0], s1  }
0x3b: {  	s0 =	simm.s32 @!p0 $0x2  }
0x3c: {  	_ =	swait.ge @!p0 [sflag:s0], s1  }
0x3d: {  	s1 =	ssub.s32 @!p0 $0x0, s1;
	[sflag:s0] =	ssyncset.done @!p0 $0x0  }
0x3e: {  	[sflag:s0] =	ssyncadd.s32 @!p0 s1  }
0x3f: {  	[bflag:$0x3] =	sbarrier.arrive $0xFFFF  }
0x40: {  	_ =	shalt  }

// kernel: kernel.7.cloned.1.call-start
scs
__scs_entry_jumppad:
0x0: {  	(pc) =	sbr.rel $0x88, $3  }
0x1: {  	(tag) =	ssettag $0x0;
	lr =	simm.s32 $0x1  }
0x2: {  	[smem:$0x3F8C] =	sst lr;
	_ =	strace $0xD0000000  }
0x3: {  	_ = 	snop  }
0x4: {  	_ = 	snop  }
0x5: {  	_ = 	snop  }
0x6: {  	_ = 	snop  }
0x7: {  	_ = 	snop  }
__scs_overlays_trampoline_lowered:
0x8: {  	[smem:$0x3F9B] =	sst s0  }
0x9: {  	[smem:$0x3F9C] =	sst s1  }
0xa: {  	[smem:$0x3F9D] =	sst s2  }
0xb: {  	[smem:$0x3F9E] =	sst s3  }
0xc: {  	[smem:$0x3F9F] =	sst s4  }
0xd: {  	[smem:$0x3FA0] =	sst s5  }
0xe: {  	[smem:$0x3FA1] =	sst s6  }
0xf: {  	[smem:$0x3FA2] =	sst s7  }
0x10: {  	[smem:$0x3FA3] =	sst s8  }
0x11: {  	[smem:$0x3FA4] =	sst s9;
	s0 =	simm.s32 @!p0 $0x0  }
0x12: {  	s1 =	sld [smem:$0x3F8A];
	s0 =	simm.s32 @p0 $0x1  }
0x13: {  	[smem:$0x3FA5] =	sst s0;
	s0 =	simm.s32 @!p1 $0x0  }
0x14: {  	s2 =	sld [smem:$0x3F89];
	s0 =	simm.s32 @p1 $0x1  }
0x15: {  	[smem:$0x3FA6] =	sst s0;
	s0 =	simm.s32 @!p2 $0x0  }
0x16: {  	s3 =	sld [smem:$0x3FDB];
	s0 =	simm.s32 @p2 $0x1  }
0x17: {  	s4 =	simm.s32 $0x1BF5;
	[smem:$0x3FA8] =	sst s0  }
0x18: {  	s0 =	sld [smem:$0x3F8B];
	_ =	swait.ge [sflag:s4], $0x0  }
0x19: {  	s7 =	sld [smem:$0x3F8C]  }
0x1a: {  	s8 =	sadd.s32 $0xFFFFE003, lr  }
0x1b: {  	s9 =	sadd.s32 $0xFFFFFEF7, lr;
	s5 =	simm.s32 $0xFFFFFFFF;
	p2 =	slt.u32 s8, $0xFFFFF086  }
0x1c: {  	p1 =	slt.u32 s9, $0xF7A;
	s5 =	simm.s32 @!p2 $0x0  }
0x1d: {  	s5 =	simm.s32 @p1 $0x1;
	p0 =	seq.s32 s7, s2  }
0x1e: {  	s7 =	smul.u32 @!p0 $0xF7A, s2;
	p2 =	seq.s32 @!p0 s5, $0x0  }
0x1f: {  	s9 =	smul.u32 $0xF7A, s1;
	s8 =	simm.s32 @!p0 $0x1BF5;
	p2 =	por !p2, p0  }
0x20: {  	[sflag:s8] =	ssyncset.s32 @!p0 $0xFFFFF086;
	s6 =	sadd.s32 @!p0 s3, s7;
	s7 =	simm.s32 @!p0 $0x108  }
0x21: {  	s3 =	sadd.s32 s3, s9;
	s6 =	sadd.s32 @!p0 $0x88, s6;
	s7 =	simm.s32 @p2 $0x1082  }
0x22: {  	[simem:s7], [sflag:s8] =	dma.local @!p0 [hbm:s6], $0xF7A  }
0x23: {  	s9 =	sor.u32 $0xD0000000, s2;
	s6 =	simm.s32 $0x108;
	_ =	swait.ge @!p0 [sflag:s8], $0x0  }
0x24: {  	s3 =	sadd.s32 $0x88, s3;
	s6 =	simm.s32 @!p1 $0x1082;
	[sflag:s4] =	ssyncset.s32 $0xFFFFF086  }
0x25: {  	[simem:s6], [sflag:s4] =	dma.local [hbm:s3], $0xF7A  }
0x26: {  	[smem:$0x3F8C] =	sst s1;
	(tag) =	ssettag s2;
	_ =	strace s9  }
0x27: {  	s1 =	sld [smem:$0x3F9C]  }
0x28: {  	s2 =	sld [smem:$0x3F9D]  }
0x29: {  	s4 =	sld [smem:$0x3F9F]  }
0x2a: {  	p0 =	seq.s32 s5, $0x0;
	s5 =	sld [smem:$0x3FA0]  }
0x2b: {  	s6 =	sld [smem:$0x3FA1]  }
0x2c: {  	s7 =	sld [smem:$0x3FA2]  }
0x2d: {  	s3 =	simm.s32 $0x108;
	s8 =	sld [smem:$0x3FA3]  }
0x2e: {  	s3 =	simm.s32 @!p0 $0x1082;
	s9 =	sld [smem:$0x3FA4]  }
0x2f: {  	lr =	sadd.s32 s0, s3;
	s0 =	sld [smem:$0x3F9B]  }
0x30: {  	s3 =	sld [smem:$0x3F9E]  }
0x31: {  	[smem:$0x3FA7] =	sst s10  }
0x32: {  	s10 =	sld [smem:$0x3FA5];
	_ =	sdelay $0x3  }
0x33: {  	p0 =	seq.s32 s10, $0x1;
	s10 =	sld [smem:$0x3FA7];
	_ =	sdelay $0x3  }
0x34: {  	[smem:$0x3FA7] =	sst s10  }
0x35: {  	s10 =	sld [smem:$0x3FA6];
	_ =	sdelay $0x3  }
0x36: {  	p1 =	seq.s32 s10, $0x1;
	s10 =	sld [smem:$0x3FA7];
	_ =	sdelay $0x3  }
0x37: {  	[smem:$0x3FA7] =	sst s10  }
0x38: {  	s10 =	sld [smem:$0x3FA8]  }
0x39: {  	_ = 	snop;
	(pc) =	sbr.ind lr, $3  }
0x3a: {  	_ = 	snop  }
0x3b: {  	_ = 	snop  }
0x3c: {  	p2 =	seq.s32 s10, $0x1;
	s10 =	sld [smem:$0x3FA7]  }
0x3d: {  	_ =	shalt  }
0x3e: {  	_ =	shalt  }
0x3f: {  	_ =	shalt  }
0x40: {  	_ =	shalt  }
0x41: {  	_ =	shalt  }
0x42: {  	_ =	shalt  }
0x43: {  	_ =	shalt  }
0x44: {  	_ =	shalt  }
0x45: {  	_ =	shalt  }
0x46: {  	_ =	shalt  }
0x47: {  	_ =	shalt  }
0x48: {  	_ =	shalt  }
0x49: {  	_ =	shalt  }
0x4a: {  	_ =	shalt  }
0x4b: {  	_ =	shalt  }
0x4c: {  	_ =	shalt  }
0x4d: {  	_ =	shalt  }
0x4e: {  	_ =	shalt  }
0x4f: {  	_ =	shalt  }
0x50: {  	_ =	shalt  }
0x51: {  	_ =	shalt  }
0x52: {  	_ =	shalt  }
0x53: {  	_ =	shalt  }
0x54: {  	_ =	shalt  }
0x55: {  	_ =	shalt  }
0x56: {  	_ =	shalt  }
0x57: {  	_ =	shalt  }
0x58: {  	_ =	shalt  }
0x59: {  	_ =	shalt  }
0x5a: {  	_ =	shalt  }
0x5b: {  	_ =	shalt  }
0x5c: {  	_ =	shalt  }
0x5d: {  	_ =	shalt  }
0x5e: {  	_ =	shalt  }
0x5f: {  	_ =	shalt  }
0x60: {  	_ =	shalt  }
0x61: {  	_ =	shalt  }
0x62: {  	_ =	shalt  }
0x63: {  	_ =	shalt  }
0x64: {  	_ =	shalt  }
0x65: {  	_ =	shalt  }
0x66: {  	_ =	shalt  }
0x67: {  	_ =	shalt  }
0x68: {  	_ =	shalt  }
0x69: {  	_ =	shalt  }
0x6a: {  	_ =	shalt  }
0x6b: {  	_ =	shalt  }
0x6c: {  	_ =	shalt  }
0x6d: {  	_ =	shalt  }
0x6e: {  	_ =	shalt  }
0x6f: {  	_ =	shalt  }
0x70: {  	_ =	shalt  }
0x71: {  	_ =	shalt  }
0x72: {  	_ =	shalt  }
0x73: {  	_ =	shalt  }
0x74: {  	_ =	shalt  }
0x75: {  	_ =	shalt  }
0x76: {  	_ =	shalt  }
0x77: {  	_ =	shalt  }
0x78: {  	_ =	shalt  }
0x79: {  	_ =	shalt  }
0x7a: {  	_ =	shalt  }
0x7b: {  	_ =	shalt  }
0x7c: {  	_ =	shalt  }
0x7d: {  	_ =	shalt  }
0x7e: {  	_ =	shalt  }
0x7f: {  	_ =	shalt  }
0x80: {  	_ =	shalt  }
0x81: {  	_ =	shalt  }
0x82: {  	_ =	shalt  }
0x83: {  	_ =	shalt  }
0x84: {  	_ =	shalt  }
0x85: {  	_ =	shalt  }
0x86: {  	_ =	shalt  }
0x87: {  	_ =	shalt  }
.Lfunc_end0:
.L_simem_size_0:
called_computation.5_lowered:
.L_overlay_start_0:
0x88: {  	s2 =	sld [smem:$0x3FD9]  }
0x89: {  	s3 =	sld [smem:$0x3FFE];
	_ =	sdelay $0x1  }
0x8a: {  	s1 =	srdreg.scid  }
0x8b: {  	s0 =	sand.u32 $0x1, s1  }
0x8c: {  	s17 =	sshll.u32 s0, $0xA;
	s2 =	sadd.s32 s3, s2  }
0x8d: {  	s2 =	sadd.s32 s2, s17  }
0x8e: {  	[smem:$0x3FB3] =	sst s2  }
0x8f: {  	_ = 	snop  }
0x90: {  	s18 =	sld [smem:$0x3FC8];
	(tm) =	ssettm $0x1  }
0x91: {  	s19 =	sld [smem:$0x3FFB];
	_ =	sdelay $0x3  }
0x92: {  	_ =	strace s19  }
0x93: {  	s2 =	sld [smem:$0x3FFC];
	_ =	sdelay $0x3  }
0x94: {  	_ =	strace s2  }
0x95: {  	s2 =	sld [smem:$0x3FFD];
	_ =	sdelay $0x3  }
0x96: {  	_ =	strace s2  }
0x97: {  	_ =	strace $0x8FFFFFFF  }
0x98: {  	s20 =	sld [smem:$0x3FDB];
	_ =	sdelay $0x1  }
0x99: {  	s4 =	simm.s32 $_scs_section_size  }
0x9a: {  	s5 =	simm.s32 $_size__tile_overlayer_lowered;
	s6 =	simm.s32 $_tile_overlayer_lowered  }
0x9b: {  	s7 =	simm.s32 $0x1BFF;
	s21 =	sshll.u32 s6, $0x1;
	s4 =	sadd.s32 s4, s20  }
0x9c: {  	s22 =	simm.s32 $0x0;
	s5 =	sshll.u32 s5, $0x1;
	s6 =	sadd.s32 s21, s4  }
0x9d: {  	[timem:s22], [sflag:s7] =	dma.local [hbm:s6], s5  }
0x9e: {  	_ =	swait.ge [sflag:s7], s5  }
0x9f: {  	s5 =	ssub.s32 $0x0, s5;
	[sflag:s7] =	ssyncset.done $0x0  }
0xa0: {  	[sflag:s7] =	ssyncadd.s32 s5;
	_ =	sdelay $0x1  }
0xa1: {  	s23 =	simm.s32 $0x1B8B  }
0xa2: {  	_ =	swait.ge [sflag:s23], $0x1  }
0xa3: {  	[sflag:s23] =	ssyncset.done $0x0  }
0xa4: {  	[sflag:s23] =	ssyncadd.s32 $0xFFFFFFFF  }
0xa5: {  	s5 =	sld [smem:$0x0]  }
0xa6: {  	s6 =	sand.u32 $0xFFFFFFFE, s1  }
0xa7: {  	p0 =	sne.s32 s1, s6  }
0xa8: {  	s6 =	sshll.u32 @p0 s6, $0xE  }
0xa9: {  	s6 =	sadd.s32 @p0 $0x11B8D, s6;
	s7 =	sshll.u32 @p0 s5, $0x11  }
0xaa: {  	s6 =	sor.u32 @p0 s7, s6  }
0xab: {  	[sflag:s6] =	ssyncadd.remote.s32 @p0 $0x1;
	_ =	sdelay $0x1  }
0xac: {  	s6 =	simm.s32 @p0 $0x1B8D  }
0xad: {  	_ =	swait.eq @p0 [sflag:s6], $0x1  }
0xae: {  	[sflag:s6] =	ssyncadd.s32 @p0 $0xFFFFFFFF  }
0xaf: {  	s7 =	sshll.u32 @!p0 s1, $0xE  }
0xb0: {  	s7 =	sor.u32 @!p0 $0x4000, s7;
	s6 =	simm.s32 @!p0 $0x1B8D  }
0xb1: {  	s5 =	sshll.u32 @!p0 s5, $0x11;
	s7 =	sadd.s32 @!p0 $0x11B8D, s7;
	_ =	swait.eq @!p0 [sflag:s6], $0x1  }
0xb2: {  	s5 =	sor.u32 @!p0 s5, s7;
	[sflag:s6] =	ssyncadd.s32 @!p0 $0xFFFFFFFF  }
0xb3: {  	s25 =	simm.s32 $0x1B8E;
	s24 =	sld [smem:$0x3FFE];
	[sflag:s5] =	ssyncadd.remote.s32 @!p0 $0x1  }
0xb4: {  	s26 =	simm.s32 $execute0_lowered;
	[smem:$0x3FD2] =	sst s25  }
0xb5: {  	s6 =	sshll.u32 s26, $0x1;
	_ =	strace $0x80000052;
	[dreg:$0x1] =	wrdreg $0xFFFFFFFF  }
0xb6: {  	s28 =	simm.s32 $_size_execute0_lowered;
	s4 =	sadd.s32 s4, s6;
	[dreg:$0x0] =	wrdreg $0x0  }
0xb7: {  	s6 =	sshll.u32 s28, $0x1;
	[dreg:$0x2] =	wrdreg s4  }
0xb8: {  	[dreg:$0x3] =	wrdreg s6  }
0xb9: {  	[dreg:$0x4] =	wrdreg $0xC0  }
0xba: {  	_ =	task [dreg:s22], $0x5FFFF  }
0xbb: {  	[dreg:$0x1] =	wrdreg $0xFFFFFFFF  }
0xbc: {  	[dreg:$0x0] =	wrdreg $0x60  }
0xbd: {  	[dreg:$0x2] =	wrdreg s18  }
0xbe: {  	[dreg:$0x3] =	wrdreg s24  }
0xbf: {  	[dreg:$0x4] =	wrdreg $0xD  }
0xc0: {  	_ =	task.clear_ibuf [dreg:s22], $0x5FFFF;
	_ =	strace $0x90000052  }
0xc1: {  	s29 =	simm.s32 $0xD;
	_ =	strace $0x80000054  }
0xc2: {  	_ =	swait.ge [sflag:s29], $0x1  }
0xc3: {  	[sflag:s29] =	ssyncadd.s32 $0xFFFFFFFF  }
0xc4: {  	_ =	strace $0x90000054  }
0xc5: {  	_ =	sfence  }
0xc6: {  	s30 =	sld [smem:$0x0];
	_ =	sdelay $0x2  }
0xc7: {  	s31 =	sshll.u32 s1, $0xD;
	s1 =	sshrl.u32 s1, $0x2  }
0xc8: {  	s4 =	sand.u32 $0x4000, s31;
	s1 =	sadd.s32 s1, s30  }
0xc9: {  	s0 =	sor.u32 s4, s0;
	s1 =	sshll.u32 s1, $0x11  }
0xca: {  	s0 =	sor.u32 s1, s0  }
0xcb: {  	s0 =	sadd.s32 $0x8F2B, s0  }
0xcc: {  	[sflag:s0] =	ssyncadd.remote.s32 $0x1  }
0xcd: {  	_ =	sfence.sel $0xFFFF  }
0xce: {  	[dreg:$0x0] =	wrdreg $0xFFFFFFFF;
	(pc) =	sbr.abs _section_cstart, $3  }
0xcf: {  	[dreg:$0x1] =	wrdreg $0xFFFFFFFF  }
0xd0: {  	_ =	task.clear_ibuf [dreg:s22], $0x2FFFF;
	_ =	strace $0x9FFFFFFF  }
0xd1: {  	(tm) =	ssettm $0x7FFFFFFF  }
tec
execute0_lowered:
.L_overlay_start_1:
0x0: {  	(tag) =	ssettag $0x1  }
0x1: {  	s2 =	rddreg [dreg:$0x0];
	s1 =	srdreg.scid  }
0x2: {  	s0 =	stileid.u32;
	s4 =	rddreg [dreg:$0x1];
	s3 =	simm.s32 $0x0  }
0x3: {  	s10 =	simm.s32 $0x1;
	s11 =	simm.s32 $0x0;
	s6 =	smul.u32 $0x9C40, s0  }
0x4: {  	s5 =	sand.u32 $0x1, s1;
	s1 =	rddreg [dreg:$0x2];
	s8 =	smul.u32 $0x9C400, s0  }
0x5: {  	[smem:$0x7FF] =	sst s3;
	s7 =	smul.u32 $0x4E20, s5;
	s9 =	ssub.s32 $0x2, s5  }
0x6: {  	_ =	strace $0x80000053;
	s5 =	smul.u32 $0x4E200, s5;
	s31 =	sshrl.u32 s9, $0x1  }
0x7: {  	s30 =	sadd.s32 s8, s4;
	s6 =	sadd.s32 s7, s6;
	s8 =	ssub.s32 s9, s31  }
0x8: {  	s5 =	sadd.s32 s5, s30;
	s7 =	simm.s32 $0x2;
	s6 =	sshrl.u32 s6, $0x3  }
0x9: {  	s9 =	simm.s32 $0x200;
	s5 =	sadd.s32 $0x84C00, s5;
	s6 =	sadd.s32 s6, s4  }
0xa: {  	s4 =	smax.u32 s8, $0x1;
	s8 =	simm.s32 $0x190;
	s6 =	sadd.s32 $0x40000, s6  }
.LBB2_1:
0xb: {  	s12 =	sadd.s32 $0x0, s6  }
0xc: {  	[tilespmem:s3], [sflag:$0x2] =	stream.linear.gather [hbm4b:s12+s3], $0x190, $0x38;
	[tilespmem:$0xCA00] =	vst v63  }
0xd: {  	_ =	swait.ge [sflag:s7], $0x190  }
0xe: {  	[sflag:s7] =	ssyncset.done $0x0  }
0xf: {  	[sflag:s7] =	ssyncadd.s32 $0xFFFFFE70  }
0x10: {  	[tilespmem:s9], [sflag:$0x1] =	stream.indirect.gather [hbm4b:s2+s8], $0x80, s3, s8, $0xb8;
	[tilespmem:$0xCA00] =	vst v63  }
0x11: {  	_ =	swait.ge [sflag:s10], $0xC800  }
0x12: {  	[sflag:s10] =	ssyncset.done $0x0  }
0x13: {  	[sflag:s10] =	ssyncadd.s32 $0xFFFF3800  }
0x14: {  	[hbm4b:s5+s3] =	stream.linear.scatter [tilespmem:s9], [sflag:$0x2], $0xC800, $0x38;
	[tilespmem:$0xCA00] =	vst v63  }
0x15: {  	s13 =	simm.s32 $0x32;
	_ =	swait.ge [sflag:s7], $0xC800  }
0x16: {  	s14 =	simm.s32 $0x64;
	s12 =	sadd.s32 $0x1900, s5;
	[sflag:s7] =	ssyncset.done $0x0  }
.LBB2_2:
0x17: {  	s15 =	sadd.s32 s13, s6  }
0x18: {  	[sflag:s7] =	ssyncadd.s32 $0xFFFF3800;
	s13 =	smov.u32 s14;
	s16 =	sadd.s32 $0x32, s14  }
0x19: {  	[tilespmem:s3], [sflag:$0x2] =	stream.linear.gather [hbm4b:s15+s3], $0x190, $0x38;
	[tilespmem:$0xCA00] =	vst v63  }
0x1a: {  	p0 =	sne.s32 s14, $0x992;
	_ =	swait.ge [sflag:s7], $0x190  }
0x1b: {  	[sflag:s7] =	ssyncset.done $0x0  }
0x1c: {  	[sflag:s7] =	ssyncadd.s32 $0xFFFFFE70  }
0x1d: {  	[tilespmem:s9], [sflag:$0x1] =	stream.indirect.gather [hbm4b:s2+s8], $0x80, s3, s8, $0xb8;
	[tilespmem:$0xCA00] =	vst v63  }
0x1e: {  	_ =	swait.ge [sflag:s10], $0xC800  }
.Ltmp0:
0x1f: {  	[sflag:s10] =	ssyncset.done $0x0;
	(pc) =	sbr.rel @p0 .LBB2_2-.Ltmp0, $4  }
0x20: {  	[sflag:s10] =	ssyncadd.s32 $0xFFFF3800  }
0x21: {  	[hbm4b:s12+s3] =	stream.linear.scatter [tilespmem:s9], [sflag:$0x2], $0xC800, $0x38;
	[tilespmem:$0xCA00] =	vst v63  }
0x22: {  	_ =	swait.ge [sflag:s7], $0xC800  }
0x23: {  	s14 =	smov.u32 s16;
	s12 =	sadd.s32 $0x1900, s12;
	[sflag:s7] =	ssyncset.done $0x0  }
0x24: {  	s13 =	sadd.s32 s13, s6;
	[sflag:s7] =	ssyncadd.s32 $0xFFFF3800  }
0x25: {  	[tilespmem:s3], [sflag:$0x2] =	stream.linear.gather [hbm4b:s13+s3], $0x190, $0x38;
	[tilespmem:$0xCA00] =	vst v63  }
0x26: {  	_ =	swait.ge [sflag:s7], $0x190  }
0x27: {  	[sflag:s7] =	ssyncset.done $0x0  }
0x28: {  	[sflag:s7] =	ssyncadd.s32 $0xFFFFFE70  }
0x29: {  	[tilespmem:s9], [sflag:$0x1] =	stream.indirect.gather [hbm4b:s2+s8], $0x80, s3, s8, $0xb8;
	[tilespmem:$0xCA00] =	vst v63  }
0x2a: {  	s11 =	sadd.s32 $0x1, s11;
	_ =	swait.ge [sflag:s10], $0xC800  }
0x2b: {  	p0 =	sne.s32 s11, s4;
	[sflag:s10] =	ssyncset.done $0x0  }
.Ltmp1:
0x2c: {  	[sflag:s10] =	ssyncadd.s32 $0xFFFF3800;
	(pc) =	sbr.rel @p0 .LBB2_1-.Ltmp1, $4  }
0x2d: {  	[hbm4b:s12+s3] =	stream.linear.scatter [tilespmem:s9], [sflag:$0x2], $0xC800, $0x38;
	[tilespmem:$0xCA00] =	vst v63  }
0x2e: {  	_ =	swait.ge [sflag:s7], $0xC800  }
0x2f: {  	[sflag:s7] =	ssyncset.done $0x0  }
0x30: {  	[sflag:s7] =	ssyncadd.s32 $0xFFFF3800  }
0x31: {  	_ =	sfence.sel $0x180000  }
0x32: {  	[bflag:$0x0] =	sbarrier.arrive $0xFFFF  }
0x33: {  	p0 =	sne.s32 s0, $0x0;
	_ =	strace $0x90000053  }
0x34: {  	s0 =	sadd.s32 @!p0 $0x100000, s1;
	[bflag:$0x2] =	sbarrier.arrive $0xFFFF  }
0x35: {  	[sflag:s0] =	ssyncadd.tile.s32 @!p0 $0x1;
	_ =	shalt  }
.Lfunc_end2:
_tile_overlayer_lowered:
.L_overlay_start_2:
0x36: {  	(tag) =	ssettag $0x2  }
0x37: {  	s0 =	rddreg [dreg:$0x0];
	s2 =	stileid.u32  }
0x38: {  	s1 =	rddreg [dreg:$0x1];
	p0 =	sne.s32 s2, $0x0  }
0x39: {  	s3 =	rddreg [dreg:$0x2];
	[bflag:$0x3] =	sbarrier.arrive $0xFFFF;
	s2 =	simm.s32 @!p0 $0x1C02  }
0x3a: {  	[timem:s3], [sflag:s2] =	dma.local @!p0 [hbm:s0], s1  }
0x3b: {  	s0 =	simm.s32 @!p0 $0x2  }
0x3c: {  	_ =	swait.ge @!p0 [sflag:s0], s1  }
0x3d: {  	s1 =	ssub.s32 @!p0 $0x0, s1;
	[sflag:s0] =	ssyncset.done @!p0 $0x0  }
0x3e: {  	[sflag:s0] =	ssyncadd.s32 @!p0 s1  }
0x3f: {  	[bflag:$0x3] =	sbarrier.arrive $0xFFFF  }
0x40: {  	_ =	shalt  }

</sc_bundles>
